<compile_context>
chip_gen: v7x
topology: tpu7x:2x2x1
jax: 0.10.2.dev20260603
libtpu: 0.0.44.dev20260713+nightly
codegen_flags: <defaults>
</compile_context>

<pallas_src>
import functools

import jax
import jax.numpy as jnp
from jax import lax
from jax.experimental import pallas as pl
from jax.experimental.pallas import tpu as pltpu
from jax.experimental.pallas import tpu_sc as plsc

_G0, _G1 = 128, 128
_L = 16
_NW = 32
_PB = 128
_BLK = 2 * _PB
_CB = 100

_OFF0 = 0.001
_OFF1 = -0.001
_SC0 = 128.0
_SC1 = 128.0 / 1.002


def _make_grid_lookup(num_blocks):
  bw = num_blocks // _NW
  steps = bw // _CB

  mesh = plsc.VectorSubcoreMesh(
      core_axis_name="c", subcore_axis_name="s", num_cores=2, num_subcores=16)

  @functools.partial(
      pl.kernel,
      out_type=jax.ShapeDtypeStruct((num_blocks * _PB,), jnp.float32),
      mesh=mesh,
      compiler_params=pltpu.CompilerParams(needs_layout_passes=False),
      scratch_types=[
          pltpu.VMEM((_G0 * _G1,), jnp.float32),
          pltpu.VMEM((2, _CB * _BLK), jnp.float32),
          pltpu.VMEM((2, _CB * _PB), jnp.float32),
          pltpu.SemaphoreType.DMA,
          pltpu.SemaphoreType.DMA,
          pltpu.SemaphoreType.DMA,
          pltpu.SemaphoreType.DMA,
      ],
  )
  def grid_lookup(x_hbm, w_hbm, out_hbm, w_v, in_v, out_v,
                  in_s0, in_s1, out_s0, out_s1):
    wid = lax.axis_index("s") * 2 + lax.axis_index("c")
    fbase = wid * bw * _BLK
    obase = wid * bw * _PB
    in_sems = (in_s0, in_s1)
    out_sems = (out_s0, out_s1)

    def in_src(cur):
      return x_hbm.at[pl.ds(fbase + cur * (_CB * _BLK), _CB * _BLK)]

    def out_dst(cur):
      return out_hbm.at[pl.ds(obase + cur * (_CB * _PB), _CB * _PB)]

    pltpu.async_copy(in_src(0), in_v.at[0], in_sems[0])
    pltpu.async_copy(w_hbm, w_v, out_sems[0])
    pltpu.make_async_copy(w_hbm, w_v, out_sems[0]).wait()

    @pl.loop(0, steps // 2)
    def _pair(s):
      for b in (0, 1):
        cur = s * 2 + b

        @pl.when(cur + 1 < steps)
        def _start_next():
          pltpu.async_copy(in_src(cur + 1), in_v.at[1 - b], in_sems[1 - b])

        pltpu.make_async_copy(in_src(cur), in_v.at[b], in_sems[b]).wait()

        @pl.when(cur >= 2)
        def _wait_prev_out():
          pltpu.make_async_copy(out_v.at[b], out_dst(cur - 2),
                                out_sems[b]).wait()

        @plsc.parallel_loop(0, _CB, unroll=4)
        def _blk(bi):
          for j in range(_PB // _L):
            v0 = in_v[b, pl.ds(bi * _BLK + j * _L, _L)]
            v1 = in_v[b, pl.ds(bi * _BLK + _PB + j * _L, _L)]
            i0 = ((v0 - _OFF0) * _SC0).astype(jnp.int32)
            i1 = ((v1 - _OFF1) * _SC1).astype(jnp.int32)
            widx = i0 * _G1 + i1
            out_v[b, pl.ds(bi * _PB + j * _L, _L)] = plsc.load_gather(
                w_v, [widx])

        pltpu.async_copy(out_v.at[b], out_dst(cur), out_sems[b])

    for cur in range(max(steps - 2, 0), steps):
      b = cur % 2
      pltpu.make_async_copy(out_v.at[b], out_dst(cur), out_sems[b]).wait()

  return grid_lookup


def kernel(input, W):
  b, n, _ = input.shape
  bt = b // _PB
  t = input.reshape(bt, _PB, n, 2).transpose(2, 0, 3, 1)
  flat = t.reshape(n * bt * 2 * _PB)
  out = _make_grid_lookup(n * bt)(flat, W.reshape(_G0 * _G1))
  return out.reshape(n, bt, _PB).transpose(1, 2, 0).reshape(b, n, 1)

# --- scband reference (transcript-rebuilt; emitter-appended) ---
"""Pipeline reference for scband-grid-layer-87737591922775 (READ-ONLY COPY).

The authoritative reference and input builder live on the scoring server;
editing this copy changes nothing except your own understanding.
"""

import jax, jax.numpy as jnp
import numpy as np

GRIDSIZE = (128, 128)
GRID_BNDS = ((0.001, 1.001), (-0.001, 1.001))
B, N = 16384, 200


def setup_inputs(seed: int = 0) -> dict:
    key = jax.random.key(seed)
    k1, k2 = jax.random.split(key)
    # coordinates in [0, 1), matching grid_bnds so computed indices are in range
    x = jax.random.uniform(k1, (B, N, 2), dtype=jnp.float32)
    # gridInit = tf.random_uniform_initializer(1.0, 1.0) -> all ones
    W = jnp.ones(GRIDSIZE, dtype=jnp.float32)
    return {"input": x, "W": W}


def reference(input, W):
    # Faithful translation of GridLayer.call
    dimension_diag = input.shape[2]
    indices = []
    for dim in range(dimension_diag):
        m, M = GRID_BNDS[dim]
        coords = input[:, :, dim]  # tf.slice(..., [0,0,dim], [-1,-1,1]) squeezed
        ids = GRIDSIZE[dim] * (coords - m) / (M - m)
        indices.append(ids.astype(jnp.int32))  # tf.cast(..., int32) truncates toward zero
    # tf.gather_nd(W, indices[B,N,2]) -> W[id0, id1] of shape [B, N]
    gathered = W[indices[0], indices[1]]
    return jnp.expand_dims(gathered, -1)  # [B, N, 1]

if __name__ == "__main__":
    import jax
    _d = setup_inputs()
    print(jax.jit(kernel)(*tuple(_d.values())))

</pallas_src>

<mosaic_0001>
#map = affine_map<(d0, d1) -> (0)>
module attributes {stable_mosaic.version = 14 : i64} {
  func.func @grid_lookup(%arg0: i32, %arg1: i32, %arg2: memref<6553600xf32, #tpu.memory_space<hbm>>, %arg3: memref<16384xf32, #tpu.memory_space<hbm>>, %arg4: memref<3276800xf32, #tpu.memory_space<hbm>>, %arg5: memref<16384xf32, #tpu.memory_space<vmem>>, %arg6: memref<2x25600xf32, #tpu.memory_space<vmem>>, %arg7: memref<2x12800xf32, #tpu.memory_space<vmem>>, %arg8: memref<!tpu.dma_semaphore, #tpu.memory_space<semaphore_mem>>, %arg9: memref<!tpu.dma_semaphore, #tpu.memory_space<semaphore_mem>>, %arg10: memref<!tpu.dma_semaphore, #tpu.memory_space<semaphore_mem>>, %arg11: memref<!tpu.dma_semaphore, #tpu.memory_space<semaphore_mem>>) attributes {dimension_semantics = [#tpu.dimension_semantics<core_parallel>, #tpu.dimension_semantics<subcore_parallel>], iteration_bounds = array<i64: 2, 16>, scalar_prefetch = 0 : i64, scratch_operands = 7 : i64, tpu.core_type = #tpu.core_type<sc_vector_subcore>, window_params = [{transform_indices = #map}, {transform_indices = #map}, {transform_indices = #map}]} {
    %mul3A = arith.constant 2 : i32
    %mul3A_0 = arith.muli %arg1, %mul3A : i32
    %add3A = arith.addi %mul3A_0, %arg0 : i32
    %mul3A_1 = arith.constant 800 : i32
    %mul3A_2 = arith.muli %add3A, %mul3A_1 : i32
    %mul3A_3 = arith.constant 256 : i32
    %mul3A_4 = arith.muli %mul3A_2, %mul3A_3 : i32
    %mul3A_5 = arith.constant 800 : i32
    %mul3A_6 = arith.muli %add3A, %mul3A_5 : i32
    %mul3A_7 = arith.constant 128 : i32
    %mul3A_8 = arith.muli %mul3A_6, %mul3A_7 : i32
    %add3A_9 = arith.constant 0 : i32
    %add3A_10 = arith.addi %mul3A_4, %add3A_9 : i32
    %dma_start3A = arith.constant 0 : i32
    %dma_start3A_11 = arith.constant 0 : i32
    %dma_start3A_12 = tpu.memref_slice %arg6[%dma_start3A, %dma_start3A_11] : memref<2x25600xf32, #tpu.memory_space<vmem>> -> memref<1x25600xf32, #tpu.memory_space<vmem>>
    %dma_start3A_13 = tpu.memref_squeeze %dma_start3A_12 : memref<1x25600xf32, #tpu.memory_space<vmem>> -> memref<25600xf32, #tpu.memory_space<vmem>>
    %dma_start3A_14 = tpu.memref_slice %arg2[%add3A_10] : memref<6553600xf32, #tpu.memory_space<hbm>> -> memref<25600xf32, #tpu.memory_space<hbm>>
    %dma_start3A_15 = arith.constant 0 : i32
    %dma_start3A_16 = tpu.memref_slice %arg6[%dma_start3A, %dma_start3A_15] : memref<2x25600xf32, #tpu.memory_space<vmem>> -> memref<1x25600xf32, #tpu.memory_space<vmem>>
    %dma_start3A_17 = tpu.memref_squeeze %dma_start3A_16 : memref<1x25600xf32, #tpu.memory_space<vmem>> -> memref<25600xf32, #tpu.memory_space<vmem>>
    %dma_start3A_18 = tpu.memref_slice %arg2[%add3A_10] : memref<6553600xf32, #tpu.memory_space<hbm>> -> memref<25600xf32, #tpu.memory_space<hbm>>
    tpu.enqueue_dma source(%dma_start3A_18 : memref<25600xf32, #tpu.memory_space<hbm>>) target(%dma_start3A_17 : memref<25600xf32, #tpu.memory_space<vmem>>) target_semaphore(%arg8 : memref<!tpu.dma_semaphore, #tpu.memory_space<semaphore_mem>>)
    tpu.enqueue_dma source(%arg3 : memref<16384xf32, #tpu.memory_space<hbm>>) target(%arg5 : memref<16384xf32, #tpu.memory_space<vmem>>) target_semaphore(%arg10 : memref<!tpu.dma_semaphore, #tpu.memory_space<semaphore_mem>>)
    tpu.wait_dma2 semaphore(%arg10 : memref<!tpu.dma_semaphore, #tpu.memory_space<semaphore_mem>>) src(%arg3 : memref<16384xf32, #tpu.memory_space<hbm>>) dst(%arg5 : memref<16384xf32, #tpu.memory_space<vmem>>)
    %scan3A = arith.constant 0 : i32
    %scan3A_19 = arith.constant 4 : i32
    %scan3A_20 = arith.addi %scan3A, %scan3A_19 : i32
    %scan3A_21 = arith.constant 1 : i32
    scf.for %scan3A_44 = %scan3A to %scan3A_20 step %scan3A_21  : i32 {
      %mul3A_45 = arith.constant 1 : i32
      %mul3A_46 = arith.muli %scan3A_44, %mul3A_45 : i32
      %add3A_47 = arith.constant 0 : i32
      %add3A_48 = arith.addi %add3A_47, %mul3A_46 : i32
      %mul3A_49 = arith.constant 2 : i32
      %mul3A_50 = arith.muli %add3A_48, %mul3A_49 : i32
      %add3A_51 = arith.constant 0 : i32
      %add3A_52 = arith.addi %mul3A_50, %add3A_51 : i32
      %add3A_53 = arith.constant 1 : i32
      %add3A_54 = arith.addi %add3A_52, %add3A_53 : i32
      %lt3A = arith.constant 8 : i32
      %lt3A_55 = arith.cmpi slt, %add3A_54, %lt3A : i32
      %convert_element_type3A = arith.extui %lt3A_55 : i1 to i32
      %cond3A = arith.constant 0 : i32
      %cond3A_56 = arith.cmpi ne, %convert_element_type3A, %cond3A : i32
      scf.if %cond3A_56 {
        %add3A_130 = arith.constant 1 : i32
        %add3A_131 = arith.addi %add3A_52, %add3A_130 : i32
        %mul3A_132 = arith.constant 25600 : i32
        %mul3A_133 = arith.muli %add3A_131, %mul3A_132 : i32
        %add3A_134 = arith.addi %mul3A_4, %mul3A_133 : i32
        %dma_start3A_135 = arith.constant 1 : i32
        %dma_start3A_136 = arith.constant 0 : i32
        %dma_start3A_137 = tpu.memref_slice %arg6[%dma_start3A_135, %dma_start3A_136] : memref<2x25600xf32, #tpu.memory_space<vmem>> -> memref<1x25600xf32, #tpu.memory_space<vmem>>
        %dma_start3A_138 = tpu.memref_squeeze %dma_start3A_137 : memref<1x25600xf32, #tpu.memory_space<vmem>> -> memref<25600xf32, #tpu.memory_space<vmem>>
        %dma_start3A_139 = tpu.memref_slice %arg2[%add3A_134] : memref<6553600xf32, #tpu.memory_space<hbm>> -> memref<25600xf32, #tpu.memory_space<hbm>>
        %dma_start3A_140 = arith.constant 0 : i32
        %dma_start3A_141 = tpu.memref_slice %arg6[%dma_start3A_135, %dma_start3A_140] : memref<2x25600xf32, #tpu.memory_space<vmem>> -> memref<1x25600xf32, #tpu.memory_space<vmem>>
        %dma_start3A_142 = tpu.memref_squeeze %dma_start3A_141 : memref<1x25600xf32, #tpu.memory_space<vmem>> -> memref<25600xf32, #tpu.memory_space<vmem>>
        %dma_start3A_143 = tpu.memref_slice %arg2[%add3A_134] : memref<6553600xf32, #tpu.memory_space<hbm>> -> memref<25600xf32, #tpu.memory_space<hbm>>
        tpu.enqueue_dma source(%dma_start3A_143 : memref<25600xf32, #tpu.memory_space<hbm>>) target(%dma_start3A_142 : memref<25600xf32, #tpu.memory_space<vmem>>) target_semaphore(%arg9 : memref<!tpu.dma_semaphore, #tpu.memory_space<semaphore_mem>>)
      } else {
      }
      %mul3A_57 = arith.constant 25600 : i32
      %mul3A_58 = arith.muli %add3A_52, %mul3A_57 : i32
      %add3A_59 = arith.addi %mul3A_4, %mul3A_58 : i32
      %dma_wait3A_60 = arith.constant 0 : i32
      %dma_wait3A_61 = arith.constant 0 : i32
      %dma_wait3A_62 = tpu.memref_slice %arg6[%dma_wait3A_60, %dma_wait3A_61] : memref<2x25600xf32, #tpu.memory_space<vmem>> -> memref<1x25600xf32, #tpu.memory_space<vmem>>
      %dma_wait3A_63 = tpu.memref_squeeze %dma_wait3A_62 : memref<1x25600xf32, #tpu.memory_space<vmem>> -> memref<25600xf32, #tpu.memory_space<vmem>>
      %dma_wait3A_64 = tpu.memref_slice %arg2[%add3A_59] : memref<6553600xf32, #tpu.memory_space<hbm>> -> memref<25600xf32, #tpu.memory_space<hbm>>
      %dma_wait3A_65 = arith.constant 0 : i32
      %dma_wait3A_66 = tpu.memref_slice %arg6[%dma_wait3A_60, %dma_wait3A_65] : memref<2x25600xf32, #tpu.memory_space<vmem>> -> memref<1x25600xf32, #tpu.memory_space<vmem>>
      %dma_wait3A_67 = tpu.memref_squeeze %dma_wait3A_66 : memref<1x25600xf32, #tpu.memory_space<vmem>> -> memref<25600xf32, #tpu.memory_space<vmem>>
      %dma_wait3A_68 = tpu.memref_slice %arg2[%add3A_59] : memref<6553600xf32, #tpu.memory_space<hbm>> -> memref<25600xf32, #tpu.memory_space<hbm>>
      tpu.wait_dma2 semaphore(%arg8 : memref<!tpu.dma_semaphore, #tpu.memory_space<semaphore_mem>>) src(%dma_wait3A_68 : memref<25600xf32, #tpu.memory_space<hbm>>) dst(%dma_wait3A_67 : memref<25600xf32, #tpu.memory_space<vmem>>)
      %ge3A = arith.constant 2 : i32
      %ge3A_69 = arith.cmpi sge, %add3A_52, %ge3A : i32
      %convert_element_type3A_70 = arith.extui %ge3A_69 : i1 to i32
      %cond3A_71 = arith.constant 0 : i32
      %cond3A_72 = arith.cmpi ne, %convert_element_type3A_70, %cond3A_71 : i32
      scf.if %cond3A_72 {
        %sub3A = arith.constant 2 : i32
        %sub3A_130 = arith.subi %add3A_52, %sub3A : i32
        %mul3A_131 = arith.constant 12800 : i32
        %mul3A_132 = arith.muli %sub3A_130, %mul3A_131 : i32
        %add3A_133 = arith.addi %mul3A_8, %mul3A_132 : i32
        %dma_wait3A_134 = arith.constant 0 : i32
        %dma_wait3A_135 = arith.constant 0 : i32
        %dma_wait3A_136 = tpu.memref_slice %arg7[%dma_wait3A_134, %dma_wait3A_135] : memref<2x12800xf32, #tpu.memory_space<vmem>> -> memref<1x12800xf32, #tpu.memory_space<vmem>>
        %dma_wait3A_137 = tpu.memref_squeeze %dma_wait3A_136 : memref<1x12800xf32, #tpu.memory_space<vmem>> -> memref<12800xf32, #tpu.memory_space<vmem>>
        %dma_wait3A_138 = tpu.memref_slice %arg4[%add3A_133] : memref<3276800xf32, #tpu.memory_space<hbm>> -> memref<12800xf32, #tpu.memory_space<hbm>>
        %dma_wait3A_139 = tpu.memref_slice %arg4[%add3A_133] : memref<3276800xf32, #tpu.memory_space<hbm>> -> memref<12800xf32, #tpu.memory_space<hbm>>
        %dma_wait3A_140 = arith.constant 0 : i32
        %dma_wait3A_141 = tpu.memref_slice %arg7[%dma_wait3A_134, %dma_wait3A_140] : memref<2x12800xf32, #tpu.memory_space<vmem>> -> memref<1x12800xf32, #tpu.memory_space<vmem>>
        %dma_wait3A_142 = tpu.memref_squeeze %dma_wait3A_141 : memref<1x12800xf32, #tpu.memory_space<vmem>> -> memref<12800xf32, #tpu.memory_space<vmem>>
        tpu.wait_dma2 semaphore(%arg10 : memref<!tpu.dma_semaphore, #tpu.memory_space<semaphore_mem>>) src(%dma_wait3A_142 : memref<12800xf32, #tpu.memory_space<vmem>>) dst(%dma_wait3A_139 : memref<12800xf32, #tpu.memory_space<hbm>>)
      } else {
      }
      %parallel_loop3A = arith.constant 0 : i32
      %parallel_loop3A_73 = arith.constant 100 : i32
      %parallel_loop3A_74 = arith.constant 1 : i32
      scf.for %parallel_loop3A_130 = %parallel_loop3A to %parallel_loop3A_73 step %parallel_loop3A_74  : i32 {
        %parallel_loop3A_131 = arith.constant 256 : i32
        %parallel_loop3A_132 = arith.muli %parallel_loop3A_130, %parallel_loop3A_131 : i32
        %parallel_loop3A_133 = arith.constant 0 : i32
        %parallel_loop3A_134 = arith.addi %parallel_loop3A_132, %parallel_loop3A_133 : i32
        %parallel_loop3A_135 = arith.constant 0 : i32
        %parallel_loop3A_136 = arith.index_cast %parallel_loop3A_135 : i32 to index
        %parallel_loop3A_137 = arith.index_cast %parallel_loop3A_134 : i32 to index
        %parallel_loop3A_138 = tpu.vector_load %arg6[%parallel_loop3A_136, %parallel_loop3A_137] {strides = array<i32>} : memref<2x25600xf32, #tpu.memory_space<vmem>>, vector<16xf32>,
        %parallel_loop3A_139 = arith.constant 256 : i32
        %parallel_loop3A_140 = arith.muli %parallel_loop3A_130, %parallel_loop3A_139 : i32
        %parallel_loop3A_141 = arith.constant 128 : i32
        %parallel_loop3A_142 = arith.addi %parallel_loop3A_140, %parallel_loop3A_141 : i32
        %parallel_loop3A_143 = arith.constant 0 : i32
        %parallel_loop3A_144 = arith.addi %parallel_loop3A_142, %parallel_loop3A_143 : i32
        %parallel_loop3A_145 = arith.constant 0 : i32
        %parallel_loop3A_146 = arith.index_cast %parallel_loop3A_145 : i32 to index
        %parallel_loop3A_147 = arith.index_cast %parallel_loop3A_144 : i32 to index
        %parallel_loop3A_148 = tpu.vector_load %arg6[%parallel_loop3A_146, %parallel_loop3A_147] {strides = array<i32>} : memref<2x25600xf32, #tpu.memory_space<vmem>>, vector<16xf32>,
        %parallel_loop3A_149 = arith.constant 1.000000e-03 : f32
        %parallel_loop3A_150 = vector.broadcast %parallel_loop3A_149 : f32 to vector<16xf32>
        %parallel_loop3A_151 = arith.subf %parallel_loop3A_138, %parallel_loop3A_150 : vector<16xf32>
        %parallel_loop3A_152 = arith.constant 1.280000e+02 : f32
        %parallel_loop3A_153 = vector.broadcast %parallel_loop3A_152 : f32 to vector<16xf32>
        %parallel_loop3A_154 = arith.mulf %parallel_loop3A_151, %parallel_loop3A_153 : vector<16xf32>
        %parallel_loop3A_155 = arith.fptosi %parallel_loop3A_154 : vector<16xf32> to vector<16xi32>
        %parallel_loop3A_156 = arith.constant -1.000000e-03 : f32
        %parallel_loop3A_157 = vector.broadcast %parallel_loop3A_156 : f32 to vector<16xf32>
        %parallel_loop3A_158 = arith.subf %parallel_loop3A_148, %parallel_loop3A_157 : vector<16xf32>
        %parallel_loop3A_159 = arith.constant 127.744514 : f32
        %parallel_loop3A_160 = vector.broadcast %parallel_loop3A_159 : f32 to vector<16xf32>
        %parallel_loop3A_161 = arith.mulf %parallel_loop3A_158, %parallel_loop3A_160 : vector<16xf32>
        %parallel_loop3A_162 = arith.fptosi %parallel_loop3A_161 : vector<16xf32> to vector<16xi32>
        %parallel_loop3A_163 = arith.constant 128 : i32
        %parallel_loop3A_164 = vector.broadcast %parallel_loop3A_163 : i32 to vector<16xi32>
        %parallel_loop3A_165 = arith.muli %parallel_loop3A_155, %parallel_loop3A_164 : vector<16xi32>
        %parallel_loop3A_166 = arith.addi %parallel_loop3A_165, %parallel_loop3A_162 : vector<16xi32>
        %parallel_loop3A_167 = tpu.vector_load_idx %arg5[%parallel_loop3A_166] : memref<16384xf32, #tpu.memory_space<vmem>>[vector<16xi32>], vector<16xf32>,
        %parallel_loop3A_168 = arith.constant 128 : i32
        %parallel_loop3A_169 = arith.muli %parallel_loop3A_130, %parallel_loop3A_168 : i32
        %parallel_loop3A_170 = arith.constant 0 : i32
        %parallel_loop3A_171 = arith.addi %parallel_loop3A_169, %parallel_loop3A_170 : i32
        %parallel_loop3A_172 = arith.constant 0 : i32
        %parallel_loop3A_173 = arith.index_cast %parallel_loop3A_172 : i32 to index
        %parallel_loop3A_174 = arith.index_cast %parallel_loop3A_171 : i32 to index
        %parallel_loop3A_175 = tpu.vector_load %arg7[%parallel_loop3A_173, %parallel_loop3A_174] {strides = array<i32>} : memref<2x12800xf32, #tpu.memory_space<vmem>>, vector<16xf32>,
        tpu.vector_store %arg7[%parallel_loop3A_173, %parallel_loop3A_174], %parallel_loop3A_167 {strides = array<i32>} : memref<2x12800xf32, #tpu.memory_space<vmem>>, vector<16xf32>,
        %parallel_loop3A_176 = arith.constant 256 : i32
        %parallel_loop3A_177 = arith.muli %parallel_loop3A_130, %parallel_loop3A_176 : i32
        %parallel_loop3A_178 = arith.constant 16 : i32
        %parallel_loop3A_179 = arith.addi %parallel_loop3A_177, %parallel_loop3A_178 : i32
        %parallel_loop3A_180 = arith.constant 0 : i32
        %parallel_loop3A_181 = arith.index_cast %parallel_loop3A_180 : i32 to index
        %parallel_loop3A_182 = arith.index_cast %parallel_loop3A_179 : i32 to index
        %parallel_loop3A_183 = tpu.vector_load %arg6[%parallel_loop3A_181, %parallel_loop3A_182] {strides = array<i32>} : memref<2x25600xf32, #tpu.memory_space<vmem>>, vector<16xf32>,
        %parallel_loop3A_184 = arith.constant 256 : i32
        %parallel_loop3A_185 = arith.muli %parallel_loop3A_130, %parallel_loop3A_184 : i32
        %parallel_loop3A_186 = arith.constant 128 : i32
        %parallel_loop3A_187 = arith.addi %parallel_loop3A_185, %parallel_loop3A_186 : i32
        %parallel_loop3A_188 = arith.constant 16 : i32
        %parallel_loop3A_189 = arith.addi %parallel_loop3A_187, %parallel_loop3A_188 : i32
        %parallel_loop3A_190 = arith.constant 0 : i32
        %parallel_loop3A_191 = arith.index_cast %parallel_loop3A_190 : i32 to index
        %parallel_loop3A_192 = arith.index_cast %parallel_loop3A_189 : i32 to index
        %parallel_loop3A_193 = tpu.vector_load %arg6[%parallel_loop3A_191, %parallel_loop3A_192] {strides = array<i32>} : memref<2x25600xf32, #tpu.memory_space<vmem>>, vector<16xf32>,
        %parallel_loop3A_194 = arith.constant 1.000000e-03 : f32
        %parallel_loop3A_195 = vector.broadcast %parallel_loop3A_194 : f32 to vector<16xf32>
        %parallel_loop3A_196 = arith.subf %parallel_loop3A_183, %parallel_loop3A_195 : vector<16xf32>
        %parallel_loop3A_197 = arith.constant 1.280000e+02 : f32
        %parallel_loop3A_198 = vector.broadcast %parallel_loop3A_197 : f32 to vector<16xf32>
        %parallel_loop3A_199 = arith.mulf %parallel_loop3A_196, %parallel_loop3A_198 : vector<16xf32>
        %parallel_loop3A_200 = arith.fptosi %parallel_loop3A_199 : vector<16xf32> to vector<16xi32>
        %parallel_loop3A_201 = arith.constant -1.000000e-03 : f32
        %parallel_loop3A_202 = vector.broadcast %parallel_loop3A_201 : f32 to vector<16xf32>
        %parallel_loop3A_203 = arith.subf %parallel_loop3A_193, %parallel_loop3A_202 : vector<16xf32>
        %parallel_loop3A_204 = arith.constant 127.744514 : f32
        %parallel_loop3A_205 = vector.broadcast %parallel_loop3A_204 : f32 to vector<16xf32>
        %parallel_loop3A_206 = arith.mulf %parallel_loop3A_203, %parallel_loop3A_205 : vector<16xf32>
        %parallel_loop3A_207 = arith.fptosi %parallel_loop3A_206 : vector<16xf32> to vector<16xi32>
        %parallel_loop3A_208 = arith.constant 128 : i32
        %parallel_loop3A_209 = vector.broadcast %parallel_loop3A_208 : i32 to vector<16xi32>
        %parallel_loop3A_210 = arith.muli %parallel_loop3A_200, %parallel_loop3A_209 : vector<16xi32>
        %parallel_loop3A_211 = arith.addi %parallel_loop3A_210, %parallel_loop3A_207 : vector<16xi32>
        %parallel_loop3A_212 = tpu.vector_load_idx %arg5[%parallel_loop3A_211] : memref<16384xf32, #tpu.memory_space<vmem>>[vector<16xi32>], vector<16xf32>,
        %parallel_loop3A_213 = arith.constant 128 : i32
        %parallel_loop3A_214 = arith.muli %parallel_loop3A_130, %parallel_loop3A_213 : i32
        %parallel_loop3A_215 = arith.constant 16 : i32
        %parallel_loop3A_216 = arith.addi %parallel_loop3A_214, %parallel_loop3A_215 : i32
        %parallel_loop3A_217 = arith.constant 0 : i32
        %parallel_loop3A_218 = arith.index_cast %parallel_loop3A_217 : i32 to index
        %parallel_loop3A_219 = arith.index_cast %parallel_loop3A_216 : i32 to index
        %parallel_loop3A_220 = tpu.vector_load %arg7[%parallel_loop3A_218, %parallel_loop3A_219] {strides = array<i32>} : memref<2x12800xf32, #tpu.memory_space<vmem>>, vector<16xf32>,
        tpu.vector_store %arg7[%parallel_loop3A_218, %parallel_loop3A_219], %parallel_loop3A_212 {strides = array<i32>} : memref<2x12800xf32, #tpu.memory_space<vmem>>, vector<16xf32>,
        %parallel_loop3A_221 = arith.constant 256 : i32
        %parallel_loop3A_222 = arith.muli %parallel_loop3A_130, %parallel_loop3A_221 : i32
        %parallel_loop3A_223 = arith.constant 32 : i32
        %parallel_loop3A_224 = arith.addi %parallel_loop3A_222, %parallel_loop3A_223 : i32
        %parallel_loop3A_225 = arith.constant 0 : i32
        %parallel_loop3A_226 = arith.index_cast %parallel_loop3A_225 : i32 to index
        %parallel_loop3A_227 = arith.index_cast %parallel_loop3A_224 : i32 to index
        %parallel_loop3A_228 = tpu.vector_load %arg6[%parallel_loop3A_226, %parallel_loop3A_227] {strides = array<i32>} : memref<2x25600xf32, #tpu.memory_space<vmem>>, vector<16xf32>,
        %parallel_loop3A_229 = arith.constant 256 : i32
        %parallel_loop3A_230 = arith.muli %parallel_loop3A_130, %parallel_loop3A_229 : i32
        %parallel_loop3A_231 = arith.constant 128 : i32
        %parallel_loop3A_232 = arith.addi %parallel_loop3A_230, %parallel_loop3A_231 : i32
        %parallel_loop3A_233 = arith.constant 32 : i32
        %parallel_loop3A_234 = arith.addi %parallel_loop3A_232, %parallel_loop3A_233 : i32
        %parallel_loop3A_235 = arith.constant 0 : i32
        %parallel_loop3A_236 = arith.index_cast %parallel_loop3A_235 : i32 to index
        %parallel_loop3A_237 = arith.index_cast %parallel_loop3A_234 : i32 to index
        %parallel_loop3A_238 = tpu.vector_load %arg6[%parallel_loop3A_236, %parallel_loop3A_237] {strides = array<i32>} : memref<2x25600xf32, #tpu.memory_space<vmem>>, vector<16xf32>,
        %parallel_loop3A_239 = arith.constant 1.000000e-03 : f32
        %parallel_loop3A_240 = vector.broadcast %parallel_loop3A_239 : f32 to vector<16xf32>
        %parallel_loop3A_241 = arith.subf %parallel_loop3A_228, %parallel_loop3A_240 : vector<16xf32>
        %parallel_loop3A_242 = arith.constant 1.280000e+02 : f32
        %parallel_loop3A_243 = vector.broadcast %parallel_loop3A_242 : f32 to vector<16xf32>
        %parallel_loop3A_244 = arith.mulf %parallel_loop3A_241, %parallel_loop3A_243 : vector<16xf32>
        %parallel_loop3A_245 = arith.fptosi %parallel_loop3A_244 : vector<16xf32> to vector<16xi32>
        %parallel_loop3A_246 = arith.constant -1.000000e-03 : f32
        %parallel_loop3A_247 = vector.broadcast %parallel_loop3A_246 : f32 to vector<16xf32>
        %parallel_loop3A_248 = arith.subf %parallel_loop3A_238, %parallel_loop3A_247 : vector<16xf32>
        %parallel_loop3A_249 = arith.constant 127.744514 : f32
        %parallel_loop3A_250 = vector.broadcast %parallel_loop3A_249 : f32 to vector<16xf32>
        %parallel_loop3A_251 = arith.mulf %parallel_loop3A_248, %parallel_loop3A_250 : vector<16xf32>
        %parallel_loop3A_252 = arith.fptosi %parallel_loop3A_251 : vector<16xf32> to vector<16xi32>
        %parallel_loop3A_253 = arith.constant 128 : i32
        %parallel_loop3A_254 = vector.broadcast %parallel_loop3A_253 : i32 to vector<16xi32>
        %parallel_loop3A_255 = arith.muli %parallel_loop3A_245, %parallel_loop3A_254 : vector<16xi32>
        %parallel_loop3A_256 = arith.addi %parallel_loop3A_255, %parallel_loop3A_252 : vector<16xi32>
        %parallel_loop3A_257 = tpu.vector_load_idx %arg5[%parallel_loop3A_256] : memref<16384xf32, #tpu.memory_space<vmem>>[vector<16xi32>], vector<16xf32>,
        %parallel_loop3A_258 = arith.constant 128 : i32
        %parallel_loop3A_259 = arith.muli %parallel_loop3A_130, %parallel_loop3A_258 : i32
        %parallel_loop3A_260 = arith.constant 32 : i32
        %parallel_loop3A_261 = arith.addi %parallel_loop3A_259, %parallel_loop3A_260 : i32
        %parallel_loop3A_262 = arith.constant 0 : i32
        %parallel_loop3A_263 = arith.index_cast %parallel_loop3A_262 : i32 to index
        %parallel_loop3A_264 = arith.index_cast %parallel_loop3A_261 : i32 to index
        %parallel_loop3A_265 = tpu.vector_load %arg7[%parallel_loop3A_263, %parallel_loop3A_264] {strides = array<i32>} : memref<2x12800xf32, #tpu.memory_space<vmem>>, vector<16xf32>,
        tpu.vector_store %arg7[%parallel_loop3A_263, %parallel_loop3A_264], %parallel_loop3A_257 {strides = array<i32>} : memref<2x12800xf32, #tpu.memory_space<vmem>>, vector<16xf32>,
        %parallel_loop3A_266 = arith.constant 256 : i32
        %parallel_loop3A_267 = arith.muli %parallel_loop3A_130, %parallel_loop3A_266 : i32
        %parallel_loop3A_268 = arith.constant 48 : i32
        %parallel_loop3A_269 = arith.addi %parallel_loop3A_267, %parallel_loop3A_268 : i32
        %parallel_loop3A_270 = arith.constant 0 : i32
        %parallel_loop3A_271 = arith.index_cast %parallel_loop3A_270 : i32 to index
        %parallel_loop3A_272 = arith.index_cast %parallel_loop3A_269 : i32 to index
        %parallel_loop3A_273 = tpu.vector_load %arg6[%parallel_loop3A_271, %parallel_loop3A_272] {strides = array<i32>} : memref<2x25600xf32, #tpu.memory_space<vmem>>, vector<16xf32>,
        %parallel_loop3A_274 = arith.constant 256 : i32
        %parallel_loop3A_275 = arith.muli %parallel_loop3A_130, %parallel_loop3A_274 : i32
        %parallel_loop3A_276 = arith.constant 128 : i32
        %parallel_loop3A_277 = arith.addi %parallel_loop3A_275, %parallel_loop3A_276 : i32
        %parallel_loop3A_278 = arith.constant 48 : i32
        %parallel_loop3A_279 = arith.addi %parallel_loop3A_277, %parallel_loop3A_278 : i32
        %parallel_loop3A_280 = arith.constant 0 : i32
        %parallel_loop3A_281 = arith.index_cast %parallel_loop3A_280 : i32 to index
        %parallel_loop3A_282 = arith.index_cast %parallel_loop3A_279 : i32 to index
        %parallel_loop3A_283 = tpu.vector_load %arg6[%parallel_loop3A_281, %parallel_loop3A_282] {strides = array<i32>} : memref<2x25600xf32, #tpu.memory_space<vmem>>, vector<16xf32>,
        %parallel_loop3A_284 = arith.constant 1.000000e-03 : f32
        %parallel_loop3A_285 = vector.broadcast %parallel_loop3A_284 : f32 to vector<16xf32>
        %parallel_loop3A_286 = arith.subf %parallel_loop3A_273, %parallel_loop3A_285 : vector<16xf32>
        %parallel_loop3A_287 = arith.constant 1.280000e+02 : f32
        %parallel_loop3A_288 = vector.broadcast %parallel_loop3A_287 : f32 to vector<16xf32>
        %parallel_loop3A_289 = arith.mulf %parallel_loop3A_286, %parallel_loop3A_288 : vector<16xf32>
        %parallel_loop3A_290 = arith.fptosi %parallel_loop3A_289 : vector<16xf32> to vector<16xi32>
        %parallel_loop3A_291 = arith.constant -1.000000e-03 : f32
        %parallel_loop3A_292 = vector.broadcast %parallel_loop3A_291 : f32 to vector<16xf32>
        %parallel_loop3A_293 = arith.subf %parallel_loop3A_283, %parallel_loop3A_292 : vector<16xf32>
        %parallel_loop3A_294 = arith.constant 127.744514 : f32
        %parallel_loop3A_295 = vector.broadcast %parallel_loop3A_294 : f32 to vector<16xf32>
        %parallel_loop3A_296 = arith.mulf %parallel_loop3A_293, %parallel_loop3A_295 : vector<16xf32>
        %parallel_loop3A_297 = arith.fptosi %parallel_loop3A_296 : vector<16xf32> to vector<16xi32>
        %parallel_loop3A_298 = arith.constant 128 : i32
        %parallel_loop3A_299 = vector.broadcast %parallel_loop3A_298 : i32 to vector<16xi32>
        %parallel_loop3A_300 = arith.muli %parallel_loop3A_290, %parallel_loop3A_299 : vector<16xi32>
        %parallel_loop3A_301 = arith.addi %parallel_loop3A_300, %parallel_loop3A_297 : vector<16xi32>
        %parallel_loop3A_302 = tpu.vector_load_idx %arg5[%parallel_loop3A_301] : memref<16384xf32, #tpu.memory_space<vmem>>[vector<16xi32>], vector<16xf32>,
        %parallel_loop3A_303 = arith.constant 128 : i32
        %parallel_loop3A_304 = arith.muli %parallel_loop3A_130, %parallel_loop3A_303 : i32
        %parallel_loop3A_305 = arith.constant 48 : i32
        %parallel_loop3A_306 = arith.addi %parallel_loop3A_304, %parallel_loop3A_305 : i32
        %parallel_loop3A_307 = arith.constant 0 : i32
        %parallel_loop3A_308 = arith.index_cast %parallel_loop3A_307 : i32 to index
        %parallel_loop3A_309 = arith.index_cast %parallel_loop3A_306 : i32 to index
        %parallel_loop3A_310 = tpu.vector_load %arg7[%parallel_loop3A_308, %parallel_loop3A_309] {strides = array<i32>} : memref<2x12800xf32, #tpu.memory_space<vmem>>, vector<16xf32>,
        tpu.vector_store %arg7[%parallel_loop3A_308, %parallel_loop3A_309], %parallel_loop3A_302 {strides = array<i32>} : memref<2x12800xf32, #tpu.memory_space<vmem>>, vector<16xf32>,
        %parallel_loop3A_311 = arith.constant 256 : i32
        %parallel_loop3A_312 = arith.muli %parallel_loop3A_130, %parallel_loop3A_311 : i32
        %parallel_loop3A_313 = arith.constant 64 : i32
        %parallel_loop3A_314 = arith.addi %parallel_loop3A_312, %parallel_loop3A_313 : i32
        %parallel_loop3A_315 = arith.constant 0 : i32
        %parallel_loop3A_316 = arith.index_cast %parallel_loop3A_315 : i32 to index
        %parallel_loop3A_317 = arith.index_cast %parallel_loop3A_314 : i32 to index
        %parallel_loop3A_318 = tpu.vector_load %arg6[%parallel_loop3A_316, %parallel_loop3A_317] {strides = array<i32>} : memref<2x25600xf32, #tpu.memory_space<vmem>>, vector<16xf32>,
        %parallel_loop3A_319 = arith.constant 256 : i32
        %parallel_loop3A_320 = arith.muli %parallel_loop3A_130, %parallel_loop3A_319 : i32
        %parallel_loop3A_321 = arith.constant 128 : i32
        %parallel_loop3A_322 = arith.addi %parallel_loop3A_320, %parallel_loop3A_321 : i32
        %parallel_loop3A_323 = arith.constant 64 : i32
        %parallel_loop3A_324 = arith.addi %parallel_loop3A_322, %parallel_loop3A_323 : i32
        %parallel_loop3A_325 = arith.constant 0 : i32
        %parallel_loop3A_326 = arith.index_cast %parallel_loop3A_325 : i32 to index
        %parallel_loop3A_327 = arith.index_cast %parallel_loop3A_324 : i32 to index
        %parallel_loop3A_328 = tpu.vector_load %arg6[%parallel_loop3A_326, %parallel_loop3A_327] {strides = array<i32>} : memref<2x25600xf32, #tpu.memory_space<vmem>>, vector<16xf32>,
        %parallel_loop3A_329 = arith.constant 1.000000e-03 : f32
        %parallel_loop3A_330 = vector.broadcast %parallel_loop3A_329 : f32 to vector<16xf32>
        %parallel_loop3A_331 = arith.subf %parallel_loop3A_318, %parallel_loop3A_330 : vector<16xf32>
        %parallel_loop3A_332 = arith.constant 1.280000e+02 : f32
        %parallel_loop3A_333 = vector.broadcast %parallel_loop3A_332 : f32 to vector<16xf32>
        %parallel_loop3A_334 = arith.mulf %parallel_loop3A_331, %parallel_loop3A_333 : vector<16xf32>
        %parallel_loop3A_335 = arith.fptosi %parallel_loop3A_334 : vector<16xf32> to vector<16xi32>
        %parallel_loop3A_336 = arith.constant -1.000000e-03 : f32
        %parallel_loop3A_337 = vector.broadcast %parallel_loop3A_336 : f32 to vector<16xf32>
        %parallel_loop3A_338 = arith.subf %parallel_loop3A_328, %parallel_loop3A_337 : vector<16xf32>
        %parallel_loop3A_339 = arith.constant 127.744514 : f32
        %parallel_loop3A_340 = vector.broadcast %parallel_loop3A_339 : f32 to vector<16xf32>
        %parallel_loop3A_341 = arith.mulf %parallel_loop3A_338, %parallel_loop3A_340 : vector<16xf32>
        %parallel_loop3A_342 = arith.fptosi %parallel_loop3A_341 : vector<16xf32> to vector<16xi32>
        %parallel_loop3A_343 = arith.constant 128 : i32
        %parallel_loop3A_344 = vector.broadcast %parallel_loop3A_343 : i32 to vector<16xi32>
        %parallel_loop3A_345 = arith.muli %parallel_loop3A_335, %parallel_loop3A_344 : vector<16xi32>
        %parallel_loop3A_346 = arith.addi %parallel_loop3A_345, %parallel_loop3A_342 : vector<16xi32>
        %parallel_loop3A_347 = tpu.vector_load_idx %arg5[%parallel_loop3A_346] : memref<16384xf32, #tpu.memory_space<vmem>>[vector<16xi32>], vector<16xf32>,
        %parallel_loop3A_348 = arith.constant 128 : i32
        %parallel_loop3A_349 = arith.muli %parallel_loop3A_130, %parallel_loop3A_348 : i32
        %parallel_loop3A_350 = arith.constant 64 : i32
        %parallel_loop3A_351 = arith.addi %parallel_loop3A_349, %parallel_loop3A_350 : i32
        %parallel_loop3A_352 = arith.constant 0 : i32
        %parallel_loop3A_353 = arith.index_cast %parallel_loop3A_352 : i32 to index
        %parallel_loop3A_354 = arith.index_cast %parallel_loop3A_351 : i32 to index
        %parallel_loop3A_355 = tpu.vector_load %arg7[%parallel_loop3A_353, %parallel_loop3A_354] {strides = array<i32>} : memref<2x12800xf32, #tpu.memory_space<vmem>>, vector<16xf32>,
        tpu.vector_store %arg7[%parallel_loop3A_353, %parallel_loop3A_354], %parallel_loop3A_347 {strides = array<i32>} : memref<2x12800xf32, #tpu.memory_space<vmem>>, vector<16xf32>,
        %parallel_loop3A_356 = arith.constant 256 : i32
        %parallel_loop3A_357 = arith.muli %parallel_loop3A_130, %parallel_loop3A_356 : i32
        %parallel_loop3A_358 = arith.constant 80 : i32
        %parallel_loop3A_359 = arith.addi %parallel_loop3A_357, %parallel_loop3A_358 : i32
        %parallel_loop3A_360 = arith.constant 0 : i32
        %parallel_loop3A_361 = arith.index_cast %parallel_loop3A_360 : i32 to index
        %parallel_loop3A_362 = arith.index_cast %parallel_loop3A_359 : i32 to index
        %parallel_loop3A_363 = tpu.vector_load %arg6[%parallel_loop3A_361, %parallel_loop3A_362] {strides = array<i32>} : memref<2x25600xf32, #tpu.memory_space<vmem>>, vector<16xf32>,
        %parallel_loop3A_364 = arith.constant 256 : i32
        %parallel_loop3A_365 = arith.muli %parallel_loop3A_130, %parallel_loop3A_364 : i32
        %parallel_loop3A_366 = arith.constant 128 : i32
        %parallel_loop3A_367 = arith.addi %parallel_loop3A_365, %parallel_loop3A_366 : i32
        %parallel_loop3A_368 = arith.constant 80 : i32
        %parallel_loop3A_369 = arith.addi %parallel_loop3A_367, %parallel_loop3A_368 : i32
        %parallel_loop3A_370 = arith.constant 0 : i32
        %parallel_loop3A_371 = arith.index_cast %parallel_loop3A_370 : i32 to index
        %parallel_loop3A_372 = arith.index_cast %parallel_loop3A_369 : i32 to index
        %parallel_loop3A_373 = tpu.vector_load %arg6[%parallel_loop3A_371, %parallel_loop3A_372] {strides = array<i32>} : memref<2x25600xf32, #tpu.memory_space<vmem>>, vector<16xf32>,
        %parallel_loop3A_374 = arith.constant 1.000000e-03 : f32
        %parallel_loop3A_375 = vector.broadcast %parallel_loop3A_374 : f32 to vector<16xf32>
        %parallel_loop3A_376 = arith.subf %parallel_loop3A_363, %parallel_loop3A_375 : vector<16xf32>
        %parallel_loop3A_377 = arith.constant 1.280000e+02 : f32
        %parallel_loop3A_378 = vector.broadcast %parallel_loop3A_377 : f32 to vector<16xf32>
        %parallel_loop3A_379 = arith.mulf %parallel_loop3A_376, %parallel_loop3A_378 : vector<16xf32>
        %parallel_loop3A_380 = arith.fptosi %parallel_loop3A_379 : vector<16xf32> to vector<16xi32>
        %parallel_loop3A_381 = arith.constant -1.000000e-03 : f32
        %parallel_loop3A_382 = vector.broadcast %parallel_loop3A_381 : f32 to vector<16xf32>
        %parallel_loop3A_383 = arith.subf %parallel_loop3A_373, %parallel_loop3A_382 : vector<16xf32>
        %parallel_loop3A_384 = arith.constant 127.744514 : f32
        %parallel_loop3A_385 = vector.broadcast %parallel_loop3A_384 : f32 to vector<16xf32>
        %parallel_loop3A_386 = arith.mulf %parallel_loop3A_383, %parallel_loop3A_385 : vector<16xf32>
        %parallel_loop3A_387 = arith.fptosi %parallel_loop3A_386 : vector<16xf32> to vector<16xi32>
        %parallel_loop3A_388 = arith.constant 128 : i32
        %parallel_loop3A_389 = vector.broadcast %parallel_loop3A_388 : i32 to vector<16xi32>
        %parallel_loop3A_390 = arith.muli %parallel_loop3A_380, %parallel_loop3A_389 : vector<16xi32>
        %parallel_loop3A_391 = arith.addi %parallel_loop3A_390, %parallel_loop3A_387 : vector<16xi32>
        %parallel_loop3A_392 = tpu.vector_load_idx %arg5[%parallel_loop3A_391] : memref<16384xf32, #tpu.memory_space<vmem>>[vector<16xi32>], vector<16xf32>,
        %parallel_loop3A_393 = arith.constant 128 : i32
        %parallel_loop3A_394 = arith.muli %parallel_loop3A_130, %parallel_loop3A_393 : i32
        %parallel_loop3A_395 = arith.constant 80 : i32
        %parallel_loop3A_396 = arith.addi %parallel_loop3A_394, %parallel_loop3A_395 : i32
        %parallel_loop3A_397 = arith.constant 0 : i32
        %parallel_loop3A_398 = arith.index_cast %parallel_loop3A_397 : i32 to index
        %parallel_loop3A_399 = arith.index_cast %parallel_loop3A_396 : i32 to index
        %parallel_loop3A_400 = tpu.vector_load %arg7[%parallel_loop3A_398, %parallel_loop3A_399] {strides = array<i32>} : memref<2x12800xf32, #tpu.memory_space<vmem>>, vector<16xf32>,
        tpu.vector_store %arg7[%parallel_loop3A_398, %parallel_loop3A_399], %parallel_loop3A_392 {strides = array<i32>} : memref<2x12800xf32, #tpu.memory_space<vmem>>, vector<16xf32>,
        %parallel_loop3A_401 = arith.constant 256 : i32
        %parallel_loop3A_402 = arith.muli %parallel_loop3A_130, %parallel_loop3A_401 : i32
        %parallel_loop3A_403 = arith.constant 96 : i32
        %parallel_loop3A_404 = arith.addi %parallel_loop3A_402, %parallel_loop3A_403 : i32
        %parallel_loop3A_405 = arith.constant 0 : i32
        %parallel_loop3A_406 = arith.index_cast %parallel_loop3A_405 : i32 to index
        %parallel_loop3A_407 = arith.index_cast %parallel_loop3A_404 : i32 to index
        %parallel_loop3A_408 = tpu.vector_load %arg6[%parallel_loop3A_406, %parallel_loop3A_407] {strides = array<i32>} : memref<2x25600xf32, #tpu.memory_space<vmem>>, vector<16xf32>,
        %parallel_loop3A_409 = arith.constant 256 : i32
        %parallel_loop3A_410 = arith.muli %parallel_loop3A_130, %parallel_loop3A_409 : i32
        %parallel_loop3A_411 = arith.constant 128 : i32
        %parallel_loop3A_412 = arith.addi %parallel_loop3A_410, %parallel_loop3A_411 : i32
        %parallel_loop3A_413 = arith.constant 96 : i32
        %parallel_loop3A_414 = arith.addi %parallel_loop3A_412, %parallel_loop3A_413 : i32
        %parallel_loop3A_415 = arith.constant 0 : i32
        %parallel_loop3A_416 = arith.index_cast %parallel_loop3A_415 : i32 to index
        %parallel_loop3A_417 = arith.index_cast %parallel_loop3A_414 : i32 to index
        %parallel_loop3A_418 = tpu.vector_load %arg6[%parallel_loop3A_416, %parallel_loop3A_417] {strides = array<i32>} : memref<2x25600xf32, #tpu.memory_space<vmem>>, vector<16xf32>,
        %parallel_loop3A_419 = arith.constant 1.000000e-03 : f32
        %parallel_loop3A_420 = vector.broadcast %parallel_loop3A_419 : f32 to vector<16xf32>
        %parallel_loop3A_421 = arith.subf %parallel_loop3A_408, %parallel_loop3A_420 : vector<16xf32>
        %parallel_loop3A_422 = arith.constant 1.280000e+02 : f32
        %parallel_loop3A_423 = vector.broadcast %parallel_loop3A_422 : f32 to vector<16xf32>
        %parallel_loop3A_424 = arith.mulf %parallel_loop3A_421, %parallel_loop3A_423 : vector<16xf32>
        %parallel_loop3A_425 = arith.fptosi %parallel_loop3A_424 : vector<16xf32> to vector<16xi32>
        %parallel_loop3A_426 = arith.constant -1.000000e-03 : f32
        %parallel_loop3A_427 = vector.broadcast %parallel_loop3A_426 : f32 to vector<16xf32>
        %parallel_loop3A_428 = arith.subf %parallel_loop3A_418, %parallel_loop3A_427 : vector<16xf32>
        %parallel_loop3A_429 = arith.constant 127.744514 : f32
        %parallel_loop3A_430 = vector.broadcast %parallel_loop3A_429 : f32 to vector<16xf32>
        %parallel_loop3A_431 = arith.mulf %parallel_loop3A_428, %parallel_loop3A_430 : vector<16xf32>
        %parallel_loop3A_432 = arith.fptosi %parallel_loop3A_431 : vector<16xf32> to vector<16xi32>
        %parallel_loop3A_433 = arith.constant 128 : i32
        %parallel_loop3A_434 = vector.broadcast %parallel_loop3A_433 : i32 to vector<16xi32>
        %parallel_loop3A_435 = arith.muli %parallel_loop3A_425, %parallel_loop3A_434 : vector<16xi32>
        %parallel_loop3A_436 = arith.addi %parallel_loop3A_435, %parallel_loop3A_432 : vector<16xi32>
        %parallel_loop3A_437 = tpu.vector_load_idx %arg5[%parallel_loop3A_436] : memref<16384xf32, #tpu.memory_space<vmem>>[vector<16xi32>], vector<16xf32>,
        %parallel_loop3A_438 = arith.constant 128 : i32
        %parallel_loop3A_439 = arith.muli %parallel_loop3A_130, %parallel_loop3A_438 : i32
        %parallel_loop3A_440 = arith.constant 96 : i32
        %parallel_loop3A_441 = arith.addi %parallel_loop3A_439, %parallel_loop3A_440 : i32
        %parallel_loop3A_442 = arith.constant 0 : i32
        %parallel_loop3A_443 = arith.index_cast %parallel_loop3A_442 : i32 to index
        %parallel_loop3A_444 = arith.index_cast %parallel_loop3A_441 : i32 to index
        %parallel_loop3A_445 = tpu.vector_load %arg7[%parallel_loop3A_443, %parallel_loop3A_444] {strides = array<i32>} : memref<2x12800xf32, #tpu.memory_space<vmem>>, vector<16xf32>,
        tpu.vector_store %arg7[%parallel_loop3A_443, %parallel_loop3A_444], %parallel_loop3A_437 {strides = array<i32>} : memref<2x12800xf32, #tpu.memory_space<vmem>>, vector<16xf32>,
        %parallel_loop3A_446 = arith.constant 256 : i32
        %parallel_loop3A_447 = arith.muli %parallel_loop3A_130, %parallel_loop3A_446 : i32
        %parallel_loop3A_448 = arith.constant 112 : i32
        %parallel_loop3A_449 = arith.addi %parallel_loop3A_447, %parallel_loop3A_448 : i32
        %parallel_loop3A_450 = arith.constant 0 : i32
        %parallel_loop3A_451 = arith.index_cast %parallel_loop3A_450 : i32 to index
        %parallel_loop3A_452 = arith.index_cast %parallel_loop3A_449 : i32 to index
        %parallel_loop3A_453 = tpu.vector_load %arg6[%parallel_loop3A_451, %parallel_loop3A_452] {strides = array<i32>} : memref<2x25600xf32, #tpu.memory_space<vmem>>, vector<16xf32>,
        %parallel_loop3A_454 = arith.constant 256 : i32
        %parallel_loop3A_455 = arith.muli %parallel_loop3A_130, %parallel_loop3A_454 : i32
        %parallel_loop3A_456 = arith.constant 128 : i32
        %parallel_loop3A_457 = arith.addi %parallel_loop3A_455, %parallel_loop3A_456 : i32
        %parallel_loop3A_458 = arith.constant 112 : i32
        %parallel_loop3A_459 = arith.addi %parallel_loop3A_457, %parallel_loop3A_458 : i32
        %parallel_loop3A_460 = arith.constant 0 : i32
        %parallel_loop3A_461 = arith.index_cast %parallel_loop3A_460 : i32 to index
        %parallel_loop3A_462 = arith.index_cast %parallel_loop3A_459 : i32 to index
        %parallel_loop3A_463 = tpu.vector_load %arg6[%parallel_loop3A_461, %parallel_loop3A_462] {strides = array<i32>} : memref<2x25600xf32, #tpu.memory_space<vmem>>, vector<16xf32>,
        %parallel_loop3A_464 = arith.constant 1.000000e-03 : f32
        %parallel_loop3A_465 = vector.broadcast %parallel_loop3A_464 : f32 to vector<16xf32>
        %parallel_loop3A_466 = arith.subf %parallel_loop3A_453, %parallel_loop3A_465 : vector<16xf32>
        %parallel_loop3A_467 = arith.constant 1.280000e+02 : f32
        %parallel_loop3A_468 = vector.broadcast %parallel_loop3A_467 : f32 to vector<16xf32>
        %parallel_loop3A_469 = arith.mulf %parallel_loop3A_466, %parallel_loop3A_468 : vector<16xf32>
        %parallel_loop3A_470 = arith.fptosi %parallel_loop3A_469 : vector<16xf32> to vector<16xi32>
        %parallel_loop3A_471 = arith.constant -1.000000e-03 : f32
        %parallel_loop3A_472 = vector.broadcast %parallel_loop3A_471 : f32 to vector<16xf32>
        %parallel_loop3A_473 = arith.subf %parallel_loop3A_463, %parallel_loop3A_472 : vector<16xf32>
        %parallel_loop3A_474 = arith.constant 127.744514 : f32
        %parallel_loop3A_475 = vector.broadcast %parallel_loop3A_474 : f32 to vector<16xf32>
        %parallel_loop3A_476 = arith.mulf %parallel_loop3A_473, %parallel_loop3A_475 : vector<16xf32>
        %parallel_loop3A_477 = arith.fptosi %parallel_loop3A_476 : vector<16xf32> to vector<16xi32>
        %parallel_loop3A_478 = arith.constant 128 : i32
        %parallel_loop3A_479 = vector.broadcast %parallel_loop3A_478 : i32 to vector<16xi32>
        %parallel_loop3A_480 = arith.muli %parallel_loop3A_470, %parallel_loop3A_479 : vector<16xi32>
        %parallel_loop3A_481 = arith.addi %parallel_loop3A_480, %parallel_loop3A_477 : vector<16xi32>
        %parallel_loop3A_482 = tpu.vector_load_idx %arg5[%parallel_loop3A_481] : memref<16384xf32, #tpu.memory_space<vmem>>[vector<16xi32>], vector<16xf32>,
        %parallel_loop3A_483 = arith.constant 128 : i32
        %parallel_loop3A_484 = arith.muli %parallel_loop3A_130, %parallel_loop3A_483 : i32
        %parallel_loop3A_485 = arith.constant 112 : i32
        %parallel_loop3A_486 = arith.addi %parallel_loop3A_484, %parallel_loop3A_485 : i32
        %parallel_loop3A_487 = arith.constant 0 : i32
        %parallel_loop3A_488 = arith.index_cast %parallel_loop3A_487 : i32 to index
        %parallel_loop3A_489 = arith.index_cast %parallel_loop3A_486 : i32 to index
        %parallel_loop3A_490 = tpu.vector_load %arg7[%parallel_loop3A_488, %parallel_loop3A_489] {strides = array<i32>} : memref<2x12800xf32, #tpu.memory_space<vmem>>, vector<16xf32>,
        tpu.vector_store %arg7[%parallel_loop3A_488, %parallel_loop3A_489], %parallel_loop3A_482 {strides = array<i32>} : memref<2x12800xf32, #tpu.memory_space<vmem>>, vector<16xf32>,
      } {sc.loop_unroll_factor = 4 : i64, sc.parallel_access}
      %mul3A_75 = arith.constant 12800 : i32
      %mul3A_76 = arith.muli %add3A_52, %mul3A_75 : i32
      %add3A_77 = arith.addi %mul3A_8, %mul3A_76 : i32
      %dma_start3A_78 = arith.constant 0 : i32
      %dma_start3A_79 = arith.constant 0 : i32
      %dma_start3A_80 = tpu.memref_slice %arg7[%dma_start3A_78, %dma_start3A_79] : memref<2x12800xf32, #tpu.memory_space<vmem>> -> memref<1x12800xf32, #tpu.memory_space<vmem>>
      %dma_start3A_81 = tpu.memref_squeeze %dma_start3A_80 : memref<1x12800xf32, #tpu.memory_space<vmem>> -> memref<12800xf32, #tpu.memory_space<vmem>>
      %dma_start3A_82 = tpu.memref_slice %arg4[%add3A_77] : memref<3276800xf32, #tpu.memory_space<hbm>> -> memref<12800xf32, #tpu.memory_space<hbm>>
      %dma_start3A_83 = tpu.memref_slice %arg4[%add3A_77] : memref<3276800xf32, #tpu.memory_space<hbm>> -> memref<12800xf32, #tpu.memory_space<hbm>>
      %dma_start3A_84 = arith.constant 0 : i32
      %dma_start3A_85 = tpu.memref_slice %arg7[%dma_start3A_78, %dma_start3A_84] : memref<2x12800xf32, #tpu.memory_space<vmem>> -> memref<1x12800xf32, #tpu.memory_space<vmem>>
      %dma_start3A_86 = tpu.memref_squeeze %dma_start3A_85 : memref<1x12800xf32, #tpu.memory_space<vmem>> -> memref<12800xf32, #tpu.memory_space<vmem>>
      tpu.enqueue_dma source(%dma_start3A_86 : memref<12800xf32, #tpu.memory_space<vmem>>) target(%dma_start3A_83 : memref<12800xf32, #tpu.memory_space<hbm>>) target_semaphore(%arg10 : memref<!tpu.dma_semaphore, #tpu.memory_space<semaphore_mem>>)
      %mul3A_87 = arith.constant 2 : i32
      %mul3A_88 = arith.muli %add3A_48, %mul3A_87 : i32
      %add3A_89 = arith.constant 1 : i32
      %add3A_90 = arith.addi %mul3A_88, %add3A_89 : i32
      %add3A_91 = arith.constant 1 : i32
      %add3A_92 = arith.addi %add3A_90, %add3A_91 : i32
      %lt3A_93 = arith.constant 8 : i32
      %lt3A_94 = arith.cmpi slt, %add3A_92, %lt3A_93 : i32
      %convert_element_type3A_95 = arith.extui %lt3A_94 : i1 to i32
      %cond3A_96 = arith.constant 0 : i32
      %cond3A_97 = arith.cmpi ne, %convert_element_type3A_95, %cond3A_96 : i32
      scf.if %cond3A_97 {
        %add3A_130 = arith.constant 1 : i32
        %add3A_131 = arith.addi %add3A_90, %add3A_130 : i32
        %mul3A_132 = arith.constant 25600 : i32
        %mul3A_133 = arith.muli %add3A_131, %mul3A_132 : i32
        %add3A_134 = arith.addi %mul3A_4, %mul3A_133 : i32
        %dma_start3A_135 = arith.constant 0 : i32
        %dma_start3A_136 = arith.constant 0 : i32
        %dma_start3A_137 = tpu.memref_slice %arg6[%dma_start3A_135, %dma_start3A_136] : memref<2x25600xf32, #tpu.memory_space<vmem>> -> memref<1x25600xf32, #tpu.memory_space<vmem>>
        %dma_start3A_138 = tpu.memref_squeeze %dma_start3A_137 : memref<1x25600xf32, #tpu.memory_space<vmem>> -> memref<25600xf32, #tpu.memory_space<vmem>>
        %dma_start3A_139 = tpu.memref_slice %arg2[%add3A_134] : memref<6553600xf32, #tpu.memory_space<hbm>> -> memref<25600xf32, #tpu.memory_space<hbm>>
        %dma_start3A_140 = arith.constant 0 : i32
        %dma_start3A_141 = tpu.memref_slice %arg6[%dma_start3A_135, %dma_start3A_140] : memref<2x25600xf32, #tpu.memory_space<vmem>> -> memref<1x25600xf32, #tpu.memory_space<vmem>>
        %dma_start3A_142 = tpu.memref_squeeze %dma_start3A_141 : memref<1x25600xf32, #tpu.memory_space<vmem>> -> memref<25600xf32, #tpu.memory_space<vmem>>
        %dma_start3A_143 = tpu.memref_slice %arg2[%add3A_134] : memref<6553600xf32, #tpu.memory_space<hbm>> -> memref<25600xf32, #tpu.memory_space<hbm>>
        tpu.enqueue_dma source(%dma_start3A_143 : memref<25600xf32, #tpu.memory_space<hbm>>) target(%dma_start3A_142 : memref<25600xf32, #tpu.memory_space<vmem>>) target_semaphore(%arg8 : memref<!tpu.dma_semaphore, #tpu.memory_space<semaphore_mem>>)
      } else {
      }
      %mul3A_98 = arith.constant 25600 : i32
      %mul3A_99 = arith.muli %add3A_90, %mul3A_98 : i32
      %add3A_100 = arith.addi %mul3A_4, %mul3A_99 : i32
      %dma_wait3A_101 = arith.constant 1 : i32
      %dma_wait3A_102 = arith.constant 0 : i32
      %dma_wait3A_103 = tpu.memref_slice %arg6[%dma_wait3A_101, %dma_wait3A_102] : memref<2x25600xf32, #tpu.memory_space<vmem>> -> memref<1x25600xf32, #tpu.memory_space<vmem>>
      %dma_wait3A_104 = tpu.memref_squeeze %dma_wait3A_103 : memref<1x25600xf32, #tpu.memory_space<vmem>> -> memref<25600xf32, #tpu.memory_space<vmem>>
      %dma_wait3A_105 = tpu.memref_slice %arg2[%add3A_100] : memref<6553600xf32, #tpu.memory_space<hbm>> -> memref<25600xf32, #tpu.memory_space<hbm>>
      %dma_wait3A_106 = arith.constant 0 : i32
      %dma_wait3A_107 = tpu.memref_slice %arg6[%dma_wait3A_101, %dma_wait3A_106] : memref<2x25600xf32, #tpu.memory_space<vmem>> -> memref<1x25600xf32, #tpu.memory_space<vmem>>
      %dma_wait3A_108 = tpu.memref_squeeze %dma_wait3A_107 : memref<1x25600xf32, #tpu.memory_space<vmem>> -> memref<25600xf32, #tpu.memory_space<vmem>>
      %dma_wait3A_109 = tpu.memref_slice %arg2[%add3A_100] : memref<6553600xf32, #tpu.memory_space<hbm>> -> memref<25600xf32, #tpu.memory_space<hbm>>
      tpu.wait_dma2 semaphore(%arg9 : memref<!tpu.dma_semaphore, #tpu.memory_space<semaphore_mem>>) src(%dma_wait3A_109 : memref<25600xf32, #tpu.memory_space<hbm>>) dst(%dma_wait3A_108 : memref<25600xf32, #tpu.memory_space<vmem>>)
      %ge3A_110 = arith.constant 2 : i32
      %ge3A_111 = arith.cmpi sge, %add3A_90, %ge3A_110 : i32
      %convert_element_type3A_112 = arith.extui %ge3A_111 : i1 to i32
      %cond3A_113 = arith.constant 0 : i32
      %cond3A_114 = arith.cmpi ne, %convert_element_type3A_112, %cond3A_113 : i32
      scf.if %cond3A_114 {
        %sub3A = arith.constant 2 : i32
        %sub3A_130 = arith.subi %add3A_90, %sub3A : i32
        %mul3A_131 = arith.constant 12800 : i32
        %mul3A_132 = arith.muli %sub3A_130, %mul3A_131 : i32
        %add3A_133 = arith.addi %mul3A_8, %mul3A_132 : i32
        %dma_wait3A_134 = arith.constant 1 : i32
        %dma_wait3A_135 = arith.constant 0 : i32
        %dma_wait3A_136 = tpu.memref_slice %arg7[%dma_wait3A_134, %dma_wait3A_135] : memref<2x12800xf32, #tpu.memory_space<vmem>> -> memref<1x12800xf32, #tpu.memory_space<vmem>>
        %dma_wait3A_137 = tpu.memref_squeeze %dma_wait3A_136 : memref<1x12800xf32, #tpu.memory_space<vmem>> -> memref<12800xf32, #tpu.memory_space<vmem>>
        %dma_wait3A_138 = tpu.memref_slice %arg4[%add3A_133] : memref<3276800xf32, #tpu.memory_space<hbm>> -> memref<12800xf32, #tpu.memory_space<hbm>>
        %dma_wait3A_139 = tpu.memref_slice %arg4[%add3A_133] : memref<3276800xf32, #tpu.memory_space<hbm>> -> memref<12800xf32, #tpu.memory_space<hbm>>
        %dma_wait3A_140 = arith.constant 0 : i32
        %dma_wait3A_141 = tpu.memref_slice %arg7[%dma_wait3A_134, %dma_wait3A_140] : memref<2x12800xf32, #tpu.memory_space<vmem>> -> memref<1x12800xf32, #tpu.memory_space<vmem>>
        %dma_wait3A_142 = tpu.memref_squeeze %dma_wait3A_141 : memref<1x12800xf32, #tpu.memory_space<vmem>> -> memref<12800xf32, #tpu.memory_space<vmem>>
        tpu.wait_dma2 semaphore(%arg11 : memref<!tpu.dma_semaphore, #tpu.memory_space<semaphore_mem>>) src(%dma_wait3A_142 : memref<12800xf32, #tpu.memory_space<vmem>>) dst(%dma_wait3A_139 : memref<12800xf32, #tpu.memory_space<hbm>>)
      } else {
      }
      %parallel_loop3A_115 = arith.constant 0 : i32
      %parallel_loop3A_116 = arith.constant 100 : i32
      %parallel_loop3A_117 = arith.constant 1 : i32
      scf.for %parallel_loop3A_130 = %parallel_loop3A_115 to %parallel_loop3A_116 step %parallel_loop3A_117  : i32 {
        %parallel_loop3A_131 = arith.constant 256 : i32
        %parallel_loop3A_132 = arith.muli %parallel_loop3A_130, %parallel_loop3A_131 : i32
        %parallel_loop3A_133 = arith.constant 0 : i32
        %parallel_loop3A_134 = arith.addi %parallel_loop3A_132, %parallel_loop3A_133 : i32
        %parallel_loop3A_135 = arith.constant 1 : i32
        %parallel_loop3A_136 = arith.index_cast %parallel_loop3A_135 : i32 to index
        %parallel_loop3A_137 = arith.index_cast %parallel_loop3A_134 : i32 to index
        %parallel_loop3A_138 = tpu.vector_load %arg6[%parallel_loop3A_136, %parallel_loop3A_137] {strides = array<i32>} : memref<2x25600xf32, #tpu.memory_space<vmem>>, vector<16xf32>,
        %parallel_loop3A_139 = arith.constant 256 : i32
        %parallel_loop3A_140 = arith.muli %parallel_loop3A_130, %parallel_loop3A_139 : i32
        %parallel_loop3A_141 = arith.constant 128 : i32
        %parallel_loop3A_142 = arith.addi %parallel_loop3A_140, %parallel_loop3A_141 : i32
        %parallel_loop3A_143 = arith.constant 0 : i32
        %parallel_loop3A_144 = arith.addi %parallel_loop3A_142, %parallel_loop3A_143 : i32
        %parallel_loop3A_145 = arith.constant 1 : i32
        %parallel_loop3A_146 = arith.index_cast %parallel_loop3A_145 : i32 to index
        %parallel_loop3A_147 = arith.index_cast %parallel_loop3A_144 : i32 to index
        %parallel_loop3A_148 = tpu.vector_load %arg6[%parallel_loop3A_146, %parallel_loop3A_147] {strides = array<i32>} : memref<2x25600xf32, #tpu.memory_space<vmem>>, vector<16xf32>,
        %parallel_loop3A_149 = arith.constant 1.000000e-03 : f32
        %parallel_loop3A_150 = vector.broadcast %parallel_loop3A_149 : f32 to vector<16xf32>
        %parallel_loop3A_151 = arith.subf %parallel_loop3A_138, %parallel_loop3A_150 : vector<16xf32>
        %parallel_loop3A_152 = arith.constant 1.280000e+02 : f32
        %parallel_loop3A_153 = vector.broadcast %parallel_loop3A_152 : f32 to vector<16xf32>
        %parallel_loop3A_154 = arith.mulf %parallel_loop3A_151, %parallel_loop3A_153 : vector<16xf32>
        %parallel_loop3A_155 = arith.fptosi %parallel_loop3A_154 : vector<16xf32> to vector<16xi32>
        %parallel_loop3A_156 = arith.constant -1.000000e-03 : f32
        %parallel_loop3A_157 = vector.broadcast %parallel_loop3A_156 : f32 to vector<16xf32>
        %parallel_loop3A_158 = arith.subf %parallel_loop3A_148, %parallel_loop3A_157 : vector<16xf32>
        %parallel_loop3A_159 = arith.constant 127.744514 : f32
        %parallel_loop3A_160 = vector.broadcast %parallel_loop3A_159 : f32 to vector<16xf32>
        %parallel_loop3A_161 = arith.mulf %parallel_loop3A_158, %parallel_loop3A_160 : vector<16xf32>
        %parallel_loop3A_162 = arith.fptosi %parallel_loop3A_161 : vector<16xf32> to vector<16xi32>
        %parallel_loop3A_163 = arith.constant 128 : i32
        %parallel_loop3A_164 = vector.broadcast %parallel_loop3A_163 : i32 to vector<16xi32>
        %parallel_loop3A_165 = arith.muli %parallel_loop3A_155, %parallel_loop3A_164 : vector<16xi32>
        %parallel_loop3A_166 = arith.addi %parallel_loop3A_165, %parallel_loop3A_162 : vector<16xi32>
        %parallel_loop3A_167 = tpu.vector_load_idx %arg5[%parallel_loop3A_166] : memref<16384xf32, #tpu.memory_space<vmem>>[vector<16xi32>], vector<16xf32>,
        %parallel_loop3A_168 = arith.constant 128 : i32
        %parallel_loop3A_169 = arith.muli %parallel_loop3A_130, %parallel_loop3A_168 : i32
        %parallel_loop3A_170 = arith.constant 0 : i32
        %parallel_loop3A_171 = arith.addi %parallel_loop3A_169, %parallel_loop3A_170 : i32
        %parallel_loop3A_172 = arith.constant 1 : i32
        %parallel_loop3A_173 = arith.index_cast %parallel_loop3A_172 : i32 to index
        %parallel_loop3A_174 = arith.index_cast %parallel_loop3A_171 : i32 to index
        %parallel_loop3A_175 = tpu.vector_load %arg7[%parallel_loop3A_173, %parallel_loop3A_174] {strides = array<i32>} : memref<2x12800xf32, #tpu.memory_space<vmem>>, vector<16xf32>,
        tpu.vector_store %arg7[%parallel_loop3A_173, %parallel_loop3A_174], %parallel_loop3A_167 {strides = array<i32>} : memref<2x12800xf32, #tpu.memory_space<vmem>>, vector<16xf32>,
        %parallel_loop3A_176 = arith.constant 256 : i32
        %parallel_loop3A_177 = arith.muli %parallel_loop3A_130, %parallel_loop3A_176 : i32
        %parallel_loop3A_178 = arith.constant 16 : i32
        %parallel_loop3A_179 = arith.addi %parallel_loop3A_177, %parallel_loop3A_178 : i32
        %parallel_loop3A_180 = arith.constant 1 : i32
        %parallel_loop3A_181 = arith.index_cast %parallel_loop3A_180 : i32 to index
        %parallel_loop3A_182 = arith.index_cast %parallel_loop3A_179 : i32 to index
        %parallel_loop3A_183 = tpu.vector_load %arg6[%parallel_loop3A_181, %parallel_loop3A_182] {strides = array<i32>} : memref<2x25600xf32, #tpu.memory_space<vmem>>, vector<16xf32>,
        %parallel_loop3A_184 = arith.constant 256 : i32
        %parallel_loop3A_185 = arith.muli %parallel_loop3A_130, %parallel_loop3A_184 : i32
        %parallel_loop3A_186 = arith.constant 128 : i32
        %parallel_loop3A_187 = arith.addi %parallel_loop3A_185, %parallel_loop3A_186 : i32
        %parallel_loop3A_188 = arith.constant 16 : i32
        %parallel_loop3A_189 = arith.addi %parallel_loop3A_187, %parallel_loop3A_188 : i32
        %parallel_loop3A_190 = arith.constant 1 : i32
        %parallel_loop3A_191 = arith.index_cast %parallel_loop3A_190 : i32 to index
        %parallel_loop3A_192 = arith.index_cast %parallel_loop3A_189 : i32 to index
        %parallel_loop3A_193 = tpu.vector_load %arg6[%parallel_loop3A_191, %parallel_loop3A_192] {strides = array<i32>} : memref<2x25600xf32, #tpu.memory_space<vmem>>, vector<16xf32>,
        %parallel_loop3A_194 = arith.constant 1.000000e-03 : f32
        %parallel_loop3A_195 = vector.broadcast %parallel_loop3A_194 : f32 to vector<16xf32>
        %parallel_loop3A_196 = arith.subf %parallel_loop3A_183, %parallel_loop3A_195 : vector<16xf32>
        %parallel_loop3A_197 = arith.constant 1.280000e+02 : f32
        %parallel_loop3A_198 = vector.broadcast %parallel_loop3A_197 : f32 to vector<16xf32>
        %parallel_loop3A_199 = arith.mulf %parallel_loop3A_196, %parallel_loop3A_198 : vector<16xf32>
        %parallel_loop3A_200 = arith.fptosi %parallel_loop3A_199 : vector<16xf32> to vector<16xi32>
        %parallel_loop3A_201 = arith.constant -1.000000e-03 : f32
        %parallel_loop3A_202 = vector.broadcast %parallel_loop3A_201 : f32 to vector<16xf32>
        %parallel_loop3A_203 = arith.subf %parallel_loop3A_193, %parallel_loop3A_202 : vector<16xf32>
        %parallel_loop3A_204 = arith.constant 127.744514 : f32
        %parallel_loop3A_205 = vector.broadcast %parallel_loop3A_204 : f32 to vector<16xf32>
        %parallel_loop3A_206 = arith.mulf %parallel_loop3A_203, %parallel_loop3A_205 : vector<16xf32>
        %parallel_loop3A_207 = arith.fptosi %parallel_loop3A_206 : vector<16xf32> to vector<16xi32>
        %parallel_loop3A_208 = arith.constant 128 : i32
        %parallel_loop3A_209 = vector.broadcast %parallel_loop3A_208 : i32 to vector<16xi32>
        %parallel_loop3A_210 = arith.muli %parallel_loop3A_200, %parallel_loop3A_209 : vector<16xi32>
        %parallel_loop3A_211 = arith.addi %parallel_loop3A_210, %parallel_loop3A_207 : vector<16xi32>
        %parallel_loop3A_212 = tpu.vector_load_idx %arg5[%parallel_loop3A_211] : memref<16384xf32, #tpu.memory_space<vmem>>[vector<16xi32>], vector<16xf32>,
        %parallel_loop3A_213 = arith.constant 128 : i32
        %parallel_loop3A_214 = arith.muli %parallel_loop3A_130, %parallel_loop3A_213 : i32
        %parallel_loop3A_215 = arith.constant 16 : i32
        %parallel_loop3A_216 = arith.addi %parallel_loop3A_214, %parallel_loop3A_215 : i32
        %parallel_loop3A_217 = arith.constant 1 : i32
        %parallel_loop3A_218 = arith.index_cast %parallel_loop3A_217 : i32 to index
        %parallel_loop3A_219 = arith.index_cast %parallel_loop3A_216 : i32 to index
        %parallel_loop3A_220 = tpu.vector_load %arg7[%parallel_loop3A_218, %parallel_loop3A_219] {strides = array<i32>} : memref<2x12800xf32, #tpu.memory_space<vmem>>, vector<16xf32>,
        tpu.vector_store %arg7[%parallel_loop3A_218, %parallel_loop3A_219], %parallel_loop3A_212 {strides = array<i32>} : memref<2x12800xf32, #tpu.memory_space<vmem>>, vector<16xf32>,
        %parallel_loop3A_221 = arith.constant 256 : i32
        %parallel_loop3A_222 = arith.muli %parallel_loop3A_130, %parallel_loop3A_221 : i32
        %parallel_loop3A_223 = arith.constant 32 : i32
        %parallel_loop3A_224 = arith.addi %parallel_loop3A_222, %parallel_loop3A_223 : i32
        %parallel_loop3A_225 = arith.constant 1 : i32
        %parallel_loop3A_226 = arith.index_cast %parallel_loop3A_225 : i32 to index
        %parallel_loop3A_227 = arith.index_cast %parallel_loop3A_224 : i32 to index
        %parallel_loop3A_228 = tpu.vector_load %arg6[%parallel_loop3A_226, %parallel_loop3A_227] {strides = array<i32>} : memref<2x25600xf32, #tpu.memory_space<vmem>>, vector<16xf32>,
        %parallel_loop3A_229 = arith.constant 256 : i32
        %parallel_loop3A_230 = arith.muli %parallel_loop3A_130, %parallel_loop3A_229 : i32
        %parallel_loop3A_231 = arith.constant 128 : i32
        %parallel_loop3A_232 = arith.addi %parallel_loop3A_230, %parallel_loop3A_231 : i32
        %parallel_loop3A_233 = arith.constant 32 : i32
        %parallel_loop3A_234 = arith.addi %parallel_loop3A_232, %parallel_loop3A_233 : i32
        %parallel_loop3A_235 = arith.constant 1 : i32
        %parallel_loop3A_236 = arith.index_cast %parallel_loop3A_235 : i32 to index
        %parallel_loop3A_237 = arith.index_cast %parallel_loop3A_234 : i32 to index
        %parallel_loop3A_238 = tpu.vector_load %arg6[%parallel_loop3A_236, %parallel_loop3A_237] {strides = array<i32>} : memref<2x25600xf32, #tpu.memory_space<vmem>>, vector<16xf32>,
        %parallel_loop3A_239 = arith.constant 1.000000e-03 : f32
        %parallel_loop3A_240 = vector.broadcast %parallel_loop3A_239 : f32 to vector<16xf32>
        %parallel_loop3A_241 = arith.subf %parallel_loop3A_228, %parallel_loop3A_240 : vector<16xf32>
        %parallel_loop3A_242 = arith.constant 1.280000e+02 : f32
        %parallel_loop3A_243 = vector.broadcast %parallel_loop3A_242 : f32 to vector<16xf32>
        %parallel_loop3A_244 = arith.mulf %parallel_loop3A_241, %parallel_loop3A_243 : vector<16xf32>
        %parallel_loop3A_245 = arith.fptosi %parallel_loop3A_244 : vector<16xf32> to vector<16xi32>
        %parallel_loop3A_246 = arith.constant -1.000000e-03 : f32
        %parallel_loop3A_247 = vector.broadcast %parallel_loop3A_246 : f32 to vector<16xf32>
        %parallel_loop3A_248 = arith.subf %parallel_loop3A_238, %parallel_loop3A_247 : vector<16xf32>
        %parallel_loop3A_249 = arith.constant 127.744514 : f32
        %parallel_loop3A_250 = vector.broadcast %parallel_loop3A_249 : f32 to vector<16xf32>
        %parallel_loop3A_251 = arith.mulf %parallel_loop3A_248, %parallel_loop3A_250 : vector<16xf32>
        %parallel_loop3A_252 = arith.fptosi %parallel_loop3A_251 : vector<16xf32> to vector<16xi32>
        %parallel_loop3A_253 = arith.constant 128 : i32
        %parallel_loop3A_254 = vector.broadcast %parallel_loop3A_253 : i32 to vector<16xi32>
        %parallel_loop3A_255 = arith.muli %parallel_loop3A_245, %parallel_loop3A_254 : vector<16xi32>
        %parallel_loop3A_256 = arith.addi %parallel_loop3A_255, %parallel_loop3A_252 : vector<16xi32>
        %parallel_loop3A_257 = tpu.vector_load_idx %arg5[%parallel_loop3A_256] : memref<16384xf32, #tpu.memory_space<vmem>>[vector<16xi32>], vector<16xf32>,
        %parallel_loop3A_258 = arith.constant 128 : i32
        %parallel_loop3A_259 = arith.muli %parallel_loop3A_130, %parallel_loop3A_258 : i32
        %parallel_loop3A_260 = arith.constant 32 : i32
        %parallel_loop3A_261 = arith.addi %parallel_loop3A_259, %parallel_loop3A_260 : i32
        %parallel_loop3A_262 = arith.constant 1 : i32
        %parallel_loop3A_263 = arith.index_cast %parallel_loop3A_262 : i32 to index
        %parallel_loop3A_264 = arith.index_cast %parallel_loop3A_261 : i32 to index
        %parallel_loop3A_265 = tpu.vector_load %arg7[%parallel_loop3A_263, %parallel_loop3A_264] {strides = array<i32>} : memref<2x12800xf32, #tpu.memory_space<vmem>>, vector<16xf32>,
        tpu.vector_store %arg7[%parallel_loop3A_263, %parallel_loop3A_264], %parallel_loop3A_257 {strides = array<i32>} : memref<2x12800xf32, #tpu.memory_space<vmem>>, vector<16xf32>,
        %parallel_loop3A_266 = arith.constant 256 : i32
        %parallel_loop3A_267 = arith.muli %parallel_loop3A_130, %parallel_loop3A_266 : i32
        %parallel_loop3A_268 = arith.constant 48 : i32
        %parallel_loop3A_269 = arith.addi %parallel_loop3A_267, %parallel_loop3A_268 : i32
        %parallel_loop3A_270 = arith.constant 1 : i32
        %parallel_loop3A_271 = arith.index_cast %parallel_loop3A_270 : i32 to index
        %parallel_loop3A_272 = arith.index_cast %parallel_loop3A_269 : i32 to index
        %parallel_loop3A_273 = tpu.vector_load %arg6[%parallel_loop3A_271, %parallel_loop3A_272] {strides = array<i32>} : memref<2x25600xf32, #tpu.memory_space<vmem>>, vector<16xf32>,
        %parallel_loop3A_274 = arith.constant 256 : i32
        %parallel_loop3A_275 = arith.muli %parallel_loop3A_130, %parallel_loop3A_274 : i32
        %parallel_loop3A_276 = arith.constant 128 : i32
        %parallel_loop3A_277 = arith.addi %parallel_loop3A_275, %parallel_loop3A_276 : i32
        %parallel_loop3A_278 = arith.constant 48 : i32
        %parallel_loop3A_279 = arith.addi %parallel_loop3A_277, %parallel_loop3A_278 : i32
        %parallel_loop3A_280 = arith.constant 1 : i32
        %parallel_loop3A_281 = arith.index_cast %parallel_loop3A_280 : i32 to index
        %parallel_loop3A_282 = arith.index_cast %parallel_loop3A_279 : i32 to index
        %parallel_loop3A_283 = tpu.vector_load %arg6[%parallel_loop3A_281, %parallel_loop3A_282] {strides = array<i32>} : memref<2x25600xf32, #tpu.memory_space<vmem>>, vector<16xf32>,
        %parallel_loop3A_284 = arith.constant 1.000000e-03 : f32
        %parallel_loop3A_285 = vector.broadcast %parallel_loop3A_284 : f32 to vector<16xf32>
        %parallel_loop3A_286 = arith.subf %parallel_loop3A_273, %parallel_loop3A_285 : vector<16xf32>
        %parallel_loop3A_287 = arith.constant 1.280000e+02 : f32
        %parallel_loop3A_288 = vector.broadcast %parallel_loop3A_287 : f32 to vector<16xf32>
        %parallel_loop3A_289 = arith.mulf %parallel_loop3A_286, %parallel_loop3A_288 : vector<16xf32>
        %parallel_loop3A_290 = arith.fptosi %parallel_loop3A_289 : vector<16xf32> to vector<16xi32>
        %parallel_loop3A_291 = arith.constant -1.000000e-03 : f32
        %parallel_loop3A_292 = vector.broadcast %parallel_loop3A_291 : f32 to vector<16xf32>
        %parallel_loop3A_293 = arith.subf %parallel_loop3A_283, %parallel_loop3A_292 : vector<16xf32>
        %parallel_loop3A_294 = arith.constant 127.744514 : f32
        %parallel_loop3A_295 = vector.broadcast %parallel_loop3A_294 : f32 to vector<16xf32>
        %parallel_loop3A_296 = arith.mulf %parallel_loop3A_293, %parallel_loop3A_295 : vector<16xf32>
        %parallel_loop3A_297 = arith.fptosi %parallel_loop3A_296 : vector<16xf32> to vector<16xi32>
        %parallel_loop3A_298 = arith.constant 128 : i32
        %parallel_loop3A_299 = vector.broadcast %parallel_loop3A_298 : i32 to vector<16xi32>
        %parallel_loop3A_300 = arith.muli %parallel_loop3A_290, %parallel_loop3A_299 : vector<16xi32>
        %parallel_loop3A_301 = arith.addi %parallel_loop3A_300, %parallel_loop3A_297 : vector<16xi32>
        %parallel_loop3A_302 = tpu.vector_load_idx %arg5[%parallel_loop3A_301] : memref<16384xf32, #tpu.memory_space<vmem>>[vector<16xi32>], vector<16xf32>,
        %parallel_loop3A_303 = arith.constant 128 : i32
        %parallel_loop3A_304 = arith.muli %parallel_loop3A_130, %parallel_loop3A_303 : i32
        %parallel_loop3A_305 = arith.constant 48 : i32
        %parallel_loop3A_306 = arith.addi %parallel_loop3A_304, %parallel_loop3A_305 : i32
        %parallel_loop3A_307 = arith.constant 1 : i32
        %parallel_loop3A_308 = arith.index_cast %parallel_loop3A_307 : i32 to index
        %parallel_loop3A_309 = arith.index_cast %parallel_loop3A_306 : i32 to index
        %parallel_loop3A_310 = tpu.vector_load %arg7[%parallel_loop3A_308, %parallel_loop3A_309] {strides = array<i32>} : memref<2x12800xf32, #tpu.memory_space<vmem>>, vector<16xf32>,
        tpu.vector_store %arg7[%parallel_loop3A_308, %parallel_loop3A_309], %parallel_loop3A_302 {strides = array<i32>} : memref<2x12800xf32, #tpu.memory_space<vmem>>, vector<16xf32>,
        %parallel_loop3A_311 = arith.constant 256 : i32
        %parallel_loop3A_312 = arith.muli %parallel_loop3A_130, %parallel_loop3A_311 : i32
        %parallel_loop3A_313 = arith.constant 64 : i32
        %parallel_loop3A_314 = arith.addi %parallel_loop3A_312, %parallel_loop3A_313 : i32
        %parallel_loop3A_315 = arith.constant 1 : i32
        %parallel_loop3A_316 = arith.index_cast %parallel_loop3A_315 : i32 to index
        %parallel_loop3A_317 = arith.index_cast %parallel_loop3A_314 : i32 to index
        %parallel_loop3A_318 = tpu.vector_load %arg6[%parallel_loop3A_316, %parallel_loop3A_317] {strides = array<i32>} : memref<2x25600xf32, #tpu.memory_space<vmem>>, vector<16xf32>,
        %parallel_loop3A_319 = arith.constant 256 : i32
        %parallel_loop3A_320 = arith.muli %parallel_loop3A_130, %parallel_loop3A_319 : i32
        %parallel_loop3A_321 = arith.constant 128 : i32
        %parallel_loop3A_322 = arith.addi %parallel_loop3A_320, %parallel_loop3A_321 : i32
        %parallel_loop3A_323 = arith.constant 64 : i32
        %parallel_loop3A_324 = arith.addi %parallel_loop3A_322, %parallel_loop3A_323 : i32
        %parallel_loop3A_325 = arith.constant 1 : i32
        %parallel_loop3A_326 = arith.index_cast %parallel_loop3A_325 : i32 to index
        %parallel_loop3A_327 = arith.index_cast %parallel_loop3A_324 : i32 to index
        %parallel_loop3A_328 = tpu.vector_load %arg6[%parallel_loop3A_326, %parallel_loop3A_327] {strides = array<i32>} : memref<2x25600xf32, #tpu.memory_space<vmem>>, vector<16xf32>,
        %parallel_loop3A_329 = arith.constant 1.000000e-03 : f32
        %parallel_loop3A_330 = vector.broadcast %parallel_loop3A_329 : f32 to vector<16xf32>
        %parallel_loop3A_331 = arith.subf %parallel_loop3A_318, %parallel_loop3A_330 : vector<16xf32>
        %parallel_loop3A_332 = arith.constant 1.280000e+02 : f32
        %parallel_loop3A_333 = vector.broadcast %parallel_loop3A_332 : f32 to vector<16xf32>
        %parallel_loop3A_334 = arith.mulf %parallel_loop3A_331, %parallel_loop3A_333 : vector<16xf32>
        %parallel_loop3A_335 = arith.fptosi %parallel_loop3A_334 : vector<16xf32> to vector<16xi32>
        %parallel_loop3A_336 = arith.constant -1.000000e-03 : f32
        %parallel_loop3A_337 = vector.broadcast %parallel_loop3A_336 : f32 to vector<16xf32>
        %parallel_loop3A_338 = arith.subf %parallel_loop3A_328, %parallel_loop3A_337 : vector<16xf32>
        %parallel_loop3A_339 = arith.constant 127.744514 : f32
        %parallel_loop3A_340 = vector.broadcast %parallel_loop3A_339 : f32 to vector<16xf32>
        %parallel_loop3A_341 = arith.mulf %parallel_loop3A_338, %parallel_loop3A_340 : vector<16xf32>
        %parallel_loop3A_342 = arith.fptosi %parallel_loop3A_341 : vector<16xf32> to vector<16xi32>
        %parallel_loop3A_343 = arith.constant 128 : i32
        %parallel_loop3A_344 = vector.broadcast %parallel_loop3A_343 : i32 to vector<16xi32>
        %parallel_loop3A_345 = arith.muli %parallel_loop3A_335, %parallel_loop3A_344 : vector<16xi32>
        %parallel_loop3A_346 = arith.addi %parallel_loop3A_345, %parallel_loop3A_342 : vector<16xi32>
        %parallel_loop3A_347 = tpu.vector_load_idx %arg5[%parallel_loop3A_346] : memref<16384xf32, #tpu.memory_space<vmem>>[vector<16xi32>], vector<16xf32>,
        %parallel_loop3A_348 = arith.constant 128 : i32
        %parallel_loop3A_349 = arith.muli %parallel_loop3A_130, %parallel_loop3A_348 : i32
        %parallel_loop3A_350 = arith.constant 64 : i32
        %parallel_loop3A_351 = arith.addi %parallel_loop3A_349, %parallel_loop3A_350 : i32
        %parallel_loop3A_352 = arith.constant 1 : i32
        %parallel_loop3A_353 = arith.index_cast %parallel_loop3A_352 : i32 to index
        %parallel_loop3A_354 = arith.index_cast %parallel_loop3A_351 : i32 to index
        %parallel_loop3A_355 = tpu.vector_load %arg7[%parallel_loop3A_353, %parallel_loop3A_354] {strides = array<i32>} : memref<2x12800xf32, #tpu.memory_space<vmem>>, vector<16xf32>,
        tpu.vector_store %arg7[%parallel_loop3A_353, %parallel_loop3A_354], %parallel_loop3A_347 {strides = array<i32>} : memref<2x12800xf32, #tpu.memory_space<vmem>>, vector<16xf32>,
        %parallel_loop3A_356 = arith.constant 256 : i32
        %parallel_loop3A_357 = arith.muli %parallel_loop3A_130, %parallel_loop3A_356 : i32
        %parallel_loop3A_358 = arith.constant 80 : i32
        %parallel_loop3A_359 = arith.addi %parallel_loop3A_357, %parallel_loop3A_358 : i32
        %parallel_loop3A_360 = arith.constant 1 : i32
        %parallel_loop3A_361 = arith.index_cast %parallel_loop3A_360 : i32 to index
        %parallel_loop3A_362 = arith.index_cast %parallel_loop3A_359 : i32 to index
        %parallel_loop3A_363 = tpu.vector_load %arg6[%parallel_loop3A_361, %parallel_loop3A_362] {strides = array<i32>} : memref<2x25600xf32, #tpu.memory_space<vmem>>, vector<16xf32>,
        %parallel_loop3A_364 = arith.constant 256 : i32
        %parallel_loop3A_365 = arith.muli %parallel_loop3A_130, %parallel_loop3A_364 : i32
        %parallel_loop3A_366 = arith.constant 128 : i32
        %parallel_loop3A_367 = arith.addi %parallel_loop3A_365, %parallel_loop3A_366 : i32
        %parallel_loop3A_368 = arith.constant 80 : i32
        %parallel_loop3A_369 = arith.addi %parallel_loop3A_367, %parallel_loop3A_368 : i32
        %parallel_loop3A_370 = arith.constant 1 : i32
        %parallel_loop3A_371 = arith.index_cast %parallel_loop3A_370 : i32 to index
        %parallel_loop3A_372 = arith.index_cast %parallel_loop3A_369 : i32 to index
        %parallel_loop3A_373 = tpu.vector_load %arg6[%parallel_loop3A_371, %parallel_loop3A_372] {strides = array<i32>} : memref<2x25600xf32, #tpu.memory_space<vmem>>, vector<16xf32>,
        %parallel_loop3A_374 = arith.constant 1.000000e-03 : f32
        %parallel_loop3A_375 = vector.broadcast %parallel_loop3A_374 : f32 to vector<16xf32>
        %parallel_loop3A_376 = arith.subf %parallel_loop3A_363, %parallel_loop3A_375 : vector<16xf32>
        %parallel_loop3A_377 = arith.constant 1.280000e+02 : f32
        %parallel_loop3A_378 = vector.broadcast %parallel_loop3A_377 : f32 to vector<16xf32>
        %parallel_loop3A_379 = arith.mulf %parallel_loop3A_376, %parallel_loop3A_378 : vector<16xf32>
        %parallel_loop3A_380 = arith.fptosi %parallel_loop3A_379 : vector<16xf32> to vector<16xi32>
        %parallel_loop3A_381 = arith.constant -1.000000e-03 : f32
        %parallel_loop3A_382 = vector.broadcast %parallel_loop3A_381 : f32 to vector<16xf32>
        %parallel_loop3A_383 = arith.subf %parallel_loop3A_373, %parallel_loop3A_382 : vector<16xf32>
        %parallel_loop3A_384 = arith.constant 127.744514 : f32
        %parallel_loop3A_385 = vector.broadcast %parallel_loop3A_384 : f32 to vector<16xf32>
        %parallel_loop3A_386 = arith.mulf %parallel_loop3A_383, %parallel_loop3A_385 : vector<16xf32>
        %parallel_loop3A_387 = arith.fptosi %parallel_loop3A_386 : vector<16xf32> to vector<16xi32>
        %parallel_loop3A_388 = arith.constant 128 : i32
        %parallel_loop3A_389 = vector.broadcast %parallel_loop3A_388 : i32 to vector<16xi32>
        %parallel_loop3A_390 = arith.muli %parallel_loop3A_380, %parallel_loop3A_389 : vector<16xi32>
        %parallel_loop3A_391 = arith.addi %parallel_loop3A_390, %parallel_loop3A_387 : vector<16xi32>
        %parallel_loop3A_392 = tpu.vector_load_idx %arg5[%parallel_loop3A_391] : memref<16384xf32, #tpu.memory_space<vmem>>[vector<16xi32>], vector<16xf32>,
        %parallel_loop3A_393 = arith.constant 128 : i32
        %parallel_loop3A_394 = arith.muli %parallel_loop3A_130, %parallel_loop3A_393 : i32
        %parallel_loop3A_395 = arith.constant 80 : i32
        %parallel_loop3A_396 = arith.addi %parallel_loop3A_394, %parallel_loop3A_395 : i32
        %parallel_loop3A_397 = arith.constant 1 : i32
        %parallel_loop3A_398 = arith.index_cast %parallel_loop3A_397 : i32 to index
        %parallel_loop3A_399 = arith.index_cast %parallel_loop3A_396 : i32 to index
        %parallel_loop3A_400 = tpu.vector_load %arg7[%parallel_loop3A_398, %parallel_loop3A_399] {strides = array<i32>} : memref<2x12800xf32, #tpu.memory_space<vmem>>, vector<16xf32>,
        tpu.vector_store %arg7[%parallel_loop3A_398, %parallel_loop3A_399], %parallel_loop3A_392 {strides = array<i32>} : memref<2x12800xf32, #tpu.memory_space<vmem>>, vector<16xf32>,
        %parallel_loop3A_401 = arith.constant 256 : i32
        %parallel_loop3A_402 = arith.muli %parallel_loop3A_130, %parallel_loop3A_401 : i32
        %parallel_loop3A_403 = arith.constant 96 : i32
        %parallel_loop3A_404 = arith.addi %parallel_loop3A_402, %parallel_loop3A_403 : i32
        %parallel_loop3A_405 = arith.constant 1 : i32
        %parallel_loop3A_406 = arith.index_cast %parallel_loop3A_405 : i32 to index
        %parallel_loop3A_407 = arith.index_cast %parallel_loop3A_404 : i32 to index
        %parallel_loop3A_408 = tpu.vector_load %arg6[%parallel_loop3A_406, %parallel_loop3A_407] {strides = array<i32>} : memref<2x25600xf32, #tpu.memory_space<vmem>>, vector<16xf32>,
        %parallel_loop3A_409 = arith.constant 256 : i32
        %parallel_loop3A_410 = arith.muli %parallel_loop3A_130, %parallel_loop3A_409 : i32
        %parallel_loop3A_411 = arith.constant 128 : i32
        %parallel_loop3A_412 = arith.addi %parallel_loop3A_410, %parallel_loop3A_411 : i32
        %parallel_loop3A_413 = arith.constant 96 : i32
        %parallel_loop3A_414 = arith.addi %parallel_loop3A_412, %parallel_loop3A_413 : i32
        %parallel_loop3A_415 = arith.constant 1 : i32
        %parallel_loop3A_416 = arith.index_cast %parallel_loop3A_415 : i32 to index
        %parallel_loop3A_417 = arith.index_cast %parallel_loop3A_414 : i32 to index
        %parallel_loop3A_418 = tpu.vector_load %arg6[%parallel_loop3A_416, %parallel_loop3A_417] {strides = array<i32>} : memref<2x25600xf32, #tpu.memory_space<vmem>>, vector<16xf32>,
        %parallel_loop3A_419 = arith.constant 1.000000e-03 : f32
        %parallel_loop3A_420 = vector.broadcast %parallel_loop3A_419 : f32 to vector<16xf32>
        %parallel_loop3A_421 = arith.subf %parallel_loop3A_408, %parallel_loop3A_420 : vector<16xf32>
        %parallel_loop3A_422 = arith.constant 1.280000e+02 : f32
        %parallel_loop3A_423 = vector.broadcast %parallel_loop3A_422 : f32 to vector<16xf32>
        %parallel_loop3A_424 = arith.mulf %parallel_loop3A_421, %parallel_loop3A_423 : vector<16xf32>
        %parallel_loop3A_425 = arith.fptosi %parallel_loop3A_424 : vector<16xf32> to vector<16xi32>
        %parallel_loop3A_426 = arith.constant -1.000000e-03 : f32
        %parallel_loop3A_427 = vector.broadcast %parallel_loop3A_426 : f32 to vector<16xf32>
        %parallel_loop3A_428 = arith.subf %parallel_loop3A_418, %parallel_loop3A_427 : vector<16xf32>
        %parallel_loop3A_429 = arith.constant 127.744514 : f32
        %parallel_loop3A_430 = vector.broadcast %parallel_loop3A_429 : f32 to vector<16xf32>
        %parallel_loop3A_431 = arith.mulf %parallel_loop3A_428, %parallel_loop3A_430 : vector<16xf32>
        %parallel_loop3A_432 = arith.fptosi %parallel_loop3A_431 : vector<16xf32> to vector<16xi32>
        %parallel_loop3A_433 = arith.constant 128 : i32
        %parallel_loop3A_434 = vector.broadcast %parallel_loop3A_433 : i32 to vector<16xi32>
        %parallel_loop3A_435 = arith.muli %parallel_loop3A_425, %parallel_loop3A_434 : vector<16xi32>
        %parallel_loop3A_436 = arith.addi %parallel_loop3A_435, %parallel_loop3A_432 : vector<16xi32>
        %parallel_loop3A_437 = tpu.vector_load_idx %arg5[%parallel_loop3A_436] : memref<16384xf32, #tpu.memory_space<vmem>>[vector<16xi32>], vector<16xf32>,
        %parallel_loop3A_438 = arith.constant 128 : i32
        %parallel_loop3A_439 = arith.muli %parallel_loop3A_130, %parallel_loop3A_438 : i32
        %parallel_loop3A_440 = arith.constant 96 : i32
        %parallel_loop3A_441 = arith.addi %parallel_loop3A_439, %parallel_loop3A_440 : i32
        %parallel_loop3A_442 = arith.constant 1 : i32
        %parallel_loop3A_443 = arith.index_cast %parallel_loop3A_442 : i32 to index
        %parallel_loop3A_444 = arith.index_cast %parallel_loop3A_441 : i32 to index
        %parallel_loop3A_445 = tpu.vector_load %arg7[%parallel_loop3A_443, %parallel_loop3A_444] {strides = array<i32>} : memref<2x12800xf32, #tpu.memory_space<vmem>>, vector<16xf32>,
        tpu.vector_store %arg7[%parallel_loop3A_443, %parallel_loop3A_444], %parallel_loop3A_437 {strides = array<i32>} : memref<2x12800xf32, #tpu.memory_space<vmem>>, vector<16xf32>,
        %parallel_loop3A_446 = arith.constant 256 : i32
        %parallel_loop3A_447 = arith.muli %parallel_loop3A_130, %parallel_loop3A_446 : i32
        %parallel_loop3A_448 = arith.constant 112 : i32
        %parallel_loop3A_449 = arith.addi %parallel_loop3A_447, %parallel_loop3A_448 : i32
        %parallel_loop3A_450 = arith.constant 1 : i32
        %parallel_loop3A_451 = arith.index_cast %parallel_loop3A_450 : i32 to index
        %parallel_loop3A_452 = arith.index_cast %parallel_loop3A_449 : i32 to index
        %parallel_loop3A_453 = tpu.vector_load %arg6[%parallel_loop3A_451, %parallel_loop3A_452] {strides = array<i32>} : memref<2x25600xf32, #tpu.memory_space<vmem>>, vector<16xf32>,
        %parallel_loop3A_454 = arith.constant 256 : i32
        %parallel_loop3A_455 = arith.muli %parallel_loop3A_130, %parallel_loop3A_454 : i32
        %parallel_loop3A_456 = arith.constant 128 : i32
        %parallel_loop3A_457 = arith.addi %parallel_loop3A_455, %parallel_loop3A_456 : i32
        %parallel_loop3A_458 = arith.constant 112 : i32
        %parallel_loop3A_459 = arith.addi %parallel_loop3A_457, %parallel_loop3A_458 : i32
        %parallel_loop3A_460 = arith.constant 1 : i32
        %parallel_loop3A_461 = arith.index_cast %parallel_loop3A_460 : i32 to index
        %parallel_loop3A_462 = arith.index_cast %parallel_loop3A_459 : i32 to index
        %parallel_loop3A_463 = tpu.vector_load %arg6[%parallel_loop3A_461, %parallel_loop3A_462] {strides = array<i32>} : memref<2x25600xf32, #tpu.memory_space<vmem>>, vector<16xf32>,
        %parallel_loop3A_464 = arith.constant 1.000000e-03 : f32
        %parallel_loop3A_465 = vector.broadcast %parallel_loop3A_464 : f32 to vector<16xf32>
        %parallel_loop3A_466 = arith.subf %parallel_loop3A_453, %parallel_loop3A_465 : vector<16xf32>
        %parallel_loop3A_467 = arith.constant 1.280000e+02 : f32
        %parallel_loop3A_468 = vector.broadcast %parallel_loop3A_467 : f32 to vector<16xf32>
        %parallel_loop3A_469 = arith.mulf %parallel_loop3A_466, %parallel_loop3A_468 : vector<16xf32>
        %parallel_loop3A_470 = arith.fptosi %parallel_loop3A_469 : vector<16xf32> to vector<16xi32>
        %parallel_loop3A_471 = arith.constant -1.000000e-03 : f32
        %parallel_loop3A_472 = vector.broadcast %parallel_loop3A_471 : f32 to vector<16xf32>
        %parallel_loop3A_473 = arith.subf %parallel_loop3A_463, %parallel_loop3A_472 : vector<16xf32>
        %parallel_loop3A_474 = arith.constant 127.744514 : f32
        %parallel_loop3A_475 = vector.broadcast %parallel_loop3A_474 : f32 to vector<16xf32>
        %parallel_loop3A_476 = arith.mulf %parallel_loop3A_473, %parallel_loop3A_475 : vector<16xf32>
        %parallel_loop3A_477 = arith.fptosi %parallel_loop3A_476 : vector<16xf32> to vector<16xi32>
        %parallel_loop3A_478 = arith.constant 128 : i32
        %parallel_loop3A_479 = vector.broadcast %parallel_loop3A_478 : i32 to vector<16xi32>
        %parallel_loop3A_480 = arith.muli %parallel_loop3A_470, %parallel_loop3A_479 : vector<16xi32>
        %parallel_loop3A_481 = arith.addi %parallel_loop3A_480, %parallel_loop3A_477 : vector<16xi32>
        %parallel_loop3A_482 = tpu.vector_load_idx %arg5[%parallel_loop3A_481] : memref<16384xf32, #tpu.memory_space<vmem>>[vector<16xi32>], vector<16xf32>,
        %parallel_loop3A_483 = arith.constant 128 : i32
        %parallel_loop3A_484 = arith.muli %parallel_loop3A_130, %parallel_loop3A_483 : i32
        %parallel_loop3A_485 = arith.constant 112 : i32
        %parallel_loop3A_486 = arith.addi %parallel_loop3A_484, %parallel_loop3A_485 : i32
        %parallel_loop3A_487 = arith.constant 1 : i32
        %parallel_loop3A_488 = arith.index_cast %parallel_loop3A_487 : i32 to index
        %parallel_loop3A_489 = arith.index_cast %parallel_loop3A_486 : i32 to index
        %parallel_loop3A_490 = tpu.vector_load %arg7[%parallel_loop3A_488, %parallel_loop3A_489] {strides = array<i32>} : memref<2x12800xf32, #tpu.memory_space<vmem>>, vector<16xf32>,
        tpu.vector_store %arg7[%parallel_loop3A_488, %parallel_loop3A_489], %parallel_loop3A_482 {strides = array<i32>} : memref<2x12800xf32, #tpu.memory_space<vmem>>, vector<16xf32>,
      } {sc.loop_unroll_factor = 4 : i64, sc.parallel_access}
      %mul3A_118 = arith.constant 12800 : i32
      %mul3A_119 = arith.muli %add3A_90, %mul3A_118 : i32
      %add3A_120 = arith.addi %mul3A_8, %mul3A_119 : i32
      %dma_start3A_121 = arith.constant 1 : i32
      %dma_start3A_122 = arith.constant 0 : i32
      %dma_start3A_123 = tpu.memref_slice %arg7[%dma_start3A_121, %dma_start3A_122] : memref<2x12800xf32, #tpu.memory_space<vmem>> -> memref<1x12800xf32, #tpu.memory_space<vmem>>
      %dma_start3A_124 = tpu.memref_squeeze %dma_start3A_123 : memref<1x12800xf32, #tpu.memory_space<vmem>> -> memref<12800xf32, #tpu.memory_space<vmem>>
      %dma_start3A_125 = tpu.memref_slice %arg4[%add3A_120] : memref<3276800xf32, #tpu.memory_space<hbm>> -> memref<12800xf32, #tpu.memory_space<hbm>>
      %dma_start3A_126 = tpu.memref_slice %arg4[%add3A_120] : memref<3276800xf32, #tpu.memory_space<hbm>> -> memref<12800xf32, #tpu.memory_space<hbm>>
      %dma_start3A_127 = arith.constant 0 : i32
      %dma_start3A_128 = tpu.memref_slice %arg7[%dma_start3A_121, %dma_start3A_127] : memref<2x12800xf32, #tpu.memory_space<vmem>> -> memref<1x12800xf32, #tpu.memory_space<vmem>>
      %dma_start3A_129 = tpu.memref_squeeze %dma_start3A_128 : memref<1x12800xf32, #tpu.memory_space<vmem>> -> memref<12800xf32, #tpu.memory_space<vmem>>
      tpu.enqueue_dma source(%dma_start3A_129 : memref<12800xf32, #tpu.memory_space<vmem>>) target(%dma_start3A_126 : memref<12800xf32, #tpu.memory_space<hbm>>) target_semaphore(%arg11 : memref<!tpu.dma_semaphore, #tpu.memory_space<semaphore_mem>>)
    }
    %scan3A_22 = arith.constant 4 : i32
    %add3A_23 = arith.constant 76800 : i32
    %add3A_24 = arith.addi %mul3A_8, %add3A_23 : i32
    %dma_wait3A = arith.constant 0 : i32
    %dma_wait3A_25 = arith.constant 0 : i32
    %dma_wait3A_26 = tpu.memref_slice %arg7[%dma_wait3A, %dma_wait3A_25] : memref<2x12800xf32, #tpu.memory_space<vmem>> -> memref<1x12800xf32, #tpu.memory_space<vmem>>
    %dma_wait3A_27 = tpu.memref_squeeze %dma_wait3A_26 : memref<1x12800xf32, #tpu.memory_space<vmem>> -> memref<12800xf32, #tpu.memory_space<vmem>>
    %dma_wait3A_28 = tpu.memref_slice %arg4[%add3A_24] : memref<3276800xf32, #tpu.memory_space<hbm>> -> memref<12800xf32, #tpu.memory_space<hbm>>
    %dma_wait3A_29 = tpu.memref_slice %arg4[%add3A_24] : memref<3276800xf32, #tpu.memory_space<hbm>> -> memref<12800xf32, #tpu.memory_space<hbm>>
    %dma_wait3A_30 = arith.constant 0 : i32
    %dma_wait3A_31 = tpu.memref_slice %arg7[%dma_wait3A, %dma_wait3A_30] : memref<2x12800xf32, #tpu.memory_space<vmem>> -> memref<1x12800xf32, #tpu.memory_space<vmem>>
    %dma_wait3A_32 = tpu.memref_squeeze %dma_wait3A_31 : memref<1x12800xf32, #tpu.memory_space<vmem>> -> memref<12800xf32, #tpu.memory_space<vmem>>
    tpu.wait_dma2 semaphore(%arg10 : memref<!tpu.dma_semaphore, #tpu.memory_space<semaphore_mem>>) src(%dma_wait3A_32 : memref<12800xf32, #tpu.memory_space<vmem>>) dst(%dma_wait3A_29 : memref<12800xf32, #tpu.memory_space<hbm>>)
    %add3A_33 = arith.constant 89600 : i32
    %add3A_34 = arith.addi %mul3A_8, %add3A_33 : i32
    %dma_wait3A_35 = arith.constant 1 : i32
    %dma_wait3A_36 = arith.constant 0 : i32
    %dma_wait3A_37 = tpu.memref_slice %arg7[%dma_wait3A_35, %dma_wait3A_36] : memref<2x12800xf32, #tpu.memory_space<vmem>> -> memref<1x12800xf32, #tpu.memory_space<vmem>>
    %dma_wait3A_38 = tpu.memref_squeeze %dma_wait3A_37 : memref<1x12800xf32, #tpu.memory_space<vmem>> -> memref<12800xf32, #tpu.memory_space<vmem>>
    %dma_wait3A_39 = tpu.memref_slice %arg4[%add3A_34] : memref<3276800xf32, #tpu.memory_space<hbm>> -> memref<12800xf32, #tpu.memory_space<hbm>>
    %dma_wait3A_40 = tpu.memref_slice %arg4[%add3A_34] : memref<3276800xf32, #tpu.memory_space<hbm>> -> memref<12800xf32, #tpu.memory_space<hbm>>
    %dma_wait3A_41 = arith.constant 0 : i32
    %dma_wait3A_42 = tpu.memref_slice %arg7[%dma_wait3A_35, %dma_wait3A_41] : memref<2x12800xf32, #tpu.memory_space<vmem>> -> memref<1x12800xf32, #tpu.memory_space<vmem>>
    %dma_wait3A_43 = tpu.memref_squeeze %dma_wait3A_42 : memref<1x12800xf32, #tpu.memory_space<vmem>> -> memref<12800xf32, #tpu.memory_space<vmem>>
    tpu.wait_dma2 semaphore(%arg11 : memref<!tpu.dma_semaphore, #tpu.memory_space<semaphore_mem>>) src(%dma_wait3A_43 : memref<12800xf32, #tpu.memory_space<vmem>>) dst(%dma_wait3A_40 : memref<12800xf32, #tpu.memory_space<hbm>>)
    return
  }
}

</mosaic_0001>

<sc_bundles>
// kernel: kernel.3.cloned.1.call-start
scs
__scs_entry_jumppad:
0x0: {  	(pc) =	sbr.rel $0x88, $3  }
0x1: {  	(tag) =	ssettag $0x0;
	lr =	simm.s32 $0x1  }
0x2: {  	[smem:$0x3F9F] =	sst lr;
	_ =	strace $0xD0000000  }
0x3: {  	_ = 	snop  }
0x4: {  	_ = 	snop  }
0x5: {  	_ = 	snop  }
0x6: {  	_ = 	snop  }
0x7: {  	_ = 	snop  }
__scs_overlays_trampoline_lowered:
0x8: {  	[smem:$0x3FAE] =	sst s0  }
0x9: {  	[smem:$0x3FAF] =	sst s1  }
0xa: {  	[smem:$0x3FB0] =	sst s2  }
0xb: {  	[smem:$0x3FB1] =	sst s3  }
0xc: {  	[smem:$0x3FB2] =	sst s4  }
0xd: {  	[smem:$0x3FB3] =	sst s5  }
0xe: {  	[smem:$0x3FB4] =	sst s6  }
0xf: {  	[smem:$0x3FB5] =	sst s7  }
0x10: {  	[smem:$0x3FB6] =	sst s8  }
0x11: {  	[smem:$0x3FB7] =	sst s9;
	s0 =	simm.s32 @!p0 $0x0  }
0x12: {  	s1 =	sld [smem:$0x3F9D];
	s0 =	simm.s32 @p0 $0x1  }
0x13: {  	[smem:$0x3FB8] =	sst s0;
	s0 =	simm.s32 @!p1 $0x0  }
0x14: {  	s2 =	sld [smem:$0x3F9C];
	s0 =	simm.s32 @p1 $0x1  }
0x15: {  	[smem:$0x3FB9] =	sst s0;
	s0 =	simm.s32 @!p2 $0x0  }
0x16: {  	s3 =	sld [smem:$0x3FDB];
	s0 =	simm.s32 @p2 $0x1  }
0x17: {  	s4 =	simm.s32 $0x1BF5;
	[smem:$0x3FBB] =	sst s0  }
0x18: {  	s0 =	sld [smem:$0x3F9E];
	_ =	swait.ge [sflag:s4], $0x0  }
0x19: {  	s7 =	sld [smem:$0x3F9F]  }
0x1a: {  	s8 =	sadd.s32 $0xFFFFE003, lr  }
0x1b: {  	s9 =	sadd.s32 $0xFFFFFEF7, lr;
	s5 =	simm.s32 $0xFFFFFFFF;
	p2 =	slt.u32 s8, $0xFFFFF086  }
0x1c: {  	p1 =	slt.u32 s9, $0xF7A;
	s5 =	simm.s32 @!p2 $0x0  }
0x1d: {  	s5 =	simm.s32 @p1 $0x1;
	p0 =	seq.s32 s7, s2  }
0x1e: {  	s7 =	smul.u32 @!p0 $0xF7A, s2;
	p2 =	seq.s32 @!p0 s5, $0x0  }
0x1f: {  	s9 =	smul.u32 $0xF7A, s1;
	s8 =	simm.s32 @!p0 $0x1BF5;
	p2 =	por !p2, p0  }
0x20: {  	[sflag:s8] =	ssyncset.s32 @!p0 $0xFFFFF086;
	s6 =	sadd.s32 @!p0 s3, s7;
	s7 =	simm.s32 @!p0 $0x108  }
0x21: {  	s3 =	sadd.s32 s3, s9;
	s6 =	sadd.s32 @!p0 $0x88, s6;
	s7 =	simm.s32 @p2 $0x1082  }
0x22: {  	[simem:s7], [sflag:s8] =	dma.local @!p0 [hbm:s6], $0xF7A  }
0x23: {  	s9 =	sor.u32 $0xD0000000, s2;
	s6 =	simm.s32 $0x108;
	_ =	swait.ge @!p0 [sflag:s8], $0x0  }
0x24: {  	s3 =	sadd.s32 $0x88, s3;
	s6 =	simm.s32 @!p1 $0x1082;
	[sflag:s4] =	ssyncset.s32 $0xFFFFF086  }
0x25: {  	[simem:s6], [sflag:s4] =	dma.local [hbm:s3], $0xF7A  }
0x26: {  	[smem:$0x3F9F] =	sst s1;
	(tag) =	ssettag s2;
	_ =	strace s9  }
0x27: {  	s1 =	sld [smem:$0x3FAF]  }
0x28: {  	s2 =	sld [smem:$0x3FB0]  }
0x29: {  	s4 =	sld [smem:$0x3FB2]  }
0x2a: {  	p0 =	seq.s32 s5, $0x0;
	s5 =	sld [smem:$0x3FB3]  }
0x2b: {  	s6 =	sld [smem:$0x3FB4]  }
0x2c: {  	s7 =	sld [smem:$0x3FB5]  }
0x2d: {  	s3 =	simm.s32 $0x108;
	s8 =	sld [smem:$0x3FB6]  }
0x2e: {  	s3 =	simm.s32 @!p0 $0x1082;
	s9 =	sld [smem:$0x3FB7]  }
0x2f: {  	lr =	sadd.s32 s0, s3;
	s0 =	sld [smem:$0x3FAE]  }
0x30: {  	s3 =	sld [smem:$0x3FB1]  }
0x31: {  	[smem:$0x3FBA] =	sst s10  }
0x32: {  	s10 =	sld [smem:$0x3FB8];
	_ =	sdelay $0x3  }
0x33: {  	p0 =	seq.s32 s10, $0x1;
	s10 =	sld [smem:$0x3FBA];
	_ =	sdelay $0x3  }
0x34: {  	[smem:$0x3FBA] =	sst s10  }
0x35: {  	s10 =	sld [smem:$0x3FB9];
	_ =	sdelay $0x3  }
0x36: {  	p1 =	seq.s32 s10, $0x1;
	s10 =	sld [smem:$0x3FBA];
	_ =	sdelay $0x3  }
0x37: {  	[smem:$0x3FBA] =	sst s10  }
0x38: {  	s10 =	sld [smem:$0x3FBB]  }
0x39: {  	_ = 	snop;
	(pc) =	sbr.ind lr, $3  }
0x3a: {  	_ = 	snop  }
0x3b: {  	_ = 	snop  }
0x3c: {  	p2 =	seq.s32 s10, $0x1;
	s10 =	sld [smem:$0x3FBA]  }
0x3d: {  	_ =	shalt  }
0x3e: {  	_ =	shalt  }
0x3f: {  	_ =	shalt  }
0x40: {  	_ =	shalt  }
0x41: {  	_ =	shalt  }
0x42: {  	_ =	shalt  }
0x43: {  	_ =	shalt  }
0x44: {  	_ =	shalt  }
0x45: {  	_ =	shalt  }
0x46: {  	_ =	shalt  }
0x47: {  	_ =	shalt  }
0x48: {  	_ =	shalt  }
0x49: {  	_ =	shalt  }
0x4a: {  	_ =	shalt  }
0x4b: {  	_ =	shalt  }
0x4c: {  	_ =	shalt  }
0x4d: {  	_ =	shalt  }
0x4e: {  	_ =	shalt  }
0x4f: {  	_ =	shalt  }
0x50: {  	_ =	shalt  }
0x51: {  	_ =	shalt  }
0x52: {  	_ =	shalt  }
0x53: {  	_ =	shalt  }
0x54: {  	_ =	shalt  }
0x55: {  	_ =	shalt  }
0x56: {  	_ =	shalt  }
0x57: {  	_ =	shalt  }
0x58: {  	_ =	shalt  }
0x59: {  	_ =	shalt  }
0x5a: {  	_ =	shalt  }
0x5b: {  	_ =	shalt  }
0x5c: {  	_ =	shalt  }
0x5d: {  	_ =	shalt  }
0x5e: {  	_ =	shalt  }
0x5f: {  	_ =	shalt  }
0x60: {  	_ =	shalt  }
0x61: {  	_ =	shalt  }
0x62: {  	_ =	shalt  }
0x63: {  	_ =	shalt  }
0x64: {  	_ =	shalt  }
0x65: {  	_ =	shalt  }
0x66: {  	_ =	shalt  }
0x67: {  	_ =	shalt  }
0x68: {  	_ =	shalt  }
0x69: {  	_ =	shalt  }
0x6a: {  	_ =	shalt  }
0x6b: {  	_ =	shalt  }
0x6c: {  	_ =	shalt  }
0x6d: {  	_ =	shalt  }
0x6e: {  	_ =	shalt  }
0x6f: {  	_ =	shalt  }
0x70: {  	_ =	shalt  }
0x71: {  	_ =	shalt  }
0x72: {  	_ =	shalt  }
0x73: {  	_ =	shalt  }
0x74: {  	_ =	shalt  }
0x75: {  	_ =	shalt  }
0x76: {  	_ =	shalt  }
0x77: {  	_ =	shalt  }
0x78: {  	_ =	shalt  }
0x79: {  	_ =	shalt  }
0x7a: {  	_ =	shalt  }
0x7b: {  	_ =	shalt  }
0x7c: {  	_ =	shalt  }
0x7d: {  	_ =	shalt  }
0x7e: {  	_ =	shalt  }
0x7f: {  	_ =	shalt  }
0x80: {  	_ =	shalt  }
0x81: {  	_ =	shalt  }
0x82: {  	_ =	shalt  }
0x83: {  	_ =	shalt  }
0x84: {  	_ =	shalt  }
0x85: {  	_ =	shalt  }
0x86: {  	_ =	shalt  }
0x87: {  	_ =	shalt  }
.Lfunc_end0:
.L_simem_size_0:
called_computation_lowered:
.L_overlay_start_0:
0x88: {  	s2 =	sld [smem:$0x3FD9]  }
0x89: {  	s3 =	sld [smem:$0x3FFE];
	_ =	sdelay $0x1  }
0x8a: {  	s1 =	srdreg.scid  }
0x8b: {  	s0 =	sand.u32 $0x1, s1  }
0x8c: {  	s18 =	sshll.u32 s0, $0xA;
	s2 =	sadd.s32 s3, s2  }
0x8d: {  	s2 =	sadd.s32 s2, s18  }
0x8e: {  	[smem:$0x3FC6] =	sst s2  }
0x8f: {  	_ = 	snop  }
0x90: {  	s2 =	sld [smem:$0x3FC9]  }
0x91: {  	s19 =	sld [smem:$0x3FC8]  }
0x92: {  	s4 =	sld [smem:$0x3FD0];
	(tm) =	ssettm $0x1  }
0x93: {  	s5 =	sld [smem:$0x3FFB];
	_ =	sdelay $0x3  }
0x94: {  	_ =	strace s5  }
0x95: {  	s5 =	sld [smem:$0x3FFC];
	_ =	sdelay $0x3  }
0x96: {  	_ =	strace s5  }
0x97: {  	s5 =	sld [smem:$0x3FFD];
	_ =	sdelay $0x3  }
0x98: {  	_ =	strace s5  }
0x99: {  	_ =	strace $0x8FFFFFFF  }
0x9a: {  	s20 =	sld [smem:$0x3FDB];
	_ =	sdelay $0x1  }
0x9b: {  	s6 =	simm.s32 $_scs_section_size  }
0x9c: {  	s7 =	simm.s32 $_size__tile_overlayer_lowered;
	s8 =	simm.s32 $_tile_overlayer_lowered  }
0x9d: {  	s23 =	simm.s32 $0x1BFF;
	s22 =	sshll.u32 s8, $0x1;
	s5 =	sadd.s32 s6, s20  }
0x9e: {  	s9 =	simm.s32 $0x0;
	s21 =	sshll.u32 s7, $0x1;
	s7 =	sadd.s32 s22, s5  }
0x9f: {  	[timem:s9], [sflag:s23] =	dma.local [hbm:s7], s21  }
0xa0: {  	_ =	swait.ge [sflag:s23], s21  }
0xa1: {  	s6 =	ssub.s32 $0x0, s21;
	[sflag:s23] =	ssyncset.done $0x0  }
0xa2: {  	[sflag:s23] =	ssyncadd.s32 s6;
	_ =	sdelay $0x1  }
0xa3: {  	s24 =	simm.s32 $0x1B8B  }
0xa4: {  	_ =	swait.ge [sflag:s24], $0x1  }
0xa5: {  	[sflag:s24] =	ssyncset.done $0x0  }
0xa6: {  	s25 =	simm.s32 $0x1B8E;
	[sflag:s24] =	ssyncadd.s32 $0xFFFFFFFF  }
0xa7: {  	s26 =	simm.s32 $execute0_lowered;
	[smem:$0x3FD2] =	sst s25  }
0xa8: {  	s6 =	sshll.u32 s26, $0x1;
	_ =	strace $0x80000046;
	[dreg:$0x1] =	wrdreg $0xFFFFFFFF  }
0xa9: {  	s28 =	simm.s32 $_size_execute0_lowered;
	s5 =	sadd.s32 s5, s6;
	[dreg:$0x0] =	wrdreg $0x0  }
0xaa: {  	s6 =	sshll.u32 s28, $0x1;
	[dreg:$0x2] =	wrdreg s5  }
0xab: {  	[dreg:$0x3] =	wrdreg s6  }
0xac: {  	[dreg:$0x4] =	wrdreg $0xC0  }
0xad: {  	_ =	task [dreg:s9], $0x5FFFF  }
0xae: {  	[dreg:$0x1] =	wrdreg $0xFFFFFFFF  }
0xaf: {  	[dreg:$0x0] =	wrdreg $0x60  }
0xb0: {  	[dreg:$0x2] =	wrdreg s2  }
0xb1: {  	[dreg:$0x3] =	wrdreg s19  }
0xb2: {  	[dreg:$0x4] =	wrdreg s4  }
0xb3: {  	[dreg:$0x5] =	wrdreg $0x9  }
0xb4: {  	_ =	task.clear_ibuf [dreg:s9], $0x6FFFF;
	_ =	strace $0x90000046  }
0xb5: {  	s29 =	simm.s32 $0x9;
	_ =	strace $0x80000048  }
0xb6: {  	_ =	swait.ge [sflag:s29], $0x1  }
0xb7: {  	[sflag:s29] =	ssyncadd.s32 $0xFFFFFFFF  }
0xb8: {  	_ =	strace $0x90000048  }
0xb9: {  	_ =	sfence  }
0xba: {  	s30 =	sld [smem:$0x0];
	_ =	sdelay $0x2  }
0xbb: {  	s31 =	sshll.u32 s1, $0xD;
	s1 =	sshrl.u32 s1, $0x2  }
0xbc: {  	s3 =	sand.u32 $0x4000, s31;
	s1 =	sadd.s32 s1, s30  }
0xbd: {  	s0 =	sor.u32 s3, s0;
	s1 =	sshll.u32 s1, $0x11  }
0xbe: {  	s0 =	sor.u32 s1, s0  }
0xbf: {  	s0 =	sadd.s32 $0x8F2B, s0  }
0xc0: {  	[sflag:s0] =	ssyncadd.remote.s32 $0x1  }
0xc1: {  	_ =	sfence.sel $0xFFFF  }
0xc2: {  	[dreg:$0x0] =	wrdreg $0xFFFFFFFF;
	(pc) =	sbr.abs _section_cstart, $3  }
0xc3: {  	[dreg:$0x1] =	wrdreg $0xFFFFFFFF  }
0xc4: {  	_ =	task.clear_ibuf [dreg:s9], $0x2FFFF;
	_ =	strace $0x9FFFFFFF  }
0xc5: {  	(tm) =	ssettm $0x7FFFFFFF  }
tec
execute0_lowered:
.L_overlay_start_1:
0x0: {  	(tag) =	ssettag $0x1  }
0x1: {  	s1 =	rddreg [dreg:$0x0]  }
0x2: {  	s3 =	rddreg [dreg:$0x1];
	s2 =	srdreg.scid  }
0x3: {  	s0 =	stileid.u32;
	s4 =	rddreg [dreg:$0x2]  }
0x4: {  	s11 =	simm.s32 $0x3;
	s12 =	simm.s32 $0x1;
	s13 =	simm.s32 $0x2  }
0x5: {  	s14 =	simm.s32 $0x4;
	s6 =	sand.u32 $0x1, s2;
	s5 =	sshll.u32 s0, $0x1  }
0x6: {  	s15 =	simm.s32 $0x0;
	s2 =	rddreg [dreg:$0x3];
	s7 =	sor.u32 s6, s5  }
0x7: {  	s5 =	simm.s32 $0x0;
	s8 =	ssub.s32 $0x2, s6;
	s6 =	smul.u32 $0x32000, s7  }
0x8: {  	[smem:$0x7FF] =	sst s5;
	s9 =	sshrl.u32 s8, $0x1;
	s7 =	smul.u32 $0x19000, s7  }
0x9: {  	_ =	strace $0x80000047;
	s10 =	ssub.s32 s8, s9;
	s31 =	sshrl.u32 s6, $0x3  }
0xa: {  	s9 =	sadd.s32 $0xC800, s6;
	s10 =	smax.u32 s10, $0x1;
	s8 =	sadd.s32 s1, s31  }
.LBB2_1:
0xb: {  	s16 =	simm.s32 $0x4000  }
0xc: {  	s17 =	simm.s32 $0x10;
	s19 =	sadd.s32 $0x0, s8;
	s18 =	simm.s32 $0x4100  }
.LBB2_2:
0xd: {  	[tilespmem:s16], [sflag:$0x1] =	stream.linear.gather [hbm4b:s19+s5], $0x80, $0x38;
	[tilespmem:$0x16C00] =	vst v63  }
0xe: {  	s19 =	smov.u32 s17;
	s16 =	smov.u32 s18;
	p0 =	sne.s32 s17, $0xC70  }
.Ltmp0:
0xf: {  	s17 =	sadd.s32 $0x10, s17;
	(pc) =	sbr.rel @p0 .LBB2_2-.Ltmp0, $2  }
0x10: {  	_ =	sdelay $0x2  }
0x11: {  	s18 =	sadd.s32 $0x100, s18;
	s19 =	sadd.s32 s19, s8  }
0x12: {  	[tilespmem:s16], [sflag:$0x1] =	stream.linear.gather [hbm4b:s19+s5], $0x80, $0x38;
	[tilespmem:$0x16C00] =	vst v63  }
0x13: {  	s16 =	simm.s32 $0x0  }
0x14: {  	[tilespmem:s16], [sflag:$0x3] =	stream.linear.gather [hbm4b:s3+s16], $0x4000, $0x38;
	[tilespmem:$0x16C00] =	vst v63  }
0x15: {  	_ =	swait.ge [sflag:s11], $0x4000  }
0x16: {  	[sflag:s11] =	ssyncset.done $0x0  }
0x17: {  	[sflag:s11] =	ssyncadd.s32 $0xFFFFC000  }
.LBB2_4:
0x18: {  	s17 =	sshllo.u32 s16, $0x1  }
0x19: {  	s18 =	smul.u32 $0x6400, s17;
	_ =	sdelay $0x1  }
0x1a: {  	s18 =	sadd.s32 s6, s18  }
0x1b: {  	s18 =	sshrl.u32 s18, $0x3  }
0x1c: {  	s19 =	simm.s32 $0x4080;
	s18 =	sadd.s32 s1, s18  }
0x1d: {  	s20 =	simm.s32 $0x10;
	s21 =	simm.s32 $0x4180;
	s22 =	sadd.s32 $0x0, s18  }
.LBB2_5:
0x1e: {  	[tilespmem:s19], [sflag:$0x2] =	stream.linear.gather [hbm4b:s22+s5], $0x80, $0x38;
	[tilespmem:$0x16C00] =	vst v63  }
0x1f: {  	s22 =	smov.u32 s20;
	s19 =	smov.u32 s21;
	p0 =	sne.s32 s20, $0xC70  }
.Ltmp1:
0x20: {  	s20 =	sadd.s32 $0x10, s20;
	(pc) =	sbr.rel @p0 .LBB2_5-.Ltmp1, $2  }
0x21: {  	_ =	sdelay $0x2  }
0x22: {  	s21 =	sadd.s32 $0x100, s21;
	s22 =	sadd.s32 s22, s18  }
0x23: {  	[tilespmem:s19], [sflag:$0x2] =	stream.linear.gather [hbm4b:s22+s5], $0x80, $0x38;
	[tilespmem:$0x16C00] =	vst v63  }
0x24: {  	_ =	swait.ge [sflag:s12], $0x6400  }
0x25: {  	p0 =	seq.s32 s16, $0x0;
	[sflag:s12] =	ssyncset.done $0x0  }
0x26: {  	s18 =	simm.s32 @!p0 $0x3;
	[sflag:s12] =	ssyncadd.s32 $0xFFFF9C00  }
0x27: {  	_ =	swait.ge @!p0 [sflag:s18], $0x3200  }
0x28: {  	[sflag:s18] =	ssyncset.done @!p0 $0x0  }
0x29: {  	s31 =	simm.s32 $0x4400;
	[sflag:s18] =	ssyncadd.s32 @!p0 $0xFFFFCE00  }
0x2a: {  	v0 =	vld [tilespmem:s31+$0x200]  }
0x2b: {  	v1 =	vld [tilespmem:s31+$0x300];
	_ =	sdelay $0x3  }
0x2c: {  	v0 =	vadd.f32 $-1.000000050e-03, v0  }
0x2d: {  	v1 =	vadd.f32 $1.000000050e-03, v1  }
0x2e: {  	v0 =	vmul.f32 $1.280000000e+02, v0  }
0x2f: {  	v1 =	vmul.f32 $1.277445140e+02, v1  }
0x30: {  	v0 =	vtrunc.f32 v0  }
0x31: {  	v1 =	vtrunc.f32 v1;
	v0 =	vcvt.f32.s32 v0  }
0x32: {  	v1 =	vcvt.f32.s32 v1  }
0x33: {  	v0 =	vshll.u32 v0, $0x7  }
0x34: {  	v0 =	vadd.s32 v1, v0;
	_ =	sdelay $0x4  }
0x35: {  	v0 =	vld.idx.msk [tilespmem:v0+s5+$0x0], $0xffff;
	_ =	sdelay $0x3  }
0x36: {  	s18 =	simm.s32 $0x10A00  }
0x37: {  	[tilespmem:s18+$0x100] =	vst v0  }
0x38: {  	v0 =	vld [tilespmem:s31+$0x210]  }
0x39: {  	v1 =	vld [tilespmem:s31+$0x310];
	_ =	sdelay $0x3  }
0x3a: {  	v0 =	vadd.f32 $-1.000000050e-03, v0  }
0x3b: {  	v1 =	vadd.f32 $1.000000050e-03, v1  }
0x3c: {  	v0 =	vmul.f32 $1.280000000e+02, v0  }
0x3d: {  	v2 =	vld [tilespmem:s31+$0xFFFFFE00];
	v1 =	vmul.f32 $1.277445140e+02, v1  }
0x3e: {  	v3 =	vld [tilespmem:s31+$0x0];
	v0 =	vtrunc.f32 v0  }
0x3f: {  	v4 =	vld [tilespmem:s31+$0xFFFFFC00];
	v1 =	vtrunc.f32 v1;
	v0 =	vcvt.f32.s32 v0  }
0x40: {  	v5 =	vld [tilespmem:s31+$0xFFFFFD00];
	v1 =	vcvt.f32.s32 v1  }
0x41: {  	v6 =	vld [tilespmem:s31+$0xFFFFFF00];
	v0 =	vshll.u32 v0, $0x7  }
0x42: {  	v7 =	vld [tilespmem:s31+$0x100];
	v0 =	vadd.s32 v1, v0;
	_ =	sdelay $0x1  }
0x43: {  	v1 =	vadd.f32 $-1.000000050e-03, v2  }
0x44: {  	v2 =	vadd.f32 $-1.000000050e-03, v3;
	v3 =	vadd.f32 $-1.000000050e-03, v4  }
0x45: {  	v4 =	vadd.f32 $1.000000050e-03, v5;
	v5 =	vadd.f32 $1.000000050e-03, v6;
	v1 =	vmul.f32 $1.280000000e+02, v1  }
0x46: {  	v6 =	vadd.f32 $1.000000050e-03, v7;
	v3 =	vmul.f32 $1.280000000e+02, v3;
	v2 =	vmul.f32 $1.280000000e+02, v2;
	v0 =	vld.idx.msk [tilespmem:v0+s5+$0x0], $0xffff  }
0x47: {  	v4 =	vmul.f32 $1.277445140e+02, v4;
	v5 =	vmul.f32 $1.277445140e+02, v5  }
0x48: {  	v6 =	vmul.f32 $1.277445140e+02, v6;
	v3 =	vtrunc.f32 v3  }
0x49: {  	v1 =	vtrunc.f32 v1;
	v2 =	vtrunc.f32 v2  }
0x4a: {  	v4 =	vtrunc.f32 v4;
	v6 =	vtrunc.f32 v6  }
0x4b: {  	v3 =	vcvt.f32.s32 v3;
	v1 =	vcvt.f32.s32 v1;
	[tilespmem:s18+$0x110] =	vst v0  }
0x4c: {  	v4 =	vcvt.f32.s32 v4;
	v0 =	vtrunc.f32 v5;
	v5 =	vld [tilespmem:s31+$0x220]  }
0x4d: {  	v2 =	vcvt.f32.s32 v2;
	v3 =	vshll.u32 v3, $0x7;
	v0 =	vcvt.f32.s32 v0;
	v7 =	vld [tilespmem:s31+$0x320]  }
0x4e: {  	v6 =	vcvt.f32.s32 v6;
	v1 =	vshll.u32 v1, $0x7;
	v3 =	vadd.s32 v4, v3  }
0x4f: {  	v2 =	vshll.u32 v2, $0x7;
	v0 =	vadd.s32 v0, v1  }
0x50: {  	v1 =	vadd.s32 v6, v2  }
0x51: {  	v2 =	vadd.f32 $-1.000000050e-03, v5  }
0x52: {  	v4 =	vadd.f32 $1.000000050e-03, v7  }
0x53: {  	v3 =	vld.idx.msk [tilespmem:v3+s5+$0x0], $0xffff;
	v2 =	vmul.f32 $1.280000000e+02, v2  }
0x54: {  	v0 =	vld.idx.msk [tilespmem:v0+s5+$0x0], $0xffff;
	v4 =	vmul.f32 $1.277445140e+02, v4  }
0x55: {  	v1 =	vld.idx.msk [tilespmem:v1+s5+$0x0], $0xffff;
	v2 =	vtrunc.f32 v2  }
0x56: {  	v4 =	vtrunc.f32 v4;
	v2 =	vcvt.f32.s32 v2  }
0x57: {  	v4 =	vcvt.f32.s32 v4  }
0x58: {  	[tilespmem:s18+$0xFFFFFE00] =	vst v3;
	v2 =	vshll.u32 v2, $0x7  }
0x59: {  	v3 =	vld [tilespmem:s31+$0xFFFFFC10];
	[tilespmem:s18+$0xFFFFFF00] =	vst v0;
	v0 =	vadd.s32 v4, v2  }
0x5a: {  	[tilespmem:s18+$0x0] =	vst v1;
	v2 =	vld [tilespmem:s31+$0xFFFFFE10]  }
0x5b: {  	v1 =	vld [tilespmem:s31+$0x10]  }
0x5c: {  	v4 =	vld [tilespmem:s31+$0xFFFFFD10]  }
0x5d: {  	v5 =	vld [tilespmem:s31+$0xFFFFFF10]  }
0x5e: {  	v3 =	vadd.f32 $-1.000000050e-03, v3;
	v0 =	vld.idx.msk [tilespmem:v0+s5+$0x0], $0xffff  }
0x5f: {  	v6 =	vld [tilespmem:s31+$0x110]  }
0x60: {  	v3 =	vmul.f32 $1.280000000e+02, v3;
	_ =	sdelay $0x1  }
0x61: {  	v3 =	vtrunc.f32 v3;
	v1 =	vadd.f32 $-1.000000050e-03, v1;
	v4 =	vadd.f32 $1.000000050e-03, v4  }
0x62: {  	v2 =	vadd.f32 $-1.000000050e-03, v2;
	v5 =	vadd.f32 $1.000000050e-03, v5;
	v3 =	vcvt.f32.s32 v3;
	[tilespmem:s18+$0x120] =	vst v0  }
0x63: {  	v6 =	vadd.f32 $1.000000050e-03, v6;
	v0 =	vmul.f32 $1.280000000e+02, v1;
	v1 =	vmul.f32 $1.277445140e+02, v4;
	v4 =	vld [tilespmem:s31+$0x230]  }
0x64: {  	v2 =	vmul.f32 $1.280000000e+02, v2;
	v5 =	vmul.f32 $1.277445140e+02, v5;
	v7 =	vld [tilespmem:s31+$0x330]  }
0x65: {  	v6 =	vmul.f32 $1.277445140e+02, v6;
	v1 =	vtrunc.f32 v1  }
0x66: {  	v2 =	vtrunc.f32 v2;
	v1 =	vcvt.f32.s32 v1  }
0x67: {  	v3 =	vshll.u32 v3, $0x7;
	v2 =	vcvt.f32.s32 v2;
	v0 =	vtrunc.f32 v0  }
0x68: {  	v0 =	vcvt.f32.s32 v0;
	v1 =	vadd.s32 v1, v3;
	v3 =	vadd.f32 $-1.000000050e-03, v4  }
0x69: {  	v4 =	vtrunc.f32 v5;
	v5 =	vtrunc.f32 v6;
	v6 =	vadd.f32 $1.000000050e-03, v7  }
0x6a: {  	v4 =	vcvt.f32.s32 v4;
	v3 =	vmul.f32 $1.280000000e+02, v3  }
0x6b: {  	v2 =	vshll.u32 v2, $0x7;
	v5 =	vcvt.f32.s32 v5;
	v6 =	vmul.f32 $1.277445140e+02, v6  }
0x6c: {  	v0 =	vshll.u32 v0, $0x7;
	v2 =	vadd.s32 v4, v2;
	v3 =	vtrunc.f32 v3  }
0x6d: {  	v0 =	vadd.s32 v5, v0;
	v1 =	vld.idx.msk [tilespmem:v1+s5+$0x0], $0xffff;
	v4 =	vtrunc.f32 v6;
	v3 =	vcvt.f32.s32 v3  }
0x6e: {  	v4 =	vcvt.f32.s32 v4  }
0x6f: {  	v3 =	vshll.u32 v3, $0x7  }
0x70: {  	v3 =	vadd.s32 v4, v3  }
0x71: {  	v2 =	vld.idx.msk [tilespmem:v2+s5+$0x0], $0xffff  }
0x72: {  	v0 =	vld.idx.msk [tilespmem:v0+s5+$0x0], $0xffff;
	[tilespmem:s18+$0xFFFFFE10] =	vst v1  }
0x73: {  	v1 =	vld [tilespmem:s31+$0xFFFFFC20]  }
0x74: {  	v4 =	vld [tilespmem:s31+$0xFFFFFD20]  }
0x75: {  	v3 =	vld.idx.msk [tilespmem:v3+s5+$0x0], $0xffff  }
0x76: {  	[tilespmem:s18+$0xFFFFFF10] =	vst v2  }
0x77: {  	[tilespmem:s18+$0x10] =	vst v0;
	v0 =	vld [tilespmem:s31+$0xFFFFFE20]  }
0x78: {  	v2 =	vld [tilespmem:s31+$0x20]  }
0x79: {  	v5 =	vld [tilespmem:s31+$0xFFFFFF20];
	v1 =	vadd.f32 $-1.000000050e-03, v1;
	v4 =	vadd.f32 $1.000000050e-03, v4  }
0x7a: {  	v6 =	vld [tilespmem:s31+$0x120];
	[tilespmem:s18+$0x130] =	vst v3  }
0x7b: {  	v1 =	vmul.f32 $1.280000000e+02, v1;
	v4 =	vmul.f32 $1.277445140e+02, v4;
	v3 =	vld [tilespmem:s31+$0x240]  }
0x7c: {  	v7 =	vld [tilespmem:s31+$0x340];
	v0 =	vadd.f32 $-1.000000050e-03, v0  }
0x7d: {  	v1 =	vtrunc.f32 v1;
	v2 =	vadd.f32 $-1.000000050e-03, v2;
	v4 =	vtrunc.f32 v4  }
0x7e: {  	v5 =	vadd.f32 $1.000000050e-03, v5;
	v1 =	vcvt.f32.s32 v1;
	v4 =	vcvt.f32.s32 v4  }
0x7f: {  	v6 =	vadd.f32 $1.000000050e-03, v6;
	v0 =	vmul.f32 $1.280000000e+02, v0;
	v2 =	vmul.f32 $1.280000000e+02, v2  }
0x80: {  	v5 =	vmul.f32 $1.277445140e+02, v5;
	v1 =	vshll.u32 v1, $0x7;
	v3 =	vadd.f32 $-1.000000050e-03, v3  }
0x81: {  	v6 =	vmul.f32 $1.277445140e+02, v6;
	v1 =	vadd.s32 v4, v1;
	v4 =	vadd.f32 $1.000000050e-03, v7  }
0x82: {  	s23 =	simm.s32 $0x4C00;
	v0 =	vtrunc.f32 v0;
	v3 =	vmul.f32 $1.280000000e+02, v3  }
0x83: {  	v2 =	vtrunc.f32 v2;
	v7 =	vld [tilespmem:s23+$0x200];
	v4 =	vmul.f32 $1.277445140e+02, v4  }
0x84: {  	v8 =	vld [tilespmem:s23+$0x300];
	v5 =	vtrunc.f32 v5;
	v3 =	vtrunc.f32 v3  }
0x85: {  	v4 =	vtrunc.f32 v4;
	v3 =	vcvt.f32.s32 v3  }
0x86: {  	v9 =	vld [tilespmem:s23+$0xFFFFFE00];
	v6 =	vtrunc.f32 v6;
	v4 =	vcvt.f32.s32 v4  }
0x87: {  	v10 =	vld [tilespmem:s23+$0x0];
	v0 =	vcvt.f32.s32 v0;
	v2 =	vcvt.f32.s32 v2;
	v3 =	vshll.u32 v3, $0x7  }
0x88: {  	s21 =	simm.s32 $0x5400;
	v11 =	vld [tilespmem:s23+$0xFFFFFD00];
	v5 =	vcvt.f32.s32 v5;
	v3 =	vadd.s32 v4, v3;
	v4 =	vadd.f32 $-1.000000050e-03, v7  }
0x89: {  	v16 =	vld [tilespmem:s21+$0x200];
	v8 =	vadd.f32 $1.000000050e-03, v8;
	v6 =	vcvt.f32.s32 v6;
	v0 =	vshll.u32 v0, $0x7  }
0x8a: {  	v2 =	vshll.u32 v2, $0x7;
	v0 =	vadd.s32 v5, v0;
	v5 =	vld [tilespmem:s23+$0xFFFFFF00];
	v4 =	vmul.f32 $1.280000000e+02, v4  }
0x8b: {  	v8 =	vmul.f32 $1.277445140e+02, v8;
	v2 =	vadd.s32 v6, v2;
	v6 =	vld [tilespmem:s23+$0x100]  }
0x8c: {  	v1 =	vld.idx.msk [tilespmem:v1+s5+$0x0], $0xffff;
	v4 =	vtrunc.f32 v4  }
0x8d: {  	v8 =	vtrunc.f32 v8;
	v3 =	vld.idx.msk [tilespmem:v3+s5+$0x0], $0xffff;
	v4 =	vcvt.f32.s32 v4  }
0x8e: {  	v10 =	vadd.f32 $-1.000000050e-03, v10;
	v8 =	vcvt.f32.s32 v8;
	v7 =	vld [tilespmem:s23+$0xFFFFFC00]  }
0x8f: {  	v17 =	vld [tilespmem:s21+$0x300];
	v9 =	vadd.f32 $-1.000000050e-03, v9;
	v16 =	vadd.f32 $-1.000000050e-03, v16;
	v4 =	vshll.u32 v4, $0x7  }
0x90: {  	v10 =	vmul.f32 $1.280000000e+02, v10;
	v0 =	vld.idx.msk [tilespmem:v0+s5+$0x0], $0xffff;
	v5 =	vadd.f32 $1.000000050e-03, v5;
	v4 =	vadd.s32 v8, v4  }
0x91: {  	v16 =	vmul.f32 $1.280000000e+02, v16;
	v2 =	vld.idx.msk [tilespmem:v2+s5+$0x0], $0xffff;
	[tilespmem:s18+$0xFFFFFE20] =	vst v1;
	v1 =	vmul.f32 $1.280000000e+02, v9;
	v8 =	vadd.f32 $1.000000050e-03, v11  }
0x92: {  	v10 =	vtrunc.f32 v10;
	v6 =	vadd.f32 $1.000000050e-03, v6;
	v9 =	vld [tilespmem:s31+$0xFFFFFC30];
	v5 =	vmul.f32 $1.277445140e+02, v5;
	[tilespmem:s18+$0x140] =	vst v3  }
0x93: {  	v1 =	vtrunc.f32 v1;
	v7 =	vadd.f32 $-1.000000050e-03, v7;
	v3 =	vmul.f32 $1.277445140e+02, v8;
	v8 =	vld [tilespmem:s31+$0x250]  }
0x94: {  	v6 =	vmul.f32 $1.277445140e+02, v6;
	v1 =	vcvt.f32.s32 v1;
	v11 =	vld [tilespmem:s31+$0x350]  }
0x95: {  	v5 =	vtrunc.f32 v5;
	v7 =	vmul.f32 $1.280000000e+02, v7;
	v4 =	vld.idx.msk [tilespmem:v4+s5+$0x0], $0xffff  }
0x96: {  	v17 =	vadd.f32 $1.000000050e-03, v17;
	v6 =	vtrunc.f32 v6;
	v5 =	vcvt.f32.s32 v5  }
0x97: {  	s22 =	simm.s32 $0x5C00;
	[tilespmem:s18+$0xFFFFFF20] =	vst v0;
	v1 =	vshll.u32 v1, $0x7;
	v0 =	vadd.f32 $-1.000000050e-03, v9;
	v7 =	vtrunc.f32 v7  }
0x98: {  	v23 =	vld [tilespmem:s22+$0x300];
	v7 =	vcvt.f32.s32 v7;
	v3 =	vtrunc.f32 v3;
	v8 =	vadd.f32 $-1.000000050e-03, v8  }
0x99: {  	s19 =	simm.s32 $0x10E00;
	[tilespmem:s18+$0x20] =	vst v2;
	v2 =	vld [tilespmem:s31+$0xFFFFFE30];
	v1 =	vadd.s32 v5, v1;
	v3 =	vcvt.f32.s32 v3;
	v11 =	vadd.f32 $1.000000050e-03, v11  }
0x9a: {  	v9 =	vcvt.f32.s32 v10;
	v10 =	vld [tilespmem:s31+$0x30];
	v7 =	vshll.u32 v7, $0x7;
	v8 =	vmul.f32 $1.280000000e+02, v8;
	[tilespmem:s19+$0x100] =	vst v4  }
0x9b: {  	v3 =	vadd.s32 v3, v7;
	v4 =	vcvt.f32.s32 v6;
	v6 =	vmul.f32 $1.277445140e+02, v11;
	v7 =	vld [tilespmem:s23+$0x210]  }
0x9c: {  	v9 =	vshll.u32 v9, $0x7;
	v0 =	vmul.f32 $1.280000000e+02, v0;
	v5 =	vtrunc.f32 v8;
	v8 =	vld [tilespmem:s23+$0x310]  }
0x9d: {  	v12 =	vld [tilespmem:s31+$0xFFFFFD30];
	v4 =	vadd.s32 v4, v9;
	v6 =	vtrunc.f32 v6;
	v5 =	vcvt.f32.s32 v5  }
0x9e: {  	v17 =	vmul.f32 $1.277445140e+02, v17;
	v2 =	vadd.f32 $-1.000000050e-03, v2;
	v1 =	vld.idx.msk [tilespmem:v1+s5+$0x0], $0xffff;
	v6 =	vcvt.f32.s32 v6  }
0x9f: {  	v0 =	vtrunc.f32 v0;
	v10 =	vadd.f32 $-1.000000050e-03, v10;
	v11 =	vld [tilespmem:s31+$0xFFFFFF30];
	v5 =	vshll.u32 v5, $0x7  }
0xa0: {  	v2 =	vmul.f32 $1.280000000e+02, v2;
	v3 =	vld.idx.msk [tilespmem:v3+s5+$0x0], $0xffff;
	v5 =	vadd.s32 v6, v5;
	v6 =	vadd.f32 $-1.000000050e-03, v7  }
0xa1: {  	v0 =	vcvt.f32.s32 v0;
	v10 =	vmul.f32 $1.280000000e+02, v10;
	v9 =	vld [tilespmem:s31+$0x130];
	v8 =	vadd.f32 $1.000000050e-03, v8  }
0xa2: {  	v2 =	vtrunc.f32 v2;
	v7 =	vadd.f32 $1.000000050e-03, v12;
	v4 =	vld.idx.msk [tilespmem:v4+s5+$0x0], $0xffff;
	v6 =	vmul.f32 $1.280000000e+02, v6  }
0xa3: {  	v2 =	vcvt.f32.s32 v2;
	v8 =	vmul.f32 $1.277445140e+02, v8  }
0xa4: {  	v11 =	vadd.f32 $1.000000050e-03, v11;
	v7 =	vmul.f32 $1.277445140e+02, v7;
	v6 =	vtrunc.f32 v6  }
0xa5: {  	v23 =	vadd.f32 $1.000000050e-03, v23;
	[tilespmem:s19+$0xFFFFFE00] =	vst v3;
	v3 =	vld.idx.msk [tilespmem:v5+s5+$0x0], $0xffff;
	v5 =	vcvt.f32.s32 v6;
	v6 =	vtrunc.f32 v8  }
0xa6: {  	[tilespmem:s19+$0xFFFFFF00] =	vst v1;
	v11 =	vmul.f32 $1.277445140e+02, v11;
	v8 =	vadd.f32 $1.000000050e-03, v9;
	v9 =	vld [tilespmem:s23+$0xFFFFFC10];
	v1 =	vcvt.f32.s32 v6  }
0xa7: {  	v7 =	vtrunc.f32 v7;
	v6 =	vtrunc.f32 v10;
	v10 =	vld [tilespmem:s23+$0xFFFFFE10];
	[tilespmem:s19+$0x0] =	vst v4;
	v4 =	vshll.u32 v5, $0x7  }
0xa8: {  	v7 =	vcvt.f32.s32 v7;
	v5 =	vld [tilespmem:s23+$0x10];
	v1 =	vadd.s32 v1, v4;
	v4 =	vmul.f32 $1.277445140e+02, v8  }
0xa9: {  	v0 =	vshll.u32 v0, $0x7;
	v11 =	vtrunc.f32 v11;
	v6 =	vcvt.f32.s32 v6;
	v8 =	vld [tilespmem:s23+$0xFFFFFD10]  }
0xaa: {  	v12 =	vld [tilespmem:s23+$0xFFFFFF10];
	v0 =	vadd.s32 v7, v0;
	[tilespmem:s18+$0x150] =	vst v3;
	v3 =	vtrunc.f32 v4;
	v4 =	vcvt.f32.s32 v11  }
0xab: {  	v2 =	vshll.u32 v2, $0x7;
	v13 =	vld [tilespmem:s23+$0x110];
	v9 =	vadd.f32 $-1.000000050e-03, v9;
	v3 =	vcvt.f32.s32 v3  }
0xac: {  	v6 =	vshll.u32 v6, $0x7;
	v11 =	vld [tilespmem:s31+$0x260];
	v7 =	vadd.f32 $-1.000000050e-03, v10;
	v2 =	vadd.s32 v4, v2  }
0xad: {  	v4 =	vmul.f32 $1.280000000e+02, v9;
	v5 =	vadd.f32 $-1.000000050e-03, v5;
	v1 =	vld.idx.msk [tilespmem:v1+s5+$0x0], $0xffff;
	v3 =	vadd.s32 v3, v6  }
0xae: {  	v23 =	vmul.f32 $1.277445140e+02, v23;
	v9 =	vld [tilespmem:s31+$0x360];
	v6 =	vadd.f32 $1.000000050e-03, v8;
	v7 =	vmul.f32 $1.280000000e+02, v7  }
0xaf: {  	v0 =	vld.idx.msk [tilespmem:v0+s5+$0x0], $0xffff;
	v8 =	vadd.f32 $1.000000050e-03, v12;
	v4 =	vtrunc.f32 v4;
	v5 =	vmul.f32 $1.280000000e+02, v5  }
0xb0: {  	v24 =	vld [tilespmem:s22+$0xFFFFFE00];
	v6 =	vmul.f32 $1.277445140e+02, v6;
	v7 =	vtrunc.f32 v7  }
0xb1: {  	v10 =	vadd.f32 $1.000000050e-03, v13;
	v8 =	vmul.f32 $1.277445140e+02, v8;
	v5 =	vtrunc.f32 v5;
	v2 =	vld.idx.msk [tilespmem:v2+s5+$0x0], $0xffff  }
0xb2: {  	v7 =	vcvt.f32.s32 v7;
	v5 =	vcvt.f32.s32 v5;
	[tilespmem:s19+$0x110] =	vst v1;
	v3 =	vld.idx.msk [tilespmem:v3+s5+$0x0], $0xffff  }
0xb3: {  	v11 =	vadd.f32 $-1.000000050e-03, v11;
	v1 =	vcvt.f32.s32 v4;
	v4 =	vmul.f32 $1.277445140e+02, v10;
	v10 =	vld [tilespmem:s23+$0x220]  }
0xb4: {  	v9 =	vadd.f32 $1.000000050e-03, v9;
	v6 =	vtrunc.f32 v6;
	[tilespmem:s18+$0xFFFFFE30] =	vst v0;
	v0 =	vtrunc.f32 v8;
	v12 =	vld [tilespmem:s23+$0x320]  }
0xb5: {  	v24 =	vadd.f32 $-1.000000050e-03, v24;
	v11 =	vmul.f32 $1.280000000e+02, v11;
	v0 =	vcvt.f32.s32 v0  }
0xb6: {  	v25 =	vld [tilespmem:s22+$0x0];
	v7 =	vshll.u32 v7, $0x7;
	v6 =	vcvt.f32.s32 v6;
	v9 =	vmul.f32 $1.277445140e+02, v9  }
0xb7: {  	v26 =	vld [tilespmem:s22+$0xFFFFFF00];
	v1 =	vshll.u32 v1, $0x7;
	v4 =	vtrunc.f32 v4;
	v0 =	vadd.s32 v0, v7  }
0xb8: {  	v1 =	vadd.s32 v6, v1;
	v4 =	vcvt.f32.s32 v4;
	[tilespmem:s18+$0xFFFFFF30] =	vst v2;
	v8 =	vadd.f32 $-1.000000050e-03, v10  }
0xb9: {  	v2 =	vshll.u32 v5, $0x7;
	[tilespmem:s18+$0x30] =	vst v3;
	v3 =	vtrunc.f32 v9;
	v9 =	vld [tilespmem:s31+$0xFFFFFF40];
	v6 =	vadd.f32 $1.000000050e-03, v12  }
0xba: {  	v11 =	vtrunc.f32 v11;
	v2 =	vadd.s32 v4, v2;
	v10 =	vld [tilespmem:s31+$0xFFFFFC40];
	v5 =	vmul.f32 $1.280000000e+02, v8  }
0xbb: {  	v25 =	vadd.f32 $-1.000000050e-03, v25;
	v11 =	vcvt.f32.s32 v11;
	v12 =	vld [tilespmem:s31+$0xFFFFFD40];
	v6 =	vmul.f32 $1.277445140e+02, v6  }
0xbc: {  	v26 =	vadd.f32 $1.000000050e-03, v26;
	v3 =	vcvt.f32.s32 v3;
	v7 =	vld [tilespmem:s31+$0x40];
	v4 =	vtrunc.f32 v5  }
0xbd: {  	v0 =	vld.idx.msk [tilespmem:v0+s5+$0x0], $0xffff;
	v5 =	vshll.u32 v11, $0x7;
	v6 =	vtrunc.f32 v6;
	v4 =	vcvt.f32.s32 v4  }
0xbe: {  	v24 =	vmul.f32 $1.280000000e+02, v24;
	v8 =	vld [tilespmem:s31+$0xFFFFFE40];
	v3 =	vadd.s32 v3, v5;
	v5 =	vcvt.f32.s32 v6  }
0xbf: {  	v25 =	vmul.f32 $1.280000000e+02, v25;
	v26 =	vmul.f32 $1.277445140e+02, v26;
	v2 =	vld.idx.msk [tilespmem:v2+s5+$0x0], $0xffff;
	v4 =	vshll.u32 v4, $0x7  }
0xc0: {  	v17 =	vtrunc.f32 v17;
	v9 =	vadd.f32 $1.000000050e-03, v9;
	v4 =	vadd.s32 v5, v4  }
0xc1: {  	v23 =	vtrunc.f32 v23;
	v1 =	vld.idx.msk [tilespmem:v1+s5+$0x0], $0xffff;
	v10 =	vadd.f32 $-1.000000050e-03, v10;
	v7 =	vadd.f32 $-1.000000050e-03, v7  }
0xc2: {  	v24 =	vtrunc.f32 v24;
	v6 =	vld [tilespmem:s31+$0x140];
	v9 =	vmul.f32 $1.277445140e+02, v9  }
0xc3: {  	[tilespmem:s19+$0xFFFFFF10] =	vst v0;
	v10 =	vmul.f32 $1.280000000e+02, v10;
	v7 =	vmul.f32 $1.280000000e+02, v7  }
0xc4: {  	v25 =	vtrunc.f32 v25;
	v5 =	vadd.f32 $-1.000000050e-03, v8;
	v8 =	vadd.f32 $1.000000050e-03, v12;
	[tilespmem:s19+$0x10] =	vst v2;
	v2 =	vld [tilespmem:s23+$0xFFFFFE20]  }
0xc5: {  	v9 =	vtrunc.f32 v9;
	v7 =	vtrunc.f32 v7;
	v0 =	vld.idx.msk [tilespmem:v4+s5+$0x0], $0xffff  }
0xc6: {  	[tilespmem:s19+$0xFFFFFE10] =	vst v1;
	v12 =	vld [tilespmem:s23+$0xFFFFFF20];
	v5 =	vmul.f32 $1.280000000e+02, v5;
	v1 =	vmul.f32 $1.277445140e+02, v8  }
0xc7: {  	v8 =	vtrunc.f32 v10;
	v6 =	vadd.f32 $1.000000050e-03, v6;
	v10 =	vld [tilespmem:s23+$0xFFFFFC20];
	v7 =	vcvt.f32.s32 v7  }
0xc8: {  	v3 =	vld.idx.msk [tilespmem:v3+s5+$0x0], $0xffff;
	v1 =	vtrunc.f32 v1;
	v4 =	vtrunc.f32 v5  }
0xc9: {  	v13 =	vld [tilespmem:s23+$0x120];
	v5 =	vmul.f32 $1.277445140e+02, v6;
	v6 =	vcvt.f32.s32 v8  }
0xca: {  	v8 =	vld [tilespmem:s23+$0x20];
	v1 =	vcvt.f32.s32 v1;
	v4 =	vcvt.f32.s32 v4;
	v2 =	vadd.f32 $-1.000000050e-03, v2;
	[tilespmem:s19+$0x120] =	vst v0  }
0xcb: {  	v6 =	vshll.u32 v6, $0x7;
	v5 =	vtrunc.f32 v5;
	v0 =	vcvt.f32.s32 v9;
	v9 =	vld [tilespmem:s23+$0x230]  }
0xcc: {  	v5 =	vcvt.f32.s32 v5;
	v1 =	vadd.s32 v1, v6;
	v6 =	vadd.f32 $-1.000000050e-03, v10;
	v10 =	vld [tilespmem:s23+$0x330]  }
0xcd: {  	v11 =	vld [tilespmem:s23+$0xFFFFFD20];
	v7 =	vshll.u32 v7, $0x7;
	v4 =	vshll.u32 v4, $0x7;
	v2 =	vmul.f32 $1.280000000e+02, v2  }
0xce: {  	[tilespmem:s18+$0x160] =	vst v3;
	v3 =	vadd.s32 v5, v7;
	v5 =	vmul.f32 $1.280000000e+02, v6;
	v0 =	vadd.s32 v0, v4  }
0xcf: {  	v7 =	vadd.f32 $1.000000050e-03, v12;
	v12 =	vadd.f32 $1.000000050e-03, v13;
	v2 =	vtrunc.f32 v2  }
0xd0: {  	v4 =	vadd.f32 $-1.000000050e-03, v8;
	v5 =	vtrunc.f32 v5;
	v9 =	vadd.f32 $-1.000000050e-03, v9  }
0xd1: {  	v7 =	vmul.f32 $1.277445140e+02, v7;
	v12 =	vmul.f32 $1.277445140e+02, v12;
	v1 =	vld.idx.msk [tilespmem:v1+s5+$0x0], $0xffff;
	v10 =	vadd.f32 $1.000000050e-03, v10  }
0xd2: {  	v8 =	vadd.f32 $1.000000050e-03, v11;
	v5 =	vcvt.f32.s32 v5;
	v9 =	vmul.f32 $1.280000000e+02, v9  }
0xd3: {  	v4 =	vmul.f32 $1.280000000e+02, v4;
	v0 =	vld.idx.msk [tilespmem:v0+s5+$0x0], $0xffff;
	v10 =	vmul.f32 $1.277445140e+02, v10  }
0xd4: {  	v8 =	vmul.f32 $1.277445140e+02, v8;
	v3 =	vld.idx.msk [tilespmem:v3+s5+$0x0], $0xffff;
	v9 =	vtrunc.f32 v9  }
0xd5: {  	v6 =	vld [tilespmem:s31+$0x270];
	v10 =	vtrunc.f32 v10;
	v9 =	vcvt.f32.s32 v9  }
0xd6: {  	v11 =	vld [tilespmem:s31+$0x370];
	[tilespmem:s18+$0xFFFFFE40] =	vst v1;
	v1 =	vcvt.f32.s32 v2;
	v2 =	vcvt.f32.s32 v10  }
0xd7: {  	v4 =	vtrunc.f32 v4;
	v8 =	vtrunc.f32 v8;
	v9 =	vshll.u32 v9, $0x7  }
0xd8: {  	v13 =	vld [tilespmem:s31+$0xFFFFFD50];
	[tilespmem:s18+$0xFFFFFF40] =	vst v0;
	v0 =	vtrunc.f32 v7;
	v7 =	vcvt.f32.s32 v8;
	v2 =	vadd.s32 v2, v9  }
0xd9: {  	v5 =	vshll.u32 v5, $0x7;
	v4 =	vcvt.f32.s32 v4;
	[tilespmem:s18+$0x40] =	vst v3;
	v3 =	vtrunc.f32 v12;
	v10 =	vld [tilespmem:s31+$0xFFFFFC50]  }
0xda: {  	v6 =	vadd.f32 $-1.000000050e-03, v6;
	v3 =	vcvt.f32.s32 v3;
	v14 =	vld [tilespmem:s31+$0x150];
	v5 =	vadd.s32 v7, v5  }
0xdb: {  	v11 =	vadd.f32 $1.000000050e-03, v11;
	v4 =	vshll.u32 v4, $0x7;
	v8 =	vld [tilespmem:s31+$0xFFFFFE50];
	v0 =	vcvt.f32.s32 v0  }
0xdc: {  	v6 =	vmul.f32 $1.280000000e+02, v6;
	v1 =	vshll.u32 v1, $0x7;
	v3 =	vadd.s32 v3, v4;
	v7 =	vld [tilespmem:s31+$0xFFFFFF50]  }
0xdd: {  	v52 =	vtrunc.f32 v26;
	v17 =	vcvt.f32.s32 v17;
	v12 =	vadd.s32 v0, v1;
	v2 =	vld.idx.msk [tilespmem:v2+s5+$0x0], $0xffff  }
0xde: {  	v9 =	vld [tilespmem:s31+$0x50];
	v0 =	vmul.f32 $1.277445140e+02, v11;
	v1 =	vtrunc.f32 v6  }
0xdf: {  	v23 =	vcvt.f32.s32 v23;
	v1 =	vcvt.f32.s32 v1;
	v4 =	vadd.f32 $-1.000000050e-03, v10;
	v5 =	vld.idx.msk [tilespmem:v5+s5+$0x0], $0xffff  }
0xe0: {  	v11 =	vadd.f32 $1.000000050e-03, v14;
	v0 =	vtrunc.f32 v0;
	v6 =	vadd.f32 $-1.000000050e-03, v8  }
0xe1: {  	v0 =	vcvt.f32.s32 v0;
	v4 =	vmul.f32 $1.280000000e+02, v4;
	v3 =	vld.idx.msk [tilespmem:v3+s5+$0x0], $0xffff;
	v7 =	vadd.f32 $1.000000050e-03, v7  }
0xe2: {  	v8 =	vadd.f32 $1.000000050e-03, v13;
	v11 =	vmul.f32 $1.277445140e+02, v11;
	v10 =	vld.idx.msk [tilespmem:v12+s5+$0x0], $0xffff;
	v6 =	vmul.f32 $1.280000000e+02, v6;
	[tilespmem:s19+$0x130] =	vst v2  }
0xe3: {  	v9 =	vadd.f32 $-1.000000050e-03, v9;
	v2 =	vtrunc.f32 v4;
	v4 =	vmul.f32 $1.277445140e+02, v7;
	v7 =	vld [tilespmem:s23+$0x240]  }
0xe4: {  	v8 =	vmul.f32 $1.277445140e+02, v8;
	v11 =	vtrunc.f32 v11;
	[tilespmem:s19+$0xFFFFFE20] =	vst v5;
	v5 =	vld [tilespmem:s23+$0x340]  }
0xe5: {  	v9 =	vmul.f32 $1.280000000e+02, v9;
	v11 =	vcvt.f32.s32 v11  }
0xe6: {  	v6 =	vtrunc.f32 v6;
	v8 =	vtrunc.f32 v8;
	[tilespmem:s19+$0x20] =	vst v3  }
0xe7: {  	v9 =	vtrunc.f32 v9;
	v6 =	vcvt.f32.s32 v6;
	v12 =	vld [tilespmem:s23+$0x30]  }
0xe8: {  	v8 =	vcvt.f32.s32 v8;
	v9 =	vcvt.f32.s32 v9;
	v15 =	vld [tilespmem:s23+$0x130];
	v7 =	vadd.f32 $-1.000000050e-03, v7  }
0xe9: {  	v2 =	vcvt.f32.s32 v2;
	[tilespmem:s19+$0xFFFFFF20] =	vst v10;
	v10 =	vld [tilespmem:s23+$0xFFFFFC30];
	v6 =	vshll.u32 v6, $0x7;
	v5 =	vadd.f32 $1.000000050e-03, v5  }
0xea: {  	v13 =	vld [tilespmem:s23+$0xFFFFFD30];
	v4 =	vtrunc.f32 v4;
	v9 =	vshll.u32 v9, $0x7;
	v7 =	vmul.f32 $1.280000000e+02, v7  }
0xeb: {  	v2 =	vshll.u32 v2, $0x7;
	v4 =	vcvt.f32.s32 v4;
	v5 =	vmul.f32 $1.277445140e+02, v5  }
0xec: {  	v3 =	vld [tilespmem:s23+$0xFFFFFE30];
	v9 =	vadd.s32 v11, v9;
	v12 =	vadd.f32 $-1.000000050e-03, v12;
	v7 =	vtrunc.f32 v7  }
0xed: {  	v14 =	vld [tilespmem:s23+$0xFFFFFF30];
	v2 =	vadd.s32 v8, v2;
	v5 =	vtrunc.f32 v5;
	v7 =	vcvt.f32.s32 v7  }
0xee: {  	v15 =	vadd.f32 $1.000000050e-03, v15;
	v12 =	vmul.f32 $1.280000000e+02, v12;
	v5 =	vcvt.f32.s32 v5  }
0xef: {  	v18 =	vld [tilespmem:s21+$0xFFFFFE00];
	v10 =	vadd.f32 $-1.000000050e-03, v10;
	v13 =	vadd.f32 $1.000000050e-03, v13;
	v7 =	vshll.u32 v7, $0x7  }
0xf0: {  	v8 =	vld [tilespmem:s21+$0xFFFFFF00];
	v15 =	vmul.f32 $1.277445140e+02, v15;
	v12 =	vtrunc.f32 v12;
	v5 =	vadd.s32 v5, v7  }
0xf1: {  	v19 =	vld [tilespmem:s21+$0x0];
	v3 =	vadd.f32 $-1.000000050e-03, v3;
	v11 =	vcvt.f32.s32 v12;
	v12 =	vtrunc.f32 v16  }
0xf2: {  	v20 =	vld [tilespmem:s21+$0xFFFFFD00];
	v14 =	vadd.f32 $1.000000050e-03, v14;
	v10 =	vmul.f32 $1.280000000e+02, v10;
	v12 =	vcvt.f32.s32 v12  }
0xf3: {  	v4 =	vadd.s32 v4, v6;
	v6 =	vld [tilespmem:s21+$0x100];
	v13 =	vmul.f32 $1.277445140e+02, v13;
	v3 =	vmul.f32 $1.280000000e+02, v3  }
0xf4: {  	v14 =	vmul.f32 $1.277445140e+02, v14;
	v2 =	vld.idx.msk [tilespmem:v2+s5+$0x0], $0xffff;
	v16 =	vadd.f32 $-1.000000050e-03, v18;
	v12 =	vshll.u32 v12, $0x7  }
0xf5: {  	v8 =	vadd.f32 $1.000000050e-03, v8;
	v15 =	vtrunc.f32 v15;
	v12 =	vadd.s32 v17, v12;
	v5 =	vld.idx.msk [tilespmem:v5+s5+$0x0], $0xffff  }
0xf6: {  	v10 =	vtrunc.f32 v10;
	v16 =	vmul.f32 $1.280000000e+02, v16;
	v7 =	vld [tilespmem:s21+$0xFFFFFC00]  }
0xf7: {  	v13 =	vtrunc.f32 v13;
	v8 =	vmul.f32 $1.277445140e+02, v8  }
0xf8: {  	v18 =	vadd.f32 $-1.000000050e-03, v19;
	v4 =	vld.idx.msk [tilespmem:v4+s5+$0x0], $0xffff;
	v10 =	vcvt.f32.s32 v10;
	v16 =	vtrunc.f32 v16  }
0xf9: {  	v6 =	vadd.f32 $1.000000050e-03, v6;
	v8 =	vtrunc.f32 v8;
	[tilespmem:s18+$0xFFFFFE50] =	vst v2;
	v2 =	vld.idx.msk [tilespmem:v9+s5+$0x0], $0xffff;
	v16 =	vcvt.f32.s32 v16  }
0xfa: {  	v19 =	vadd.f32 $1.000000050e-03, v20;
	v17 =	vmul.f32 $1.280000000e+02, v18;
	v8 =	vcvt.f32.s32 v8;
	v12 =	vld.idx.msk [tilespmem:v12+s5+$0x0], $0xffff;
	[tilespmem:s19+$0x140] =	vst v5  }
0xfb: {  	v6 =	vmul.f32 $1.277445140e+02, v6;
	v16 =	vshll.u32 v16, $0x7;
	v7 =	vadd.f32 $-1.000000050e-03, v7;
	v18 =	vld [tilespmem:s23+$0x250]  }
0xfc: {  	v17 =	vtrunc.f32 v17;
	v8 =	vadd.s32 v8, v16;
	v5 =	vmul.f32 $1.277445140e+02, v19;
	v19 =	vld [tilespmem:s23+$0x350]  }
0xfd: {  	v9 =	vshll.u32 v10, $0x7;
	v10 =	vcvt.f32.s32 v17;
	v7 =	vmul.f32 $1.280000000e+02, v7  }
0xfe: {  	v15 =	vcvt.f32.s32 v15;
	v6 =	vtrunc.f32 v6  }
0xff: {  	[tilespmem:s18+$0xFFFFFF50] =	vst v4;
	v6 =	vcvt.f32.s32 v6;
	v10 =	vshll.u32 v10, $0x7;
	v7 =	vtrunc.f32 v7  }
0x100: {  	s20 =	simm.s32 $0x11200;
	v4 =	vld [tilespmem:s31+$0xFFFFFC60];
	[tilespmem:s18+$0x50] =	vst v2;
	v7 =	vcvt.f32.s32 v7;
	v5 =	vtrunc.f32 v5;
	v17 =	vadd.f32 $-1.000000050e-03, v18  }
0x101: {  	v2 =	vadd.s32 v6, v10;
	v8 =	vld.idx.msk [tilespmem:v8+s5+$0x0], $0xffff;
	[tilespmem:s20+$0x100] =	vst v12;
	v5 =	vcvt.f32.s32 v5;
	v19 =	vadd.f32 $1.000000050e-03, v19  }
0x102: {  	v3 =	vtrunc.f32 v3;
	v10 =	vld [tilespmem:s21+$0x310];
	v7 =	vshll.u32 v7, $0x7;
	v17 =	vmul.f32 $1.280000000e+02, v17  }
0x103: {  	v14 =	vtrunc.f32 v14;
	v16 =	vld [tilespmem:s21+$0x210];
	v5 =	vadd.s32 v5, v7;
	v7 =	vmul.f32 $1.277445140e+02, v19  }
0x104: {  	v13 =	vcvt.f32.s32 v13;
	v21 =	vld [tilespmem:s31+$0xFFFFFF60];
	v12 =	vtrunc.f32 v17  }
0x105: {  	v4 =	vadd.f32 $-1.000000050e-03, v4;
	v18 =	vld [tilespmem:s31+$0xFFFFFE60];
	v7 =	vtrunc.f32 v7;
	v6 =	vcvt.f32.s32 v12  }
0x106: {  	v3 =	vcvt.f32.s32 v3;
	v9 =	vadd.s32 v13, v9;
	v2 =	vld.idx.msk [tilespmem:v2+s5+$0x0], $0xffff;
	[tilespmem:s20+$0xFFFFFF00] =	vst v8;
	v7 =	vcvt.f32.s32 v7  }
0x107: {  	v4 =	vmul.f32 $1.280000000e+02, v4;
	v13 =	vld [tilespmem:s21+$0xFFFFFE10];
	v10 =	vadd.f32 $1.000000050e-03, v10;
	v6 =	vshll.u32 v6, $0x7  }
0x108: {  	v14 =	vcvt.f32.s32 v14;
	v16 =	vadd.f32 $-1.000000050e-03, v16;
	v5 =	vld.idx.msk [tilespmem:v5+s5+$0x0], $0xffff;
	v6 =	vadd.s32 v7, v6  }
0x109: {  	v4 =	vtrunc.f32 v4;
	v10 =	vmul.f32 $1.277445140e+02, v10;
	v19 =	vadd.f32 $1.000000050e-03, v21;
	v12 =	vld [tilespmem:s31+$0x60]  }
0x10a: {  	v20 =	vld [tilespmem:s31+$0xFFFFFD60];
	v4 =	vcvt.f32.s32 v4;
	v16 =	vmul.f32 $1.280000000e+02, v16;
	v18 =	vadd.f32 $-1.000000050e-03, v18  }
0x10b: {  	v3 =	vshll.u32 v3, $0x7;
	v17 =	vld [tilespmem:s31+$0x160];
	v8 =	vtrunc.f32 v10;
	v10 =	vmul.f32 $1.277445140e+02, v19  }
0x10c: {  	v3 =	vadd.s32 v14, v3;
	v9 =	vld.idx.msk [tilespmem:v9+s5+$0x0], $0xffff;
	[tilespmem:s20+$0x0] =	vst v2;
	v2 =	vcvt.f32.s32 v8;
	v18 =	vmul.f32 $1.280000000e+02, v18  }
0x10d: {  	v13 =	vadd.f32 $-1.000000050e-03, v13;
	v10 =	vtrunc.f32 v10;
	[tilespmem:s20+$0xFFFFFE00] =	vst v5;
	v5 =	vld.idx.msk [tilespmem:v6+s5+$0x0], $0xffff;
	v6 =	vtrunc.f32 v16  }
0x10e: {  	v18 =	vtrunc.f32 v18;
	v12 =	vadd.f32 $-1.000000050e-03, v12;
	v19 =	vld [tilespmem:s21+$0xFFFFFD10];
	v6 =	vcvt.f32.s32 v6  }
0x10f: {  	v13 =	vmul.f32 $1.280000000e+02, v13;
	v14 =	vcvt.f32.s32 v18;
	v18 =	vld [tilespmem:s21+$0xFFFFFF10]  }
0x110: {  	v12 =	vmul.f32 $1.280000000e+02, v12;
	v16 =	vadd.f32 $1.000000050e-03, v17;
	v17 =	vld [tilespmem:s21+$0xFFFFFC10];
	v6 =	vshll.u32 v6, $0x7  }
0x111: {  	v3 =	vld.idx.msk [tilespmem:v3+s5+$0x0], $0xffff;
	v7 =	vadd.f32 $1.000000050e-03, v20;
	v13 =	vtrunc.f32 v13;
	v6 =	vadd.s32 v2, v6  }
0x112: {  	v11 =	vshll.u32 v11, $0x7;
	v12 =	vtrunc.f32 v12;
	v8 =	vmul.f32 $1.277445140e+02, v16;
	v16 =	vld [tilespmem:s21+$0x10];
	[tilespmem:s19+$0x150] =	vst v5  }
0x113: {  	v11 =	vadd.s32 v15, v11;
	v7 =	vmul.f32 $1.277445140e+02, v7;
	v2 =	vcvt.f32.s32 v12;
	v12 =	vld [tilespmem:s23+$0x260]  }
0x114: {  	v10 =	vcvt.f32.s32 v10;
	v13 =	vcvt.f32.s32 v13;
	v19 =	vadd.f32 $1.000000050e-03, v19;
	v15 =	vld [tilespmem:s23+$0x360]  }
0x115: {  	v18 =	vadd.f32 $1.000000050e-03, v18;
	v5 =	vtrunc.f32 v7;
	v7 =	vadd.f32 $-1.000000050e-03, v17;
	v17 =	vld [tilespmem:s21+$0x110]  }
0x116: {  	v8 =	vtrunc.f32 v8;
	v19 =	vmul.f32 $1.277445140e+02, v19;
	v6 =	vld.idx.msk [tilespmem:v6+s5+$0x0], $0xffff  }
0x117: {  	v18 =	vmul.f32 $1.277445140e+02, v18;
	v7 =	vmul.f32 $1.280000000e+02, v7  }
0x118: {  	[tilespmem:s19+$0xFFFFFE30] =	vst v9;
	v9 =	vtrunc.f32 v19;
	v16 =	vadd.f32 $-1.000000050e-03, v16;
	v12 =	vadd.f32 $-1.000000050e-03, v12  }
0x119: {  	[tilespmem:s19+$0xFFFFFF30] =	vst v3;
	v3 =	vcvt.f32.s32 v9;
	v7 =	vtrunc.f32 v7;
	v15 =	vadd.f32 $1.000000050e-03, v15  }
0x11a: {  	v16 =	vmul.f32 $1.280000000e+02, v16;
	v17 =	vadd.f32 $1.000000050e-03, v17;
	v12 =	vmul.f32 $1.280000000e+02, v12  }
0x11b: {  	v11 =	vld.idx.msk [tilespmem:v11+s5+$0x0], $0xffff;
	v7 =	vcvt.f32.s32 v7;
	v15 =	vmul.f32 $1.277445140e+02, v15;
	[tilespmem:s20+$0x110] =	vst v6  }
0x11c: {  	v6 =	vmul.f32 $1.277445140e+02, v17;
	v12 =	vtrunc.f32 v12;
	v17 =	vld [tilespmem:s21+$0x220]  }
0x11d: {  	v15 =	vtrunc.f32 v15;
	v20 =	vld [tilespmem:s21+$0x320];
	v12 =	vcvt.f32.s32 v12  }
0x11e: {  	v4 =	vshll.u32 v4, $0x7;
	v16 =	vtrunc.f32 v16;
	v15 =	vcvt.f32.s32 v15  }
0x11f: {  	v19 =	vld [tilespmem:s23+$0xFFFFFC40];
	v7 =	vshll.u32 v7, $0x7;
	v16 =	vcvt.f32.s32 v16;
	v12 =	vshll.u32 v12, $0x7  }
0x120: {  	v3 =	vadd.s32 v3, v7;
	v6 =	vtrunc.f32 v6;
	v9 =	vadd.s32 v15, v12;
	v12 =	vld [tilespmem:s23+$0xFFFFFE40]  }
0x121: {  	[tilespmem:s19+$0x30] =	vst v11;
	v16 =	vshll.u32 v16, $0x7;
	v6 =	vcvt.f32.s32 v6;
	v15 =	vtrunc.f32 v18;
	v18 =	vld [tilespmem:s23+$0xFFFFFD40]  }
0x122: {  	v17 =	vadd.f32 $-1.000000050e-03, v17;
	v11 =	vcvt.f32.s32 v15;
	v7 =	vadd.f32 $1.000000050e-03, v20;
	v15 =	vld [tilespmem:s23+$0x40]  }
0x123: {  	v8 =	vcvt.f32.s32 v8;
	v5 =	vcvt.f32.s32 v5;
	v6 =	vadd.s32 v6, v16;
	v20 =	vld [tilespmem:s23+$0xFFFFFF40]  }
0x124: {  	v13 =	vshll.u32 v13, $0x7;
	v17 =	vmul.f32 $1.280000000e+02, v17;
	v7 =	vmul.f32 $1.277445140e+02, v7  }
0x125: {  	v4 =	vadd.s32 v5, v4;
	v3 =	vld.idx.msk [tilespmem:v3+s5+$0x0], $0xffff;
	v11 =	vadd.s32 v11, v13;
	v13 =	vadd.f32 $-1.000000050e-03, v19  }
0x126: {  	v9 =	vld.idx.msk [tilespmem:v9+s5+$0x0], $0xffff;
	v16 =	vtrunc.f32 v17;
	v12 =	vadd.f32 $-1.000000050e-03, v12;
	v7 =	vtrunc.f32 v7  }
0x127: {  	v17 =	vld [tilespmem:s23+$0x140];
	v18 =	vadd.f32 $1.000000050e-03, v18;
	v13 =	vmul.f32 $1.280000000e+02, v13;
	v16 =	vcvt.f32.s32 v16  }
0x128: {  	v6 =	vld.idx.msk [tilespmem:v6+s5+$0x0], $0xffff;
	v7 =	vcvt.f32.s32 v7;
	v15 =	vadd.f32 $-1.000000050e-03, v15;
	v19 =	vadd.f32 $1.000000050e-03, v20  }
0x129: {  	v12 =	vmul.f32 $1.280000000e+02, v12;
	v13 =	vtrunc.f32 v13;
	v16 =	vshll.u32 v16, $0x7  }
0x12a: {  	[tilespmem:s20+$0xFFFFFE10] =	vst v3;
	v11 =	vld.idx.msk [tilespmem:v11+s5+$0x0], $0xffff;
	v13 =	vcvt.f32.s32 v13;
	v7 =	vadd.s32 v7, v16;
	v16 =	vmul.f32 $1.277445140e+02, v18  }
0x12b: {  	v5 =	vtrunc.f32 v12;
	v12 =	vld [tilespmem:s21+$0xFFFFFC20];
	[tilespmem:s19+$0x160] =	vst v9;
	v9 =	vshll.u32 v14, $0x7;
	v14 =	vmul.f32 $1.280000000e+02, v15  }
0x12c: {  	v15 =	vmul.f32 $1.277445140e+02, v19;
	v18 =	vld [tilespmem:s23+$0x270];
	v3 =	vtrunc.f32 v16  }
0x12d: {  	v17 =	vadd.f32 $1.000000050e-03, v17;
	v5 =	vcvt.f32.s32 v5;
	[tilespmem:s20+$0x10] =	vst v6;
	v16 =	vld [tilespmem:s23+$0x370];
	v3 =	vcvt.f32.s32 v3  }
0x12e: {  	v9 =	vadd.s32 v10, v9;
	v10 =	vshll.u32 v13, $0x7;
	v13 =	vtrunc.f32 v14;
	v14 =	vld [tilespmem:s21+$0x20]  }
0x12f: {  	v5 =	vshll.u32 v5, $0x7;
	[tilespmem:s20+$0xFFFFFF10] =	vst v11;
	v11 =	vmul.f32 $1.277445140e+02, v17;
	v17 =	vld [tilespmem:s21+$0xFFFFFD20];
	v3 =	vadd.s32 v3, v10  }
0x130: {  	v7 =	vld.idx.msk [tilespmem:v7+s5+$0x0], $0xffff;
	v10 =	vcvt.f32.s32 v13;
	v13 =	vtrunc.f32 v15;
	v12 =	vadd.f32 $-1.000000050e-03, v12  }
0x131: {  	v6 =	vld [tilespmem:s21+$0xFFFFFE20];
	v11 =	vtrunc.f32 v11;
	v13 =	vcvt.f32.s32 v13;
	v15 =	vadd.f32 $-1.000000050e-03, v18  }
0x132: {  	v11 =	vcvt.f32.s32 v11;
	v16 =	vadd.f32 $1.000000050e-03, v16;
	v18 =	vld [tilespmem:s21+$0xFFFFFF20];
	v10 =	vshll.u32 v10, $0x7  }
0x133: {  	v12 =	vmul.f32 $1.280000000e+02, v12;
	v13 =	vadd.s32 v13, v5;
	v14 =	vadd.f32 $-1.000000050e-03, v14  }
0x134: {  	v5 =	vmul.f32 $1.280000000e+02, v15;
	v15 =	vld [tilespmem:s21+$0x120];
	v10 =	vadd.s32 v11, v10;
	v11 =	vmul.f32 $1.277445140e+02, v16  }
0x135: {  	v12 =	vtrunc.f32 v12;
	v3 =	vld.idx.msk [tilespmem:v3+s5+$0x0], $0xffff;
	v14 =	vmul.f32 $1.280000000e+02, v14  }
0x136: {  	v4 =	vld.idx.msk [tilespmem:v4+s5+$0x0], $0xffff;
	[tilespmem:s20+$0x120] =	vst v7;
	v6 =	vadd.f32 $-1.000000050e-03, v6;
	v5 =	vtrunc.f32 v5;
	v7 =	vtrunc.f32 v11  }
0x137: {  	v16 =	vld [tilespmem:s21+$0x230];
	v11 =	vadd.f32 $1.000000050e-03, v17;
	v5 =	vcvt.f32.s32 v5;
	v18 =	vadd.f32 $1.000000050e-03, v18  }
0x138: {  	v17 =	vld [tilespmem:s21+$0x330];
	v6 =	vmul.f32 $1.280000000e+02, v6;
	v7 =	vcvt.f32.s32 v7  }
0x139: {  	v2 =	vshll.u32 v2, $0x7;
	v13 =	vld.idx.msk [tilespmem:v13+s5+$0x0], $0xffff;
	v11 =	vmul.f32 $1.277445140e+02, v11;
	v18 =	vmul.f32 $1.277445140e+02, v18  }
0x13a: {  	v15 =	vadd.f32 $1.000000050e-03, v15;
	v6 =	vtrunc.f32 v6;
	[tilespmem:s19+$0xFFFFFE40] =	vst v3;
	v3 =	vld.idx.msk [tilespmem:v9+s5+$0x0], $0xffff;
	v9 =	vcvt.f32.s32 v12  }
0x13b: {  	v2 =	vadd.s32 v8, v2;
	v10 =	vld.idx.msk [tilespmem:v10+s5+$0x0], $0xffff;
	v12 =	vtrunc.f32 v14;
	v6 =	vcvt.f32.s32 v6  }
0x13c: {  	v11 =	vtrunc.f32 v11;
	v15 =	vmul.f32 $1.277445140e+02, v15;
	v16 =	vadd.f32 $-1.000000050e-03, v16  }
0x13d: {  	v14 =	vadd.f32 $1.000000050e-03, v17;
	v8 =	vld [tilespmem:s23+$0xFFFFFD50];
	v12 =	vcvt.f32.s32 v12;
	v18 =	vtrunc.f32 v18  }
0x13e: {  	v17 =	vld [tilespmem:s23+$0xFFFFFC50];
	v11 =	vcvt.f32.s32 v11;
	v16 =	vmul.f32 $1.280000000e+02, v16;
	[tilespmem:s19+$0xFFFFFF40] =	vst v13  }
0x13f: {  	[tilespmem:s18+$0xFFFFFE60] =	vst v4;
	v9 =	vshll.u32 v9, $0x7;
	v14 =	vmul.f32 $1.277445140e+02, v14;
	v4 =	vtrunc.f32 v15;
	v19 =	vld [tilespmem:s23+$0xFFFFFF50]  }
0x140: {  	v6 =	vshll.u32 v6, $0x7;
	v15 =	vcvt.f32.s32 v18;
	[tilespmem:s19+$0x40] =	vst v10;
	v13 =	vtrunc.f32 v16;
	v16 =	vld [tilespmem:s23+$0xFFFFFE50]  }
0x141: {  	v12 =	vshll.u32 v12, $0x7;
	v20 =	vld [tilespmem:s23+$0x150];
	v10 =	vcvt.f32.s32 v13;
	v13 =	vtrunc.f32 v14  }
0x142: {  	[tilespmem:s18+$0xFFFFFF60] =	vst v3;
	v3 =	vcvt.f32.s32 v4;
	v14 =	vld [tilespmem:s23+$0x50];
	v8 =	vadd.f32 $1.000000050e-03, v8;
	v13 =	vcvt.f32.s32 v13  }
0x143: {  	v4 =	vadd.s32 v11, v9;
	v6 =	vadd.s32 v15, v6;
	v10 =	vshll.u32 v10, $0x7  }
0x144: {  	v49 =	vld [tilespmem:s22+$0x200];
	v8 =	vmul.f32 $1.277445140e+02, v8;
	v10 =	vadd.s32 v13, v10;
	v13 =	vadd.f32 $-1.000000050e-03, v17  }
0x145: {  	v2 =	vld.idx.msk [tilespmem:v2+s5+$0x0], $0xffff;
	v3 =	vadd.s32 v3, v12;
	v11 =	vadd.f32 $-1.000000050e-03, v16;
	v16 =	vadd.f32 $1.000000050e-03, v19  }
0x146: {  	v9 =	vld [tilespmem:s31+$0xFFFFFC70];
	v18 =	vadd.f32 $1.000000050e-03, v20;
	v8 =	vtrunc.f32 v8;
	v13 =	vmul.f32 $1.280000000e+02, v13  }
0x147: {  	v15 =	vld [tilespmem:s31+$0xFFFFFE70];
	v12 =	vadd.f32 $-1.000000050e-03, v14;
	v8 =	vcvt.f32.s32 v8;
	v11 =	vmul.f32 $1.280000000e+02, v11  }
0x148: {  	v17 =	vld [tilespmem:s31+$0xFFFFFF70];
	v19 =	vshll.u32 v1, $0x7;
	v1 =	vmul.f32 $1.277445140e+02, v16;
	v16 =	vmul.f32 $1.277445140e+02, v18  }
0x149: {  	v4 =	vld.idx.msk [tilespmem:v4+s5+$0x0], $0xffff;
	v12 =	vmul.f32 $1.280000000e+02, v12;
	v13 =	vtrunc.f32 v13  }
0x14a: {  	v14 =	vld [tilespmem:s31+$0xFFFFFD70];
	v11 =	vtrunc.f32 v11;
	v13 =	vcvt.f32.s32 v13  }
0x14b: {  	v6 =	vld.idx.msk [tilespmem:v6+s5+$0x0], $0xffff;
	v1 =	vtrunc.f32 v1;
	v16 =	vtrunc.f32 v16  }
0x14c: {  	[tilespmem:s18+$0x60] =	vst v2;
	v9 =	vadd.f32 $-1.000000050e-03, v9;
	v10 =	vld.idx.msk [tilespmem:v10+s5+$0x0], $0xffff;
	v2 =	vtrunc.f32 v12;
	v11 =	vcvt.f32.s32 v11  }
0x14d: {  	v18 =	vld [tilespmem:s31+$0x170];
	v1 =	vcvt.f32.s32 v1;
	v16 =	vcvt.f32.s32 v16  }
0x14e: {  	v12 =	vadd.f32 $-1.000000050e-03, v15;
	v15 =	vld [tilespmem:s31+$0x70];
	[tilespmem:s20+$0xFFFFFE20] =	vst v4;
	v4 =	vmul.f32 $1.280000000e+02, v9;
	v2 =	vcvt.f32.s32 v2  }
0x14f: {  	v14 =	vadd.f32 $1.000000050e-03, v14;
	v13 =	vshll.u32 v13, $0x7;
	v48 =	vld [tilespmem:s21+$0xFFFFFD30];
	v11 =	vshll.u32 v11, $0x7  }
0x150: {  	v3 =	vld.idx.msk [tilespmem:v3+s5+$0x0], $0xffff;
	v8 =	vadd.s32 v8, v13;
	v12 =	vmul.f32 $1.280000000e+02, v12;
	v20 =	vshll.u32 v2, $0x7  }
0x151: {  	v4 =	vtrunc.f32 v4;
	[tilespmem:s20+$0x130] =	vst v10;
	v10 =	vadd.f32 $1.000000050e-03, v17;
	v16 =	vadd.s32 v16, v20;
	v20 =	vld [tilespmem:s22+$0xFFFFFD00]  }
0x152: {  	v13 =	vmul.f32 $1.277445140e+02, v14;
	v11 =	vadd.s32 v1, v11;
	v17 =	vadd.f32 $1.000000050e-03, v18;
	v2 =	vld [tilespmem:s21+$0x240]  }
0x153: {  	v12 =	vtrunc.f32 v12;
	v9 =	vld [tilespmem:s21+$0x340];
	v15 =	vadd.f32 $-1.000000050e-03, v15;
	v14 =	vmul.f32 $1.277445140e+02, v10  }
0x154: {  	[tilespmem:s20+$0xFFFFFF20] =	vst v6;
	v6 =	vld [tilespmem:s21+$0xFFFFFC30];
	v10 =	vcvt.f32.s32 v4;
	v1 =	vmul.f32 $1.277445140e+02, v17;
	v21 =	vadd.f32 $1.000000050e-03, v48  }
0x155: {  	[tilespmem:s20+$0x20] =	vst v3;
	v3 =	vld [tilespmem:s21+$0xFFFFFE30];
	v4 =	vcvt.f32.s32 v12;
	v15 =	vmul.f32 $1.280000000e+02, v15  }
0x156: {  	v18 =	vld [tilespmem:s21+$0x30];
	v21 =	vmul.f32 $1.277445140e+02, v21;
	v1 =	vtrunc.f32 v1  }
0x157: {  	v12 =	vld [tilespmem:s21+$0xFFFFFF30];
	v20 =	vadd.f32 $1.000000050e-03, v20;
	v22 =	vadd.f32 $-1.000000050e-03, v2;
	v2 =	vtrunc.f32 v13  }
0x158: {  	v17 =	vld [tilespmem:s21+$0x130];
	v9 =	vadd.f32 $1.000000050e-03, v9;
	v13 =	vtrunc.f32 v15;
	v21 =	vtrunc.f32 v21  }
0x159: {  	v15 =	vadd.f32 $-1.000000050e-03, v6;
	v6 =	vcvt.f32.s32 v13;
	v22 =	vmul.f32 $1.280000000e+02, v22  }
0x15a: {  	v13 =	vadd.f32 $-1.000000050e-03, v3;
	v3 =	vtrunc.f32 v14;
	v9 =	vmul.f32 $1.277445140e+02, v9  }
0x15b: {  	v14 =	vmul.f32 $1.280000000e+02, v15;
	v15 =	vadd.f32 $-1.000000050e-03, v18;
	v18 =	vtrunc.f32 v22  }
0x15c: {  	v9 =	vtrunc.f32 v9;
	v22 =	vadd.f32 $-1.000000050e-03, v49;
	v18 =	vcvt.f32.s32 v18  }
0x15d: {  	v8 =	vld.idx.msk [tilespmem:v8+s5+$0x0], $0xffff;
	v12 =	vadd.f32 $1.000000050e-03, v12;
	v17 =	vadd.f32 $1.000000050e-03, v17;
	v9 =	vcvt.f32.s32 v9  }
0x15e: {  	v16 =	vld.idx.msk [tilespmem:v16+s5+$0x0], $0xffff;
	v20 =	vmul.f32 $1.277445140e+02, v20;
	v22 =	vmul.f32 $1.280000000e+02, v22;
	v18 =	vshll.u32 v18, $0x7  }
0x15f: {  	v2 =	vcvt.f32.s32 v2;
	v13 =	vmul.f32 $1.280000000e+02, v13;
	v9 =	vadd.s32 v9, v18;
	v18 =	vld [tilespmem:s22+$0xFFFFFC00]  }
0x160: {  	v12 =	vmul.f32 $1.277445140e+02, v12;
	v22 =	vtrunc.f32 v22  }
0x161: {  	v27 =	vld [tilespmem:s22+$0x100];
	v17 =	vmul.f32 $1.277445140e+02, v17;
	v22 =	vcvt.f32.s32 v22  }
0x162: {  	[tilespmem:s19+$0xFFFFFE50] =	vst v8;
	v15 =	vmul.f32 $1.280000000e+02, v15;
	v14 =	vtrunc.f32 v14  }
0x163: {  	v11 =	vld.idx.msk [tilespmem:v11+s5+$0x0], $0xffff;
	[tilespmem:s19+$0x50] =	vst v16;
	v16 =	vcvt.f32.s32 v52;
	v13 =	vtrunc.f32 v13;
	v8 =	vshll.u32 v22, $0x7  }
0x164: {  	v14 =	vcvt.f32.s32 v14;
	v23 =	vadd.s32 v23, v8;
	v9 =	vld.idx.msk [tilespmem:v9+s5+$0x0], $0xffff;
	v18 =	vadd.f32 $-1.000000050e-03, v18  }
0x165: {  	v50 =	vld [tilespmem:s23+$0xFFFFFC60];
	v12 =	vtrunc.f32 v12;
	v17 =	vtrunc.f32 v17  }
0x166: {  	v27 =	vadd.f32 $1.000000050e-03, v27;
	v15 =	vtrunc.f32 v15;
	v18 =	vmul.f32 $1.280000000e+02, v18  }
0x167: {  	v5 =	vshll.u32 v5, $0x7;
	v13 =	vcvt.f32.s32 v13;
	v12 =	vcvt.f32.s32 v12  }
0x168: {  	v56 =	vld [tilespmem:s23+$0x60];
	v15 =	vcvt.f32.s32 v15;
	v8 =	vadd.s32 v0, v19;
	v0 =	vtrunc.f32 v18  }
0x169: {  	v18 =	vmul.f32 $1.277445140e+02, v27;
	v23 =	vld.idx.msk [tilespmem:v23+s5+$0x0], $0xffff;
	[tilespmem:s20+$0x140] =	vst v9;
	v9 =	vadd.s32 v7, v5;
	v5 =	vcvt.f32.s32 v24  }
0x16a: {  	[tilespmem:s19+$0xFFFFFF50] =	vst v11;
	v11 =	vadd.f32 $-1.000000050e-03, v50;
	v7 =	vshll.u32 v14, $0x7;
	v14 =	vtrunc.f32 v20;
	v19 =	vld [tilespmem:s21+$0x250]  }
0x16b: {  	v20 =	vcvt.f32.s32 v25;
	v51 =	vld [tilespmem:s21+$0x350];
	v18 =	vtrunc.f32 v18;
	v5 =	vshll.u32 v5, $0x7  }
0x16c: {  	v53 =	vld [tilespmem:s23+$0xFFFFFE60];
	v11 =	vmul.f32 $1.280000000e+02, v11;
	v18 =	vcvt.f32.s32 v18;
	v5 =	vadd.s32 v16, v5  }
0x16d: {  	s24 =	simm.s32 $0x11600;
	v54 =	vld [tilespmem:s23+$0xFFFFFD60];
	v60 =	vadd.f32 $-1.000000050e-03, v56;
	v0 =	vcvt.f32.s32 v0;
	v20 =	vshll.u32 v20, $0x7  }
0x16e: {  	v57 =	vld [tilespmem:s23+$0xFFFFFF60];
	v11 =	vtrunc.f32 v11;
	v14 =	vcvt.f32.s32 v14;
	[tilespmem:s24+$0x100] =	vst v23;
	v18 =	vadd.s32 v18, v20  }
0x16f: {  	v24 =	vmul.f32 $1.280000000e+02, v60;
	v0 =	vshll.u32 v0, $0x7;
	v20 =	vld [tilespmem:s22+$0x210];
	v19 =	vadd.f32 $-1.000000050e-03, v19  }
0x170: {  	v11 =	vcvt.f32.s32 v11;
	v0 =	vadd.s32 v14, v0;
	v23 =	vld [tilespmem:s22+$0x310];
	v55 =	vadd.f32 $1.000000050e-03, v51  }
0x171: {  	v59 =	vadd.f32 $-1.000000050e-03, v53;
	v27 =	vtrunc.f32 v24;
	v19 =	vmul.f32 $1.280000000e+02, v19;
	v5 =	vld.idx.msk [tilespmem:v5+s5+$0x0], $0xffff  }
0x172: {  	v58 =	vld [tilespmem:s23+$0x160];
	v13 =	vshll.u32 v13, $0x7;
	v16 =	vcvt.f32.s32 v21;
	v14 =	vmul.f32 $1.277445140e+02, v55  }
0x173: {  	v15 =	vshll.u32 v15, $0x7;
	v21 =	vmul.f32 $1.280000000e+02, v59;
	v18 =	vld.idx.msk [tilespmem:v18+s5+$0x0], $0xffff;
	v19 =	vtrunc.f32 v19  }
0x174: {  	v12 =	vadd.s32 v12, v13;
	v14 =	vtrunc.f32 v14;
	v19 =	vcvt.f32.s32 v19  }
0x175: {  	v7 =	vadd.s32 v16, v7;
	v61 =	vld.idx.msk [tilespmem:v0+s5+$0x0], $0xffff;
	v20 =	vadd.f32 $-1.000000050e-03, v20;
	v14 =	vcvt.f32.s32 v14  }
0x176: {  	v23 =	vadd.f32 $1.000000050e-03, v23;
	v16 =	vshll.u32 v19, $0x7;
	v19 =	vadd.f32 $1.000000050e-03, v54;
	[tilespmem:s24+$0xFFFFFF00] =	vst v5  }
0x177: {  	v14 =	vadd.s32 v14, v16;
	v16 =	vcvt.f32.s32 v17;
	v17 =	vadd.f32 $1.000000050e-03, v57;
	v13 =	vld [tilespmem:s22+$0xFFFFFE10]  }
0x178: {  	v22 =	vadd.f32 $1.000000050e-03, v58;
	v62 =	vmul.f32 $1.277445140e+02, v23;
	[tilespmem:s24+$0x0] =	vst v18;
	v29 =	vld [tilespmem:s22+$0xFFFFFF10];
	v19 =	vmul.f32 $1.277445140e+02, v19  }
0x179: {  	v0 =	vshll.u32 v10, $0x7;
	v18 =	vld [tilespmem:s22+$0x10];
	v10 =	vmul.f32 $1.277445140e+02, v17;
	v17 =	vmul.f32 $1.280000000e+02, v20  }
0x17a: {  	[tilespmem:s24+$0xFFFFFE00] =	vst v61;
	v20 =	vmul.f32 $1.277445140e+02, v22;
	v15 =	vadd.s32 v16, v15;
	v16 =	vtrunc.f32 v21  }
0x17b: {  	v63 =	vld [tilespmem:s22+$0xFFFFFC10];
	v5 =	vtrunc.f32 v17;
	v17 =	vtrunc.f32 v62  }
0x17c: {  	v10 =	vtrunc.f32 v10;
	v14 =	vld.idx.msk [tilespmem:v14+s5+$0x0], $0xffff;
	v5 =	vcvt.f32.s32 v5;
	v13 =	vadd.f32 $-1.000000050e-03, v13  }
0x17d: {  	v12 =	vld.idx.msk [tilespmem:v12+s5+$0x0], $0xffff;
	v17 =	vcvt.f32.s32 v17;
	v31 =	vcvt.f32.s32 v10;
	v33 =	vadd.f32 $1.000000050e-03, v29  }
0x17e: {  	v28 =	vld [tilespmem:s22+$0xFFFFFD10];
	v18 =	vadd.f32 $-1.000000050e-03, v18;
	v5 =	vshll.u32 v5, $0x7;
	v13 =	vmul.f32 $1.280000000e+02, v13  }
0x17f: {  	v30 =	vld [tilespmem:s22+$0x110];
	v22 =	vmul.f32 $1.277445140e+02, v33;
	v5 =	vadd.s32 v17, v5;
	v17 =	vtrunc.f32 v19  }
0x180: {  	v15 =	vld.idx.msk [tilespmem:v15+s5+$0x0], $0xffff;
	v19 =	vadd.f32 $-1.000000050e-03, v63;
	v18 =	vmul.f32 $1.280000000e+02, v18;
	v13 =	vtrunc.f32 v13  }
0x181: {  	v7 =	vld.idx.msk [tilespmem:v7+s5+$0x0], $0xffff;
	v22 =	vtrunc.f32 v22;
	[tilespmem:s20+$0x150] =	vst v14;
	v14 =	vcvt.f32.s32 v17  }
0x182: {  	v17 =	vtrunc.f32 v20;
	v19 =	vmul.f32 $1.280000000e+02, v19;
	v20 =	vld [tilespmem:s21+$0x260]  }
0x183: {  	v18 =	vtrunc.f32 v18;
	v32 =	vld [tilespmem:s21+$0x360];
	v10 =	vcvt.f32.s32 v17;
	v17 =	vadd.f32 $1.000000050e-03, v28  }
0x184: {  	v13 =	vcvt.f32.s32 v13;
	v22 =	vcvt.f32.s32 v22;
	v34 =	vld.idx.msk [tilespmem:v5+s5+$0x0], $0xffff;
	v5 =	vadd.f32 $1.000000050e-03, v30  }
0x185: {  	v19 =	vtrunc.f32 v19;
	[tilespmem:s20+$0x30] =	vst v15;
	v17 =	vmul.f32 $1.277445140e+02, v17  }
0x186: {  	[tilespmem:s20+$0xFFFFFE30] =	vst v7;
	v13 =	vshll.u32 v13, $0x7;
	v19 =	vcvt.f32.s32 v19;
	v39 =	vld [tilespmem:s21+$0x40];
	v23 =	vmul.f32 $1.277445140e+02, v5  }
0x187: {  	v5 =	vshll.u32 v4, $0x7;
	v4 =	vld [tilespmem:s21+$0xFFFFFD40];
	v17 =	vtrunc.f32 v17;
	v7 =	vadd.f32 $-1.000000050e-03, v20  }
0x188: {  	[tilespmem:s20+$0xFFFFFF30] =	vst v12;
	v19 =	vshll.u32 v19, $0x7;
	v20 =	vld [tilespmem:s21+$0xFFFFFC40];
	v26 =	vadd.f32 $1.000000050e-03, v32;
	v17 =	vcvt.f32.s32 v17  }
0x189: {  	v35 =	vmul.f32 $1.280000000e+02, v7;
	v7 =	vshll.u32 v6, $0x7;
	v6 =	vcvt.f32.s32 v18;
	v18 =	vld [tilespmem:s21+$0xFFFFFE40]  }
0x18a: {  	v15 =	vtrunc.f32 v23;
	v12 =	vmul.f32 $1.277445140e+02, v26;
	[tilespmem:s24+$0x110] =	vst v34;
	v17 =	vadd.s32 v17, v19;
	v19 =	vld [tilespmem:s21+$0xFFFFFF40]  }
0x18b: {  	v16 =	vcvt.f32.s32 v16;
	v13 =	vadd.s32 v22, v13;
	v15 =	vcvt.f32.s32 v15;
	v37 =	vld [tilespmem:s22+$0x220]  }
0x18c: {  	v23 =	vadd.f32 $-1.000000050e-03, v39;
	v38 =	vld [tilespmem:s22+$0x320];
	v36 =	vtrunc.f32 v35;
	v12 =	vtrunc.f32 v12  }
0x18d: {  	v4 =	vadd.f32 $1.000000050e-03, v4;
	v6 =	vshll.u32 v6, $0x7;
	v24 =	vcvt.f32.s32 v36  }
0x18e: {  	v45 =	vmul.f32 $1.280000000e+02, v23;
	v12 =	vcvt.f32.s32 v12;
	v15 =	vadd.s32 v15, v6  }
0x18f: {  	v20 =	vadd.f32 $-1.000000050e-03, v20;
	v43 =	vmul.f32 $1.277445140e+02, v4;
	v24 =	vshll.u32 v24, $0x7  }
0x190: {  	v18 =	vadd.f32 $-1.000000050e-03, v18;
	v19 =	vadd.f32 $1.000000050e-03, v19;
	v12 =	vadd.s32 v12, v24  }
0x191: {  	v13 =	vld.idx.msk [tilespmem:v13+s5+$0x0], $0xffff;
	v20 =	vmul.f32 $1.280000000e+02, v20;
	v40 =	vadd.f32 $-1.000000050e-03, v37;
	v41 =	vadd.f32 $1.000000050e-03, v38  }
0x192: {  	v17 =	vld.idx.msk [tilespmem:v17+s5+$0x0], $0xffff;
	v18 =	vmul.f32 $1.280000000e+02, v18;
	v19 =	vmul.f32 $1.277445140e+02, v19  }
0x193: {  	v24 =	vmul.f32 $1.280000000e+02, v40;
	v26 =	vmul.f32 $1.277445140e+02, v41;
	v15 =	vld.idx.msk [tilespmem:v15+s5+$0x0], $0xffff  }
0x194: {  	v42 =	vld [tilespmem:s21+$0x140];
	v18 =	vtrunc.f32 v18;
	v19 =	vtrunc.f32 v19  }
0x195: {  	v6 =	vtrunc.f32 v24;
	v18 =	vcvt.f32.s32 v18;
	v12 =	vld.idx.msk [tilespmem:v12+s5+$0x0], $0xffff  }
0x196: {  	v4 =	vld.idx.msk [tilespmem:v8+s5+$0x0], $0xffff;
	v8 =	vshll.u32 v16, $0x7;
	[tilespmem:s24+$0xFFFFFF10] =	vst v13;
	v16 =	vcvt.f32.s32 v6;
	v6 =	vtrunc.f32 v26  }
0x197: {  	[tilespmem:s24+$0xFFFFFE10] =	vst v17;
	v17 =	vtrunc.f32 v43;
	v44 =	vcvt.f32.s32 v6  }
0x198: {  	v11 =	vshll.u32 v11, $0x7;
	v6 =	vld.idx.msk [tilespmem:v9+s5+$0x0], $0xffff;
	v9 =	vtrunc.f32 v20;
	[tilespmem:s24+$0x10] =	vst v15;
	v15 =	vcvt.f32.s32 v19  }
0x199: {  	v49 =	vld [tilespmem:s22+$0xFFFFFF20];
	v20 =	vadd.f32 $1.000000050e-03, v42;
	v13 =	vshll.u32 v18, $0x7;
	v16 =	vshll.u32 v16, $0x7  }
0x19a: {  	v9 =	vcvt.f32.s32 v9;
	v16 =	vadd.s32 v44, v16;
	v13 =	vadd.s32 v15, v13;
	v15 =	vld [tilespmem:s22+$0xFFFFFD20];
	[tilespmem:s20+$0x160] =	vst v12  }
0x19b: {  	v11 =	vadd.s32 v14, v11;
	v17 =	vcvt.f32.s32 v17;
	v20 =	vmul.f32 $1.277445140e+02, v20;
	v14 =	vld [tilespmem:s21+$0x270]  }
0x19c: {  	v21 =	vcvt.f32.s32 v27;
	v9 =	vshll.u32 v9, $0x7;
	v12 =	vtrunc.f32 v45;
	v46 =	vld [tilespmem:s21+$0x370]  }
0x19d: {  	v18 =	vtrunc.f32 v20;
	v9 =	vadd.s32 v17, v9;
	v17 =	vld [tilespmem:s22+$0xFFFFFE20];
	v12 =	vcvt.f32.s32 v12  }
0x19e: {  	v3 =	vcvt.f32.s32 v3;
	v47 =	vld [tilespmem:s22+$0xFFFFFC20];
	v18 =	vcvt.f32.s32 v18  }
0x19f: {  	v2 =	vadd.s32 v2, v0;
	v21 =	vshll.u32 v21, $0x7;
	v16 =	vld.idx.msk [tilespmem:v16+s5+$0x0], $0xffff;
	v12 =	vshll.u32 v12, $0x7  }
0x1a0: {  	v23 =	vadd.f32 $1.000000050e-03, v49;
	v19 =	vld [tilespmem:s22+$0x20];
	v12 =	vadd.s32 v18, v12;
	v14 =	vadd.f32 $-1.000000050e-03, v14  }
0x1a1: {  	v18 =	vcvt.f32.s32 v1;
	v1 =	vld [tilespmem:s22+$0x120];
	v15 =	vadd.f32 $1.000000050e-03, v15;
	v20 =	vadd.f32 $1.000000050e-03, v46  }
0x1a2: {  	v51 =	vmul.f32 $1.277445140e+02, v23;
	v13 =	vld.idx.msk [tilespmem:v13+s5+$0x0], $0xffff;
	v17 =	vadd.f32 $-1.000000050e-03, v17;
	v14 =	vmul.f32 $1.280000000e+02, v14  }
0x1a3: {  	v8 =	vadd.s32 v31, v8;
	v9 =	vld.idx.msk [tilespmem:v9+s5+$0x0], $0xffff;
	v15 =	vmul.f32 $1.277445140e+02, v15;
	v20 =	vmul.f32 $1.277445140e+02, v20  }
0x1a4: {  	v48 =	vadd.f32 $-1.000000050e-03, v47;
	v17 =	vmul.f32 $1.280000000e+02, v17;
	[tilespmem:s24+$0x120] =	vst v16;
	v14 =	vtrunc.f32 v14  }
0x1a5: {  	v16 =	vadd.f32 $-1.000000050e-03, v19;
	v19 =	vld [tilespmem:s22+$0x230];
	v20 =	vtrunc.f32 v20;
	v14 =	vcvt.f32.s32 v14  }
0x1a6: {  	v22 =	vmul.f32 $1.280000000e+02, v48;
	v50 =	vld [tilespmem:s22+$0x330];
	v1 =	vadd.f32 $1.000000050e-03, v1;
	v20 =	vcvt.f32.s32 v20  }
0x1a7: {  	v11 =	vld.idx.msk [tilespmem:v11+s5+$0x0], $0xffff;
	v17 =	vtrunc.f32 v17;
	[tilespmem:s20+$0xFFFFFF40] =	vst v13;
	v13 =	vtrunc.f32 v15;
	v14 =	vshll.u32 v14, $0x7  }
0x1a8: {  	v12 =	vld.idx.msk [tilespmem:v12+s5+$0x0], $0xffff;
	v16 =	vmul.f32 $1.280000000e+02, v16;
	[tilespmem:s20+$0xFFFFFE40] =	vst v9;
	v0 =	vcvt.f32.s32 v17;
	v14 =	vadd.s32 v20, v14  }
0x1a9: {  	v10 =	vadd.s32 v10, v21;
	v13 =	vcvt.f32.s32 v13;
	v1 =	vmul.f32 $1.277445140e+02, v1;
	v52 =	vld [tilespmem:s21+$0xFFFFFC50]  }
0x1aa: {  	v8 =	vld.idx.msk [tilespmem:v8+s5+$0x0], $0xffff;
	v16 =	vtrunc.f32 v16;
	v20 =	vtrunc.f32 v22;
	v19 =	vadd.f32 $-1.000000050e-03, v19  }
0x1ab: {  	v15 =	vld [tilespmem:s21+$0xFFFFFE50];
	v16 =	vcvt.f32.s32 v16;
	v9 =	vcvt.f32.s32 v20;
	v20 =	vadd.f32 $1.000000050e-03, v50  }
0x1ac: {  	v1 =	vtrunc.f32 v1;
	v17 =	vmul.f32 $1.280000000e+02, v19;
	v19 =	vld [tilespmem:s21+$0xFFFFFD50]  }
0x1ad: {  	v0 =	vshll.u32 v0, $0x7;
	[tilespmem:s20+$0x40] =	vst v12;
	v1 =	vcvt.f32.s32 v1;
	v20 =	vmul.f32 $1.277445140e+02, v20;
	v53 =	vld.idx.msk [tilespmem:v14+s5+$0x0], $0xffff  }
0x1ae: {  	v12 =	vshll.u32 v16, $0x7;
	v54 =	vadd.f32 $-1.000000050e-03, v52;
	v14 =	vtrunc.f32 v17;
	v17 =	vld [tilespmem:s21+$0x50]  }
0x1af: {  	v10 =	vld.idx.msk [tilespmem:v10+s5+$0x0], $0xffff;
	v9 =	vshll.u32 v9, $0x7;
	v16 =	vtrunc.f32 v20;
	v14 =	vcvt.f32.s32 v14  }
0x1b0: {  	[tilespmem:s19+$0xFFFFFF60] =	vst v8;
	v56 =	vld [tilespmem:s21+$0x150];
	v8 =	vadd.s32 v13, v9;
	v20 =	vtrunc.f32 v51;
	v16 =	vcvt.f32.s32 v16  }
0x1b1: {  	[tilespmem:s19+$0xFFFFFE60] =	vst v11;
	v59 =	vld [tilespmem:s23+$0xFFFFFF70];
	v11 =	vcvt.f32.s32 v20;
	v9 =	vadd.f32 $1.000000050e-03, v19;
	v14 =	vshll.u32 v14, $0x7  }
0x1b2: {  	v55 =	vld [tilespmem:s21+$0xFFFFFF50];
	v12 =	vadd.s32 v1, v12;
	v13 =	vadd.f32 $-1.000000050e-03, v15;
	v14 =	vadd.s32 v16, v14  }
0x1b3: {  	v15 =	vld [tilespmem:s23+$0xFFFFFC70];
	v11 =	vadd.s32 v11, v0;
	v9 =	vmul.f32 $1.277445140e+02, v9;
	v0 =	vadd.f32 $-1.000000050e-03, v17  }
0x1b4: {  	v1 =	vadd.s32 v3, v5;
	v13 =	vmul.f32 $1.280000000e+02, v13;
	v20 =	vld [tilespmem:s23+$0xFFFFFD70];
	v17 =	vmul.f32 $1.280000000e+02, v54  }
0x1b5: {  	v58 =	vadd.f32 $1.000000050e-03, v56;
	v16 =	vld [tilespmem:s23+$0xFFFFFE70];
	v9 =	vtrunc.f32 v9;
	v57 =	vmul.f32 $1.280000000e+02, v0  }
0x1b6: {  	v5 =	vtrunc.f32 v17;
	v0 =	vadd.s32 v18, v7;
	v7 =	vld.idx.msk [tilespmem:v8+s5+$0x0], $0xffff;
	v8 =	vtrunc.f32 v13  }
0x1b7: {  	v19 =	vadd.f32 $1.000000050e-03, v55;
	v13 =	vmul.f32 $1.277445140e+02, v58;
	v9 =	vcvt.f32.s32 v9;
	v3 =	vld.idx.msk [tilespmem:v14+s5+$0x0], $0xffff  }
0x1b8: {  	[tilespmem:s19+$0x60] =	vst v10;
	v12 =	vld.idx.msk [tilespmem:v12+s5+$0x0], $0xffff;
	v5 =	vcvt.f32.s32 v5;
	v8 =	vcvt.f32.s32 v8  }
0x1b9: {  	v15 =	vadd.f32 $-1.000000050e-03, v15;
	v18 =	vld [tilespmem:s23+$0x70];
	v14 =	vmul.f32 $1.277445140e+02, v19;
	v17 =	vtrunc.f32 v57  }
0x1ba: {  	v11 =	vld.idx.msk [tilespmem:v11+s5+$0x0], $0xffff;
	v10 =	vadd.f32 $-1.000000050e-03, v16;
	v13 =	vtrunc.f32 v13;
	v16 =	vcvt.f32.s32 v17  }
0x1bb: {  	v19 =	vld [tilespmem:s23+$0x170];
	v17 =	vadd.f32 $1.000000050e-03, v20;
	v5 =	vshll.u32 v5, $0x7;
	v13 =	vcvt.f32.s32 v13  }
0x1bc: {  	v20 =	vld.idx.msk [tilespmem:v2+s5+$0x0], $0xffff;
	v14 =	vtrunc.f32 v14;
	v9 =	vadd.s32 v9, v5;
	v5 =	vadd.f32 $1.000000050e-03, v59;
	[tilespmem:s24+$0x130] =	vst v3  }
0x1bd: {  	v8 =	vshll.u32 v8, $0x7;
	[tilespmem:s24+$0xFFFFFE20] =	vst v7;
	v7 =	vmul.f32 $1.280000000e+02, v15;
	v3 =	vcvt.f32.s32 v14;
	v14 =	vld [tilespmem:s22+$0x240]  }
0x1be: {  	v2 =	vshll.u32 v16, $0x7;
	v16 =	vmul.f32 $1.277445140e+02, v5;
	v5 =	vadd.f32 $-1.000000050e-03, v18;
	v15 =	vld [tilespmem:s22+$0x340]  }
0x1bf: {  	[tilespmem:s24+$0xFFFFFF20] =	vst v11;
	v7 =	vtrunc.f32 v7;
	v60 =	vadd.s32 v3, v8;
	v3 =	vmul.f32 $1.280000000e+02, v10;
	v10 =	vld [tilespmem:s22+$0xFFFFFC30]  }
0x1c0: {  	[tilespmem:s24+$0x20] =	vst v12;
	v11 =	vmul.f32 $1.277445140e+02, v17;
	v17 =	vld [tilespmem:s22+$0xFFFFFE30];
	v18 =	vadd.f32 $1.000000050e-03, v19;
	v7 =	vcvt.f32.s32 v7  }
0x1c1: {  	v19 =	vld [tilespmem:s22+$0x30];
	v61 =	vmul.f32 $1.280000000e+02, v5;
	v8 =	vadd.s32 v13, v2;
	v3 =	vtrunc.f32 v3  }
0x1c2: {  	v12 =	vld [tilespmem:s22+$0xFFFFFD30];
	v2 =	vmul.f32 $1.277445140e+02, v18;
	v5 =	vcvt.f32.s32 v3;
	v62 =	vadd.f32 $-1.000000050e-03, v14  }
0x1c3: {  	[tilespmem:s18+$0x170] =	vst v4;
	v13 =	vld [tilespmem:s22+$0xFFFFFF30];
	v3 =	vtrunc.f32 v11;
	v11 =	vtrunc.f32 v61;
	v4 =	vadd.f32 $1.000000050e-03, v15  }
0x1c4: {  	[tilespmem:s19+$0x170] =	vst v6;
	v14 =	vld [tilespmem:s22+$0x130];
	v6 =	vcvt.f32.s32 v11;
	v15 =	vadd.f32 $-1.000000050e-03, v10;
	v63 =	vmul.f32 $1.280000000e+02, v62  }
0x1c5: {  	s25 =	simm.s32 $0xC;
	[tilespmem:s20+$0x170] =	vst v53;
	v17 =	vadd.f32 $-1.000000050e-03, v17;
	v10 =	vld.idx.msk [tilespmem:v9+s5+$0x0], $0xffff;
	v11 =	vmul.f32 $1.277445140e+02, v4;
	v4 =	vtrunc.f32 v16  }
0x1c6: {  	s26 =	simm.s32 $0x6400;
	s23 =	simm.s32 $0x11600;
	[tilespmem:s18+$0xFFFFFE70] =	vst v20;
	v18 =	vadd.f32 $-1.000000050e-03, v19;
	v9 =	vld.idx.msk [tilespmem:v60+s5+$0x0], $0xffff;
	v16 =	vmul.f32 $1.280000000e+02, v15;
	v15 =	vtrunc.f32 v63  }
.LBB2_7:
0x1c7: {  	v19 =	vld [tilespmem:s26+$0x200];
	s25 =	sadd.s32 $0x4, s25;
	v12 =	vadd.f32 $1.000000050e-03, v12;
	v15 =	vcvt.f32.s32 v15;
	v11 =	vtrunc.f32 v11  }
0x1c8: {  	v17 =	vmul.f32 $1.280000000e+02, v17;
	v20 =	vld [tilespmem:s26+$0x300];
	p1 =	slt.u32 s25, $0x60;
	v13 =	vadd.f32 $1.000000050e-03, v13;
	v11 =	vcvt.f32.s32 v11  }
0x1c9: {  	v18 =	vmul.f32 $1.280000000e+02, v18;
	v21 =	vld [tilespmem:s26+$0xFFFFFE00];
	v14 =	vadd.f32 $1.000000050e-03, v14;
	v15 =	vshll.u32 v15, $0x7  }
0x1ca: {  	v12 =	vmul.f32 $1.277445140e+02, v12;
	v22 =	vld [tilespmem:s26+$0x0];
	v13 =	vmul.f32 $1.277445140e+02, v13;
	v11 =	vadd.s32 v11, v15  }
0x1cb: {  	v7 =	vshll.u32 v7, $0x7;
	v16 =	vtrunc.f32 v16;
	v15 =	vld [tilespmem:s26+$0xFFFFFC00];
	v14 =	vmul.f32 $1.277445140e+02, v14;
	[tilespmem:s20+$0xFFFFFE50] =	vst v10  }
0x1cc: {  	v17 =	vtrunc.f32 v17;
	v18 =	vtrunc.f32 v18;
	v10 =	vld [tilespmem:s26+$0xFFFFFD00];
	v19 =	vadd.f32 $-1.000000050e-03, v19;
	[tilespmem:s20+$0xFFFFFF50] =	vst v9  }
0x1cd: {  	v16 =	vcvt.f32.s32 v16;
	v17 =	vcvt.f32.s32 v17;
	v9 =	vld [tilespmem:s26+$0xFFFFFF00];
	v20 =	vadd.f32 $1.000000050e-03, v20  }
0x1ce: {  	v18 =	vcvt.f32.s32 v18;
	v21 =	vadd.f32 $-1.000000050e-03, v21;
	v23 =	vld [tilespmem:s26+$0x100];
	v19 =	vmul.f32 $1.280000000e+02, v19  }
0x1cf: {  	v12 =	vtrunc.f32 v12;
	v22 =	vadd.f32 $-1.000000050e-03, v22;
	v20 =	vmul.f32 $1.277445140e+02, v20;
	v11 =	vld.idx.msk [tilespmem:v11+s5+$0x0], $0xffff  }
0x1d0: {  	v15 =	vadd.f32 $-1.000000050e-03, v15;
	v21 =	vmul.f32 $1.280000000e+02, v21;
	v19 =	vtrunc.f32 v19;
	v8 =	vld.idx.msk [tilespmem:v8+s5+$0x0], $0xffff  }
0x1d1: {  	v10 =	vadd.f32 $1.000000050e-03, v10;
	v19 =	vcvt.f32.s32 v19;
	v20 =	vtrunc.f32 v20;
	v24 =	vld [tilespmem:s21+$0xFFFFFC60]  }
0x1d2: {  	v15 =	vmul.f32 $1.280000000e+02, v15;
	v9 =	vadd.f32 $1.000000050e-03, v9;
	v20 =	vcvt.f32.s32 v20;
	v25 =	vld [tilespmem:s21+$0xFFFFFE60]  }
0x1d3: {  	v22 =	vmul.f32 $1.280000000e+02, v22;
	v23 =	vadd.f32 $1.000000050e-03, v23;
	v19 =	vshll.u32 v19, $0x7;
	v26 =	vld [tilespmem:s21+$0xFFFFFD60]  }
0x1d4: {  	v10 =	vmul.f32 $1.277445140e+02, v10;
	v9 =	vmul.f32 $1.277445140e+02, v9;
	v19 =	vadd.s32 v20, v19;
	v20 =	vld [tilespmem:s21+$0xFFFFFF60]  }
0x1d5: {  	v16 =	vshll.u32 v16, $0x7;
	v15 =	vtrunc.f32 v15;
	v23 =	vmul.f32 $1.277445140e+02, v23;
	[tilespmem:s24+$0x140] =	vst v11;
	v1 =	vld.idx.msk [tilespmem:v1+s5+$0x0], $0xffff  }
0x1d6: {  	v17 =	vshll.u32 v17, $0x7;
	v11 =	vtrunc.f32 v21;
	v21 =	vtrunc.f32 v22;
	v22 =	vld [tilespmem:s22+$0x250];
	[tilespmem:s20+$0x50] =	vst v8  }
0x1d7: {  	v8 =	vcvt.f32.s32 v15;
	v11 =	vcvt.f32.s32 v11;
	v15 =	vshll.u32 v18, $0x7;
	v18 =	vld [tilespmem:s22+$0x350]  }
0x1d8: {  	v10 =	vtrunc.f32 v10;
	v21 =	vcvt.f32.s32 v21;
	v24 =	vadd.f32 $-1.000000050e-03, v24;
	v27 =	vld [tilespmem:s21+$0x60]  }
0x1d9: {  	v9 =	vtrunc.f32 v9;
	v23 =	vtrunc.f32 v23;
	v8 =	vshll.u32 v8, $0x7;
	v19 =	vld.idx.msk [tilespmem:v19+s5+$0x0], $0xffff  }
0x1da: {  	v10 =	vcvt.f32.s32 v10;
	v9 =	vcvt.f32.s32 v9;
	v11 =	vshll.u32 v11, $0x7;
	v28 =	vld [tilespmem:s21+$0x160]  }
0x1db: {  	v23 =	vcvt.f32.s32 v23;
	v21 =	vshll.u32 v21, $0x7;
	v22 =	vadd.f32 $-1.000000050e-03, v22;
	[tilespmem:s18+$0xFFFFFF70] =	vst v1;
	v0 =	vld.idx.msk [tilespmem:v0+s5+$0x0], $0xffff  }
0x1dc: {  	v1 =	vadd.s32 v10, v8;
	v8 =	vadd.s32 v9, v11;
	v9 =	vadd.f32 $1.000000050e-03, v18  }
0x1dd: {  	v10 =	vadd.s32 v23, v21;
	v11 =	vtrunc.f32 v13;
	v13 =	vmul.f32 $1.280000000e+02, v22  }
0x1de: {  	v14 =	vtrunc.f32 v14;
	s24 =	sadd.s32 $0x400, s24;
	v18 =	vadd.f32 $-1.000000050e-03, v25;
	v9 =	vmul.f32 $1.277445140e+02, v9  }
0x1df: {  	v12 =	vcvt.f32.s32 v12;
	[tilespmem:s24+$0x100] =	vst v19;
	v13 =	vtrunc.f32 v13;
	v19 =	vadd.f32 $-1.000000050e-03, v27  }
0x1e0: {  	v22 =	vadd.f32 $1.000000050e-03, v26;
	v21 =	vld [tilespmem:s26+$0x210];
	v13 =	vcvt.f32.s32 v13;
	v9 =	vtrunc.f32 v9  }
0x1e1: {  	v12 =	vadd.s32 v12, v16;
	v11 =	vcvt.f32.s32 v11;
	v23 =	vld [tilespmem:s26+$0x310];
	v9 =	vcvt.f32.s32 v9;
	[tilespmem:s18+$0x70] =	vst v0;
	s18 =	smov.u32 s19;
	s19 =	smov.u32 s20;
	s20 =	smov.u32 s23  }
0x1e2: {  	v0 =	vcvt.f32.s32 v14;
	v14 =	vadd.f32 $1.000000050e-03, v20;
	s23 =	smov.u32 s24;
	v1 =	vld.idx.msk [tilespmem:v1+s5+$0x0], $0xffff;
	v13 =	vshll.u32 v13, $0x7  }
0x1e3: {  	v11 =	vadd.s32 v11, v17;
	v8 =	vld.idx.msk [tilespmem:v8+s5+$0x0], $0xffff;
	v9 =	vadd.s32 v9, v13;
	v13 =	vadd.f32 $1.000000050e-03, v28  }
0x1e4: {  	v16 =	vmul.f32 $1.280000000e+02, v18;
	v15 =	vadd.s32 v0, v15;
	v0 =	vmul.f32 $1.280000000e+02, v24;
	v10 =	vld.idx.msk [tilespmem:v10+s5+$0x0], $0xffff  }
0x1e5: {  	v18 =	vmul.f32 $1.277445140e+02, v22;
	v19 =	vmul.f32 $1.280000000e+02, v19;
	v17 =	vadd.f32 $-1.000000050e-03, v21  }
0x1e6: {  	v14 =	vmul.f32 $1.277445140e+02, v14;
	v13 =	vmul.f32 $1.277445140e+02, v13;
	v20 =	vadd.f32 $1.000000050e-03, v23;
	v12 =	vld.idx.msk [tilespmem:v12+s5+$0x0], $0xffff  }
0x1e7: {  	v21 =	vtrunc.f32 v0;
	v0 =	vshll.u32 v5, $0x7;
	v17 =	vmul.f32 $1.280000000e+02, v17  }
0x1e8: {  	v16 =	vtrunc.f32 v16;
	v5 =	vshll.u32 v6, $0x7;
	[tilespmem:s24+$0xFFFFFE00] =	vst v1;
	v1 =	vmul.f32 $1.277445140e+02, v20;
	v9 =	vld.idx.msk [tilespmem:v9+s5+$0x0], $0xffff  }
0x1e9: {  	v6 =	vld [tilespmem:s26+$0xFFFFFC10];
	[tilespmem:s24+$0xFFFFFF00] =	vst v8;
	v8 =	vtrunc.f32 v17;
	v17 =	vtrunc.f32 v19  }
0x1ea: {  	v19 =	vld [tilespmem:s26+$0xFFFFFE10];
	[tilespmem:s24+$0x0] =	vst v10;
	v8 =	vcvt.f32.s32 v8;
	v1 =	vtrunc.f32 v1  }
0x1eb: {  	v20 =	vcvt.f32.s32 v21;
	v10 =	vld [tilespmem:s26+$0x10];
	v1 =	vcvt.f32.s32 v1  }
0x1ec: {  	v21 =	vld [tilespmem:s26+$0xFFFFFD10];
	v8 =	vshll.u32 v8, $0x7;
	[tilespmem:s20+$0xFFFFFE30] =	vst v12;
	v12 =	vcvt.f32.s32 v16;
	v16 =	vcvt.f32.s32 v17  }
0x1ed: {  	v14 =	vtrunc.f32 v14;
	v17 =	vld [tilespmem:s26+$0xFFFFFF10];
	v1 =	vadd.s32 v1, v8;
	v8 =	vtrunc.f32 v18  }
0x1ee: {  	v6 =	vadd.f32 $-1.000000050e-03, v6;
	v18 =	vld [tilespmem:s26+$0x110];
	[tilespmem:s20+$0x150] =	vst v9;
	v8 =	vcvt.f32.s32 v8;
	v9 =	vtrunc.f32 v13  }
0x1ef: {  	v14 =	vcvt.f32.s32 v14;
	v13 =	vadd.f32 $-1.000000050e-03, v19;
	v19 =	vld [tilespmem:s22+$0x260];
	v9 =	vcvt.f32.s32 v9  }
0x1f0: {  	v20 =	vshll.u32 v20, $0x7;
	v6 =	vmul.f32 $1.280000000e+02, v6;
	v10 =	vadd.f32 $-1.000000050e-03, v10;
	v22 =	vld [tilespmem:s22+$0x360]  }
0x1f1: {  	v12 =	vshll.u32 v12, $0x7;
	v21 =	vadd.f32 $1.000000050e-03, v21;
	v13 =	vmul.f32 $1.280000000e+02, v13;
	v11 =	vld.idx.msk [tilespmem:v11+s5+$0x0], $0xffff  }
0x1f2: {  	v6 =	vtrunc.f32 v6;
	v17 =	vadd.f32 $1.000000050e-03, v17;
	v10 =	vmul.f32 $1.280000000e+02, v10;
	v1 =	vld.idx.msk [tilespmem:v1+s5+$0x0], $0xffff  }
0x1f3: {  	v21 =	vmul.f32 $1.277445140e+02, v21;
	v13 =	vtrunc.f32 v13;
	v18 =	vadd.f32 $1.000000050e-03, v18;
	v15 =	vld.idx.msk [tilespmem:v15+s5+$0x0], $0xffff  }
0x1f4: {  	v17 =	vmul.f32 $1.277445140e+02, v17;
	v10 =	vtrunc.f32 v10;
	v23 =	vld [tilespmem:s22+$0xFFFFFC40];
	v19 =	vadd.f32 $-1.000000050e-03, v19  }
0x1f5: {  	v6 =	vcvt.f32.s32 v6;
	v18 =	vmul.f32 $1.277445140e+02, v18;
	v24 =	vld [tilespmem:s22+$0xFFFFFD40];
	v22 =	vadd.f32 $1.000000050e-03, v22  }
0x1f6: {  	v16 =	vshll.u32 v16, $0x7;
	v13 =	vcvt.f32.s32 v13;
	v19 =	vmul.f32 $1.280000000e+02, v19  }
0x1f7: {  	v6 =	vshll.u32 v6, $0x7;
	v10 =	vcvt.f32.s32 v10;
	[tilespmem:s20+$0xFFFFFF30] =	vst v11;
	v11 =	vmul.f32 $1.277445140e+02, v22  }
0x1f8: {  	v21 =	vtrunc.f32 v21;
	v13 =	vshll.u32 v13, $0x7;
	[tilespmem:s24+$0x110] =	vst v1;
	v1 =	vld [tilespmem:s22+$0xFFFFFE40];
	v19 =	vtrunc.f32 v19  }
0x1f9: {  	v10 =	vshll.u32 v10, $0x7;
	v22 =	vld [tilespmem:s26+$0x220];
	[tilespmem:s20+$0x30] =	vst v15;
	v15 =	vcvt.f32.s32 v19;
	v11 =	vtrunc.f32 v11  }
0x1fa: {  	v17 =	vtrunc.f32 v17;
	v23 =	vadd.f32 $-1.000000050e-03, v23;
	v19 =	vld [tilespmem:s26+$0x320];
	v11 =	vcvt.f32.s32 v11  }
0x1fb: {  	v21 =	vcvt.f32.s32 v21;
	v18 =	vtrunc.f32 v18;
	v25 =	vld [tilespmem:s22+$0x40];
	v15 =	vshll.u32 v15, $0x7  }
0x1fc: {  	v17 =	vcvt.f32.s32 v17;
	v18 =	vcvt.f32.s32 v18;
	v26 =	vld [tilespmem:s22+$0xFFFFFF40];
	v11 =	vadd.s32 v11, v15  }
0x1fd: {  	v6 =	vadd.s32 v21, v6;
	v15 =	vadd.f32 $1.000000050e-03, v24;
	v1 =	vadd.f32 $-1.000000050e-03, v1;
	v21 =	vld [tilespmem:s22+$0x140]  }
0x1fe: {  	v13 =	vadd.s32 v17, v13;
	v10 =	vadd.s32 v18, v10;
	v17 =	vadd.f32 $-1.000000050e-03, v22  }
0x1ff: {  	v18 =	vadd.f32 $1.000000050e-03, v19;
	v19 =	vmul.f32 $1.280000000e+02, v23;
	v1 =	vmul.f32 $1.280000000e+02, v1  }
0x200: {  	v15 =	vmul.f32 $1.277445140e+02, v15;
	v17 =	vmul.f32 $1.280000000e+02, v17;
	v22 =	vadd.f32 $-1.000000050e-03, v25  }
0x201: {  	v18 =	vmul.f32 $1.277445140e+02, v18;
	v19 =	vtrunc.f32 v19;
	v23 =	vadd.f32 $1.000000050e-03, v26;
	v11 =	vld.idx.msk [tilespmem:v11+s5+$0x0], $0xffff  }
0x202: {  	v6 =	vld.idx.msk [tilespmem:v6+s5+$0x0], $0xffff;
	v17 =	vtrunc.f32 v17;
	v22 =	vmul.f32 $1.280000000e+02, v22;
	v21 =	vadd.f32 $1.000000050e-03, v21  }
0x203: {  	v8 =	vadd.s32 v8, v20;
	v13 =	vld.idx.msk [tilespmem:v13+s5+$0x0], $0xffff;
	v17 =	vcvt.f32.s32 v17;
	v18 =	vtrunc.f32 v18  }
0x204: {  	v12 =	vadd.s32 v14, v12;
	v20 =	vmul.f32 $1.277445140e+02, v23;
	v10 =	vld.idx.msk [tilespmem:v10+s5+$0x0], $0xffff;
	v18 =	vcvt.f32.s32 v18  }
0x205: {  	v1 =	vtrunc.f32 v1;
	v14 =	vshll.u32 v17, $0x7;
	v17 =	vmul.f32 $1.277445140e+02, v21  }
0x206: {  	v14 =	vadd.s32 v18, v14;
	v18 =	vcvt.f32.s32 v19;
	v19 =	vtrunc.f32 v22  }
0x207: {  	v9 =	vadd.s32 v9, v16;
	v1 =	vcvt.f32.s32 v1;
	v19 =	vcvt.f32.s32 v19;
	[tilespmem:s20+$0x160] =	vst v11  }
0x208: {  	[tilespmem:s24+$0xFFFFFE10] =	vst v6;
	v6 =	vtrunc.f32 v15;
	v11 =	vshll.u32 v18, $0x7;
	v15 =	vtrunc.f32 v20;
	v16 =	vld [tilespmem:s22+$0x270]  }
0x209: {  	v1 =	vshll.u32 v1, $0x7;
	[tilespmem:s24+$0xFFFFFF10] =	vst v13;
	v6 =	vcvt.f32.s32 v6;
	v13 =	vtrunc.f32 v17;
	v17 =	vld [tilespmem:s22+$0x370]  }
0x20a: {  	v18 =	vld [tilespmem:s26+$0xFFFFFC20];
	[tilespmem:s24+$0x10] =	vst v10;
	v10 =	vcvt.f32.s32 v15;
	v13 =	vcvt.f32.s32 v13;
	v15 =	vshll.u32 v19, $0x7  }
0x20b: {  	v3 =	vcvt.f32.s32 v3;
	v14 =	vld.idx.msk [tilespmem:v14+s5+$0x0], $0xffff;
	v6 =	vadd.s32 v6, v11;
	v11 =	vtrunc.f32 v2  }
0x20c: {  	v19 =	vld [tilespmem:s26+$0xFFFFFE20];
	v10 =	vadd.s32 v10, v1;
	v13 =	vadd.s32 v13, v15;
	v1 =	vcvt.f32.s32 v4  }
0x20d: {  	v2 =	vadd.s32 v3, v7;
	v3 =	vcvt.f32.s32 v11;
	v4 =	vld [tilespmem:s26+$0x20];
	v15 =	vadd.f32 $-1.000000050e-03, v16  }
0x20e: {  	v7 =	vld [tilespmem:s26+$0xFFFFFD20];
	v11 =	vadd.f32 $1.000000050e-03, v17;
	v1 =	vadd.s32 v1, v0  }
0x20f: {  	v0 =	vadd.s32 v3, v5;
	v16 =	vadd.f32 $-1.000000050e-03, v18;
	v17 =	vld [tilespmem:s26+$0xFFFFFF20];
	v15 =	vmul.f32 $1.280000000e+02, v15  }
0x210: {  	v3 =	vld [tilespmem:s26+$0x120];
	v5 =	vmul.f32 $1.277445140e+02, v11  }
0x211: {  	v11 =	vmul.f32 $1.280000000e+02, v16;
	v16 =	vadd.f32 $-1.000000050e-03, v19;
	[tilespmem:s24+$0x120] =	vst v14;
	v6 =	vld.idx.msk [tilespmem:v6+s5+$0x0], $0xffff;
	v14 =	vtrunc.f32 v15  }
0x212: {  	v4 =	vadd.f32 $-1.000000050e-03, v4;
	v15 =	vld [tilespmem:s26+$0x230];
	v14 =	vcvt.f32.s32 v14;
	v5 =	vtrunc.f32 v5  }
0x213: {  	v7 =	vadd.f32 $1.000000050e-03, v7;
	v16 =	vmul.f32 $1.280000000e+02, v16;
	v18 =	vld [tilespmem:s26+$0x330];
	v5 =	vcvt.f32.s32 v5  }
0x214: {  	v17 =	vadd.f32 $1.000000050e-03, v17;
	v4 =	vmul.f32 $1.280000000e+02, v4;
	v10 =	vld.idx.msk [tilespmem:v10+s5+$0x0], $0xffff;
	v14 =	vshll.u32 v14, $0x7  }
0x215: {  	v7 =	vmul.f32 $1.277445140e+02, v7;
	v3 =	vadd.f32 $1.000000050e-03, v3;
	v13 =	vld.idx.msk [tilespmem:v13+s5+$0x0], $0xffff;
	v5 =	vadd.s32 v5, v14  }
0x216: {  	v11 =	vtrunc.f32 v11;
	v14 =	vmul.f32 $1.277445140e+02, v17;
	v8 =	vld.idx.msk [tilespmem:v8+s5+$0x0], $0xffff  }
0x217: {  	v16 =	vtrunc.f32 v16;
	v3 =	vmul.f32 $1.277445140e+02, v3;
	v15 =	vadd.f32 $-1.000000050e-03, v15;
	[tilespmem:s20+$0xFFFFFE40] =	vst v6;
	v6 =	vld.idx.msk [tilespmem:v12+s5+$0x0], $0xffff  }
0x218: {  	v11 =	vcvt.f32.s32 v11;
	v4 =	vtrunc.f32 v4;
	v12 =	vadd.f32 $1.000000050e-03, v18;
	v17 =	vld [tilespmem:s22+$0xFFFFFC50]  }
0x219: {  	v16 =	vcvt.f32.s32 v16;
	v15 =	vmul.f32 $1.280000000e+02, v15;
	v18 =	vld [tilespmem:s22+$0xFFFFFD50]  }
0x21a: {  	v11 =	vshll.u32 v11, $0x7;
	v4 =	vcvt.f32.s32 v4;
	v12 =	vmul.f32 $1.277445140e+02, v12;
	[tilespmem:s20+$0xFFFFFF40] =	vst v10;
	v5 =	vld.idx.msk [tilespmem:v5+s5+$0x0], $0xffff  }
0x21b: {  	v7 =	vtrunc.f32 v7;
	v10 =	vshll.u32 v16, $0x7;
	v15 =	vtrunc.f32 v15;
	v16 =	vld [tilespmem:s22+$0xFFFFFE50];
	[tilespmem:s20+$0x40] =	vst v13  }
0x21c: {  	v4 =	vshll.u32 v4, $0x7;
	v13 =	vcvt.f32.s32 v15;
	v12 =	vtrunc.f32 v12;
	v15 =	vld [tilespmem:s22+$0x50];
	[tilespmem:s19+$0xFFFFFE60] =	vst v8  }
0x21d: {  	v8 =	vtrunc.f32 v14;
	v12 =	vcvt.f32.s32 v12;
	v14 =	vadd.f32 $-1.000000050e-03, v17;
	v17 =	vld [tilespmem:s22+$0xFFFFFF50];
	[tilespmem:s19+$0xFFFFFF60] =	vst v6  }
0x21e: {  	v3 =	vtrunc.f32 v3;
	v6 =	vcvt.f32.s32 v7;
	v7 =	vshll.u32 v13, $0x7;
	v13 =	vld [tilespmem:s22+$0x150]  }
0x21f: {  	v3 =	vcvt.f32.s32 v3;
	v8 =	vcvt.f32.s32 v8;
	v7 =	vadd.s32 v12, v7;
	v9 =	vld.idx.msk [tilespmem:v9+s5+$0x0], $0xffff  }
0x220: {  	v6 =	vadd.s32 v6, v11;
	v11 =	vadd.f32 $1.000000050e-03, v18;
	v12 =	vadd.f32 $-1.000000050e-03, v16;
	[tilespmem:s20+$0x170] =	vst v5;
	v5 =	vld [tilespmem:s21+$0xFFFFFC70]  }
0x221: {  	v3 =	vadd.s32 v3, v4;
	v8 =	vadd.s32 v8, v10;
	v4 =	vadd.f32 $-1.000000050e-03, v15;
	v10 =	vld [tilespmem:s21+$0xFFFFFE70]  }
0x222: {  	v14 =	vmul.f32 $1.280000000e+02, v14;
	v12 =	vmul.f32 $1.280000000e+02, v12;
	v15 =	vadd.f32 $1.000000050e-03, v17;
	v16 =	vld [tilespmem:s21+$0xFFFFFD70]  }
0x223: {  	v11 =	vmul.f32 $1.277445140e+02, v11;
	v4 =	vmul.f32 $1.280000000e+02, v4;
	v13 =	vadd.f32 $1.000000050e-03, v13;
	v17 =	vld [tilespmem:s21+$0xFFFFFF70]  }
0x224: {  	v14 =	vtrunc.f32 v14;
	v7 =	vld.idx.msk [tilespmem:v7+s5+$0x0], $0xffff;
	v15 =	vmul.f32 $1.277445140e+02, v15  }
0x225: {  	v12 =	vtrunc.f32 v12;
	v6 =	vld.idx.msk [tilespmem:v6+s5+$0x0], $0xffff;
	v13 =	vmul.f32 $1.277445140e+02, v13;
	v5 =	vadd.f32 $-1.000000050e-03, v5;
	[tilespmem:s19+$0x60] =	vst v9  }
0x226: {  	v9 =	vcvt.f32.s32 v14;
	v4 =	vtrunc.f32 v4;
	v8 =	vld.idx.msk [tilespmem:v8+s5+$0x0], $0xffff;
	v10 =	vadd.f32 $-1.000000050e-03, v10  }
0x227: {  	v12 =	vcvt.f32.s32 v12;
	v4 =	vcvt.f32.s32 v4;
	v3 =	vld.idx.msk [tilespmem:v3+s5+$0x0], $0xffff;
	v14 =	vadd.f32 $1.000000050e-03, v16  }
0x228: {  	v11 =	vtrunc.f32 v11;
	v15 =	vtrunc.f32 v15;
	v9 =	vshll.u32 v9, $0x7;
	v16 =	vld [tilespmem:s21+$0x70]  }
0x229: {  	v11 =	vcvt.f32.s32 v11;
	v12 =	vshll.u32 v12, $0x7;
	v13 =	vtrunc.f32 v13;
	v18 =	vld [tilespmem:s21+$0x170];
	s21 =	smov.u32 s22;
	s22 =	smov.u32 s26  }
0x22a: {  	v13 =	vcvt.f32.s32 v13;
	v4 =	vshll.u32 v4, $0x7;
	[tilespmem:s24+$0x130] =	vst v7;
	v7 =	vcvt.f32.s32 v15;
	v15 =	vld.idx.msk [tilespmem:v2+s5+$0x0], $0xffff  }
0x22b: {  	v2 =	vld [tilespmem:s26+$0x240]  }
0x22c: {  	v5 =	vmul.f32 $1.280000000e+02, v5;
	v9 =	vadd.s32 v11, v9;
	[tilespmem:s24+$0xFFFFFE20] =	vst v6;
	v6 =	vadd.f32 $1.000000050e-03, v17  }
0x22d: {  	[tilespmem:s24+$0xFFFFFF20] =	vst v8;
	v11 =	vld [tilespmem:s26+$0x340];
	v19 =	vadd.s32 v7, v12;
	v8 =	vadd.s32 v13, v4;
	v4 =	vmul.f32 $1.280000000e+02, v10  }
0x22e: {  	v10 =	vld [tilespmem:s26+$0xFFFFFC30];
	[tilespmem:s24+$0x20] =	vst v3;
	v3 =	vmul.f32 $1.277445140e+02, v14;
	v20 =	vmul.f32 $1.277445140e+02, v6;
	v6 =	vadd.f32 $-1.000000050e-03, v16  }
0x22f: {  	v5 =	vtrunc.f32 v5;
	v16 =	vld [tilespmem:s26+$0xFFFFFE30];
	v4 =	vtrunc.f32 v4;
	v13 =	vadd.f32 $1.000000050e-03, v18  }
0x230: {  	v7 =	vcvt.f32.s32 v5;
	v18 =	vld [tilespmem:s26+$0x30];
	v6 =	vmul.f32 $1.280000000e+02, v6;
	v17 =	vadd.f32 $-1.000000050e-03, v2  }
.Ltmp2:
0x231: {  	v5 =	vcvt.f32.s32 v4;
	v12 =	vld [tilespmem:s26+$0xFFFFFD30];
	v2 =	vmul.f32 $1.277445140e+02, v13;
	[tilespmem:s18+$0xFFFFFE70] =	vst v15;
	(pc) =	sbr.rel @p1 .LBB2_7-.Ltmp2, $4  }
0x232: {  	v3 =	vtrunc.f32 v3;
	v13 =	vld [tilespmem:s26+$0xFFFFFF30];
	v4 =	vadd.f32 $1.000000050e-03, v11;
	v6 =	vtrunc.f32 v6  }
0x233: {  	v15 =	vadd.f32 $-1.000000050e-03, v10;
	v14 =	vld [tilespmem:s26+$0x130];
	v21 =	vmul.f32 $1.280000000e+02, v17;
	v6 =	vcvt.f32.s32 v6  }
0x234: {  	v17 =	vadd.f32 $-1.000000050e-03, v16;
	v11 =	vmul.f32 $1.277445140e+02, v4;
	v10 =	vld.idx.msk [tilespmem:v9+s5+$0x0], $0xffff;
	v4 =	vtrunc.f32 v20  }
0x235: {  	s26 =	sadd.s32 $0x800, s26;
	v16 =	vmul.f32 $1.280000000e+02, v15;
	v18 =	vadd.f32 $-1.000000050e-03, v18;
	v15 =	vtrunc.f32 v21;
	v9 =	vld.idx.msk [tilespmem:v19+s5+$0x0], $0xffff  }
0x236: {  	v12 =	vadd.f32 $1.000000050e-03, v12  }
0x237: {  	v17 =	vmul.f32 $1.280000000e+02, v17;
	v18 =	vmul.f32 $1.280000000e+02, v18  }
0x238: {  	v13 =	vadd.f32 $1.000000050e-03, v13;
	v16 =	vtrunc.f32 v16;
	v12 =	vmul.f32 $1.277445140e+02, v12  }
0x239: {  	v17 =	vtrunc.f32 v17;
	v16 =	vcvt.f32.s32 v16  }
0x23a: {  	v14 =	vadd.f32 $1.000000050e-03, v14;
	v13 =	vmul.f32 $1.277445140e+02, v13;
	v12 =	vtrunc.f32 v12  }
0x23b: {  	v17 =	vcvt.f32.s32 v17;
	v12 =	vcvt.f32.s32 v12  }
0x23c: {  	v14 =	vmul.f32 $1.277445140e+02, v14;
	v16 =	vshll.u32 v16, $0x7;
	v13 =	vtrunc.f32 v13  }
0x23d: {  	v18 =	vtrunc.f32 v18;
	v13 =	vcvt.f32.s32 v13;
	v12 =	vadd.s32 v12, v16  }
0x23e: {  	v18 =	vcvt.f32.s32 v18;
	v56 =	vshll.u32 v17, $0x7;
	v14 =	vtrunc.f32 v14  }
0x23f: {  	v14 =	vcvt.f32.s32 v14;
	v13 =	vadd.s32 v13, v56  }
0x240: {  	v57 =	vshll.u32 v18, $0x7  }
0x241: {  	v14 =	vadd.s32 v14, v57  }
0x242: {  	v12 =	vld.idx.msk [tilespmem:v12+s5+$0x0], $0xffff;
	_ =	sdelay $0x1  }
0x243: {  	v13 =	vld.idx.msk [tilespmem:v13+s5+$0x0], $0xffff;
	_ =	sdelay $0x1  }
0x244: {  	v14 =	vld.idx.msk [tilespmem:v14+s5+$0x0], $0xffff  }
0x245: {  	[tilespmem:s23+$0xFFFFFE30] =	vst v12  }
0x246: {  	v12 =	vld [tilespmem:s22+$0xFFFFFC40]  }
0x247: {  	v58 =	vld [tilespmem:s22+$0xFFFFFD40];
	[tilespmem:s23+$0xFFFFFF30] =	vst v13  }
0x248: {  	v13 =	vld [tilespmem:s22+$0xFFFFFE40]  }
0x249: {  	[tilespmem:s23+$0x30] =	vst v14;
	v59 =	vld [tilespmem:s22+$0xFFFFFF40]  }
0x24a: {  	v14 =	vld [tilespmem:s22+$0x40]  }
0x24b: {  	v15 =	vcvt.f32.s32 v15;
	v11 =	vtrunc.f32 v11;
	v60 =	vld [tilespmem:s22+$0x140]  }
0x24c: {  	v11 =	vcvt.f32.s32 v11  }
0x24d: {  	v15 =	vshll.u32 v15, $0x7;
	v12 =	vadd.f32 $-1.000000050e-03, v12  }
0x24e: {  	v11 =	vadd.s32 v11, v15;
	v16 =	vadd.f32 $1.000000050e-03, v58;
	v13 =	vadd.f32 $-1.000000050e-03, v13  }
0x24f: {  	v62 =	vadd.f32 $1.000000050e-03, v59;
	v12 =	vmul.f32 $1.280000000e+02, v12;
	v14 =	vadd.f32 $-1.000000050e-03, v14  }
0x250: {  	v61 =	vmul.f32 $1.277445140e+02, v16;
	v63 =	vadd.f32 $1.000000050e-03, v60;
	v13 =	vmul.f32 $1.280000000e+02, v13  }
0x251: {  	v16 =	vmul.f32 $1.277445140e+02, v62;
	v12 =	vtrunc.f32 v12  }
0x252: {  	v14 =	vmul.f32 $1.280000000e+02, v14;
	v17 =	vmul.f32 $1.277445140e+02, v63  }
0x253: {  	v15 =	vtrunc.f32 v61;
	v12 =	vcvt.f32.s32 v12  }
0x254: {  	v11 =	vld.idx.msk [tilespmem:v11+s5+$0x0], $0xffff;
	v13 =	vtrunc.f32 v13;
	v15 =	vcvt.f32.s32 v15  }
0x255: {  	v16 =	vtrunc.f32 v16;
	v13 =	vcvt.f32.s32 v13;
	v12 =	vshll.u32 v12, $0x7  }
0x256: {  	v14 =	vtrunc.f32 v14;
	v16 =	vcvt.f32.s32 v16;
	v12 =	vadd.s32 v15, v12  }
0x257: {  	v17 =	vtrunc.f32 v17;
	v14 =	vcvt.f32.s32 v14;
	v13 =	vshll.u32 v13, $0x7  }
0x258: {  	v19 =	vcvt.f32.s32 v17;
	v13 =	vadd.s32 v16, v13  }
0x259: {  	[tilespmem:s24+$0x140] =	vst v11;
	v20 =	vshll.u32 v14, $0x7  }
0x25a: {  	v21 =	vld [tilespmem:s22+$0x250];
	v11 =	vadd.s32 v19, v20  }
0x25b: {  	v12 =	vld.idx.msk [tilespmem:v12+s5+$0x0], $0xffff  }
0x25c: {  	v22 =	vld [tilespmem:s22+$0x350]  }
0x25d: {  	v13 =	vld.idx.msk [tilespmem:v13+s5+$0x0], $0xffff;
	_ =	sdelay $0x1  }
0x25e: {  	v11 =	vld.idx.msk [tilespmem:v11+s5+$0x0], $0xffff  }
0x25f: {  	v14 =	vadd.f32 $-1.000000050e-03, v21;
	[tilespmem:s23+$0xFFFFFE40] =	vst v12  }
0x260: {  	v15 =	vadd.f32 $1.000000050e-03, v22;
	v24 =	vld [tilespmem:s22+$0xFFFFFC50]  }
0x261: {  	v23 =	vmul.f32 $1.280000000e+02, v14;
	v25 =	vld [tilespmem:s22+$0xFFFFFD50];
	[tilespmem:s23+$0xFFFFFF40] =	vst v13  }
0x262: {  	v15 =	vmul.f32 $1.277445140e+02, v15;
	v13 =	vld [tilespmem:s22+$0xFFFFFE50]  }
0x263: {  	v12 =	vtrunc.f32 v23;
	[tilespmem:s23+$0x40] =	vst v11;
	v29 =	vld [tilespmem:s22+$0xFFFFFF50]  }
0x264: {  	v27 =	vtrunc.f32 v15;
	v26 =	vcvt.f32.s32 v12;
	v28 =	vld [tilespmem:s22+$0x50]  }
0x265: {  	v12 =	vcvt.f32.s32 v27  }
0x266: {  	v11 =	vshll.u32 v26, $0x7  }
0x267: {  	v8 =	vld.idx.msk [tilespmem:v8+s5+$0x0], $0xffff;
	v11 =	vadd.s32 v12, v11;
	v31 =	vadd.f32 $-1.000000050e-03, v24  }
0x268: {  	[tilespmem:s20+$0xFFFFFE50] =	vst v10;
	v30 =	vld [tilespmem:s22+$0x150];
	v32 =	vadd.f32 $1.000000050e-03, v25;
	v13 =	vadd.f32 $-1.000000050e-03, v13  }
0x269: {  	v41 =	vld [tilespmem:s21+$0xFFFFFD60];
	v35 =	vadd.f32 $1.000000050e-03, v29;
	v15 =	vadd.f32 $-1.000000050e-03, v28;
	v33 =	vmul.f32 $1.280000000e+02, v31  }
0x26a: {  	v14 =	vmul.f32 $1.277445140e+02, v32;
	v34 =	vmul.f32 $1.280000000e+02, v13  }
0x26b: {  	v39 =	vmul.f32 $1.277445140e+02, v35;
	v15 =	vmul.f32 $1.280000000e+02, v15  }
0x26c: {  	v38 =	vld.idx.msk [tilespmem:v11+s5+$0x0], $0xffff;
	v10 =	vtrunc.f32 v33;
	v43 =	vtrunc.f32 v14  }
0x26d: {  	v37 =	vadd.f32 $1.000000050e-03, v30;
	v12 =	vtrunc.f32 v34;
	v10 =	vcvt.f32.s32 v10  }
0x26e: {  	v36 =	vld [tilespmem:s21+$0xFFFFFC60];
	[tilespmem:s20+$0x50] =	vst v8;
	v49 =	vadd.f32 $1.000000050e-03, v41;
	v42 =	vcvt.f32.s32 v12;
	v12 =	vcvt.f32.s32 v43  }
0x26f: {  	[tilespmem:s20+$0xFFFFFF50] =	vst v9;
	v20 =	vld [tilespmem:s21+$0x160];
	v17 =	vmul.f32 $1.277445140e+02, v37;
	v11 =	vtrunc.f32 v39;
	v10 =	vshll.u32 v10, $0x7  }
0x270: {  	v40 =	vld [tilespmem:s21+$0xFFFFFE60];
	v15 =	vtrunc.f32 v15;
	v11 =	vcvt.f32.s32 v11;
	v10 =	vadd.s32 v12, v10  }
0x271: {  	v44 =	vld [tilespmem:s21+$0x60];
	v17 =	vtrunc.f32 v17;
	v45 =	vcvt.f32.s32 v15;
	[tilespmem:s23+$0x150] =	vst v38;
	v8 =	vshll.u32 v42, $0x7  }
0x272: {  	v17 =	vcvt.f32.s32 v17;
	v46 =	vld [tilespmem:s22+$0x260];
	v8 =	vadd.s32 v11, v8  }
0x273: {  	v48 =	vadd.f32 $-1.000000050e-03, v36;
	v16 =	vmul.f32 $1.277445140e+02, v49;
	v47 =	vld [tilespmem:s22+$0x360];
	v9 =	vshll.u32 v45, $0x7  }
0x274: {  	v19 =	vld [tilespmem:s21+$0xFFFFFF60];
	v51 =	vadd.f32 $1.000000050e-03, v20;
	v9 =	vadd.s32 v17, v9  }
0x275: {  	v16 =	vtrunc.f32 v16;
	v11 =	vmul.f32 $1.280000000e+02, v48;
	v10 =	vld.idx.msk [tilespmem:v10+s5+$0x0], $0xffff  }
0x276: {  	v16 =	vcvt.f32.s32 v16;
	v18 =	vmul.f32 $1.277445140e+02, v51  }
0x277: {  	v13 =	vadd.f32 $-1.000000050e-03, v40;
	v11 =	vtrunc.f32 v11;
	v15 =	vadd.f32 $-1.000000050e-03, v46;
	v8 =	vld.idx.msk [tilespmem:v8+s5+$0x0], $0xffff  }
0x278: {  	v14 =	vadd.f32 $-1.000000050e-03, v44;
	v11 =	vcvt.f32.s32 v11;
	v12 =	vadd.f32 $1.000000050e-03, v47  }
0x279: {  	v50 =	vadd.f32 $1.000000050e-03, v19;
	v13 =	vmul.f32 $1.280000000e+02, v13;
	v9 =	vld.idx.msk [tilespmem:v9+s5+$0x0], $0xffff;
	v15 =	vmul.f32 $1.280000000e+02, v15  }
0x27a: {  	v14 =	vmul.f32 $1.280000000e+02, v14;
	v11 =	vshll.u32 v11, $0x7;
	v12 =	vmul.f32 $1.277445140e+02, v12;
	[tilespmem:s23+$0xFFFFFE50] =	vst v10  }
0x27b: {  	v17 =	vmul.f32 $1.277445140e+02, v50;
	v11 =	vadd.s32 v16, v11;
	v15 =	vtrunc.f32 v15;
	v53 =	vld [tilespmem:s22+$0xFFFFFC60]  }
0x27c: {  	v12 =	vtrunc.f32 v12;
	v15 =	vcvt.f32.s32 v15;
	[tilespmem:s23+$0xFFFFFF50] =	vst v8;
	v57 =	vld [tilespmem:s22+$0xFFFFFD60]  }
0x27d: {  	v52 =	vtrunc.f32 v13;
	v12 =	vcvt.f32.s32 v12;
	v56 =	vld [tilespmem:s22+$0xFFFFFE60]  }
0x27e: {  	v58 =	vtrunc.f32 v17;
	v10 =	vcvt.f32.s32 v52;
	[tilespmem:s23+$0x50] =	vst v9;
	v60 =	vld [tilespmem:s22+$0xFFFFFF60];
	v55 =	vshll.u32 v15, $0x7  }
0x27f: {  	v54 =	vtrunc.f32 v14;
	v9 =	vcvt.f32.s32 v58;
	v59 =	vld [tilespmem:s22+$0x60];
	v12 =	vadd.s32 v12, v55  }
0x280: {  	v18 =	vtrunc.f32 v18;
	v13 =	vcvt.f32.s32 v54;
	v10 =	vshll.u32 v10, $0x7;
	v11 =	vld.idx.msk [tilespmem:v11+s5+$0x0], $0xffff  }
0x281: {  	v61 =	vcvt.f32.s32 v18;
	v20 =	vld [tilespmem:s22+$0x160];
	v9 =	vadd.s32 v9, v10  }
0x282: {  	v62 =	vshll.u32 v13, $0x7;
	v8 =	vadd.f32 $-1.000000050e-03, v53  }
0x283: {  	v10 =	vadd.s32 v61, v62;
	v14 =	vadd.f32 $1.000000050e-03, v57;
	v63 =	vadd.f32 $-1.000000050e-03, v56  }
0x284: {  	v22 =	vadd.f32 $1.000000050e-03, v60;
	v21 =	vadd.f32 $-1.000000050e-03, v59;
	v8 =	vmul.f32 $1.280000000e+02, v8;
	v12 =	vld.idx.msk [tilespmem:v12+s5+$0x0], $0xffff  }
0x285: {  	v14 =	vmul.f32 $1.277445140e+02, v14;
	v13 =	vmul.f32 $1.280000000e+02, v63  }
0x286: {  	[tilespmem:s20+$0xFFFFFE60] =	vst v11;
	v15 =	vadd.f32 $1.000000050e-03, v20;
	v9 =	vld.idx.msk [tilespmem:v9+s5+$0x0], $0xffff;
	v17 =	vmul.f32 $1.277445140e+02, v22;
	v16 =	vmul.f32 $1.280000000e+02, v21  }
0x287: {  	v28 =	vld [tilespmem:s21+$0xFFFFFC70];
	v8 =	vtrunc.f32 v8;
	v14 =	vtrunc.f32 v14  }
0x288: {  	v10 =	vld.idx.msk [tilespmem:v10+s5+$0x0], $0xffff;
	v26 =	vmul.f32 $1.277445140e+02, v15;
	v8 =	vcvt.f32.s32 v8  }
0x289: {  	v5 =	vshll.u32 v5, $0x7;
	v30 =	vld [tilespmem:s21+$0xFFFFFD70];
	v14 =	vcvt.f32.s32 v14;
	v16 =	vtrunc.f32 v16;
	[tilespmem:s23+$0x160] =	vst v12  }
0x28a: {  	v11 =	vtrunc.f32 v26;
	v8 =	vshll.u32 v8, $0x7;
	v16 =	vcvt.f32.s32 v16;
	v24 =	vld [tilespmem:s22+$0x270]  }
0x28b: {  	v23 =	vtrunc.f32 v13;
	v11 =	vcvt.f32.s32 v11;
	[tilespmem:s20+$0xFFFFFF60] =	vst v9;
	v8 =	vadd.s32 v14, v8;
	v25 =	vld [tilespmem:s22+$0x370]  }
0x28c: {  	v17 =	vtrunc.f32 v17;
	v12 =	vcvt.f32.s32 v23;
	v29 =	vld [tilespmem:s21+$0xFFFFFE70];
	v32 =	vshll.u32 v16, $0x7  }
0x28d: {  	v27 =	vcvt.f32.s32 v17;
	[tilespmem:s20+$0x60] =	vst v10;
	v9 =	vadd.f32 $-1.000000050e-03, v28;
	v31 =	vld [tilespmem:s21+$0xFFFFFF70];
	v10 =	vadd.s32 v11, v32  }
0x28e: {  	v2 =	vtrunc.f32 v2;
	v4 =	vcvt.f32.s32 v4;
	v34 =	vld [tilespmem:s21+$0x70];
	v12 =	vshll.u32 v12, $0x7  }
0x28f: {  	v15 =	vadd.f32 $1.000000050e-03, v30;
	v39 =	vmul.f32 $1.280000000e+02, v9;
	v12 =	vadd.s32 v27, v12  }
0x290: {  	v3 =	vcvt.f32.s32 v3;
	v2 =	vcvt.f32.s32 v2;
	v4 =	vadd.s32 v4, v5;
	v8 =	vld.idx.msk [tilespmem:v8+s5+$0x0], $0xffff  }
0x291: {  	v41 =	vmul.f32 $1.277445140e+02, v15;
	v5 =	vtrunc.f32 v39;
	v13 =	vadd.f32 $-1.000000050e-03, v24  }
0x292: {  	v5 =	vcvt.f32.s32 v5;
	v33 =	vadd.f32 $1.000000050e-03, v25;
	v14 =	vadd.f32 $-1.000000050e-03, v29;
	v10 =	vld.idx.msk [tilespmem:v10+s5+$0x0], $0xffff  }
0x293: {  	v37 =	vld [tilespmem:s21+$0x170];
	v38 =	vadd.f32 $1.000000050e-03, v31;
	v43 =	vadd.f32 $-1.000000050e-03, v34;
	v13 =	vmul.f32 $1.280000000e+02, v13  }
0x294: {  	v35 =	vmul.f32 $1.277445140e+02, v33;
	v12 =	vld.idx.msk [tilespmem:v12+s5+$0x0], $0xffff;
	v40 =	vmul.f32 $1.280000000e+02, v14  }
0x295: {  	v7 =	vshll.u32 v7, $0x7;
	v42 =	vmul.f32 $1.277445140e+02, v38;
	v46 =	vmul.f32 $1.280000000e+02, v43;
	[tilespmem:s23+$0xFFFFFE60] =	vst v8  }
0x296: {  	v6 =	vshll.u32 v6, $0x7;
	v13 =	vtrunc.f32 v13;
	v11 =	vtrunc.f32 v35;
	v44 =	vld [tilespmem:s22+$0xFFFFFC70]  }
0x297: {  	v3 =	vadd.s32 v3, v7;
	v9 =	vtrunc.f32 v40;
	v8 =	vtrunc.f32 v41;
	v47 =	vld [tilespmem:s22+$0xFFFFFD70];
	[tilespmem:s23+$0x60] =	vst v10  }
0x298: {  	v2 =	vadd.s32 v2, v6;
	v6 =	vtrunc.f32 v46;
	v49 =	vtrunc.f32 v42;
	v10 =	vld [tilespmem:s22+$0x70]  }
0x299: {  	v36 =	vcvt.f32.s32 v13;
	v11 =	vcvt.f32.s32 v11;
	v13 =	vadd.f32 $1.000000050e-03, v37;
	[tilespmem:s23+$0xFFFFFF60] =	vst v12;
	v50 =	vld [tilespmem:s22+$0x170]  }
0x29a: {  	v5 =	vshll.u32 v5, $0x7;
	v9 =	vcvt.f32.s32 v9;
	v6 =	vcvt.f32.s32 v6;
	v45 =	vld [tilespmem:s22+$0xFFFFFE70]  }
0x29b: {  	v7 =	vshll.u32 v36, $0x7;
	v13 =	vmul.f32 $1.277445140e+02, v13;
	v48 =	vld [tilespmem:s22+$0xFFFFFF70];
	v12 =	vadd.f32 $-1.000000050e-03, v44  }
0x29c: {  	v8 =	vcvt.f32.s32 v8;
	v7 =	vadd.s32 v11, v7;
	v11 =	vcvt.f32.s32 v49  }
0x29d: {  	v13 =	vtrunc.f32 v13;
	v15 =	vadd.f32 $1.000000050e-03, v47;
	v12 =	vmul.f32 $1.280000000e+02, v12  }
0x29e: {  	v13 =	vcvt.f32.s32 v13;
	v10 =	vadd.f32 $-1.000000050e-03, v10;
	v14 =	vadd.f32 $1.000000050e-03, v50  }
0x29f: {  	v15 =	vmul.f32 $1.277445140e+02, v15;
	v16 =	vadd.f32 $-1.000000050e-03, v45;
	v12 =	vtrunc.f32 v12  }
0x2a0: {  	v17 =	vadd.f32 $1.000000050e-03, v48;
	v10 =	vmul.f32 $1.280000000e+02, v10;
	v51 =	vmul.f32 $1.277445140e+02, v14  }
0x2a1: {  	v9 =	vshll.u32 v9, $0x7;
	v52 =	vtrunc.f32 v15;
	v16 =	vmul.f32 $1.280000000e+02, v16  }
0x2a2: {  	v5 =	vadd.s32 v8, v5;
	v17 =	vmul.f32 $1.277445140e+02, v17;
	v12 =	vcvt.f32.s32 v12  }
0x2a3: {  	v1 =	vld.idx.msk [tilespmem:v1+s5+$0x0], $0xffff;
	v9 =	vadd.s32 v11, v9;
	v11 =	vcvt.f32.s32 v52;
	v10 =	vtrunc.f32 v10  }
0x2a4: {  	v0 =	vld.idx.msk [tilespmem:v0+s5+$0x0], $0xffff;
	v6 =	vshll.u32 v6, $0x7;
	v8 =	vtrunc.f32 v51;
	v16 =	vtrunc.f32 v16  }
0x2a5: {  	v3 =	vld.idx.msk [tilespmem:v3+s5+$0x0], $0xffff;
	v6 =	vadd.s32 v13, v6;
	v10 =	vcvt.f32.s32 v10;
	v53 =	vtrunc.f32 v17  }
0x2a6: {  	v4 =	vld.idx.msk [tilespmem:v4+s5+$0x0], $0xffff;
	v12 =	vshll.u32 v12, $0x7;
	v8 =	vcvt.f32.s32 v8;
	v16 =	vcvt.f32.s32 v16  }
0x2a7: {  	v55 =	vld.idx.msk [tilespmem:v2+s5+$0x0], $0xffff;
	v13 =	vcvt.f32.s32 v53;
	v11 =	vadd.s32 v11, v12;
	v56 =	vshll.u32 v10, $0x7  }
0x2a8: {  	[tilespmem:s18+$0xFFFFFF70] =	vst v1;
	v58 =	vld.idx.msk [tilespmem:v5+s5+$0x0], $0xffff;
	v54 =	vshll.u32 v16, $0x7;
	v2 =	vadd.s32 v8, v56  }
0x2a9: {  	[tilespmem:s18+$0x70] =	vst v0;
	v7 =	vld.idx.msk [tilespmem:v7+s5+$0x0], $0xffff;
	v57 =	vadd.s32 v13, v54  }
0x2aa: {  	[tilespmem:s19+$0xFFFFFE70] =	vst v3;
	v59 =	vld.idx.msk [tilespmem:v9+s5+$0x0], $0xffff  }
0x2ab: {  	[tilespmem:s19+$0xFFFFFF70] =	vst v4;
	v60 =	vld.idx.msk [tilespmem:v6+s5+$0x0], $0xffff  }
0x2ac: {  	[tilespmem:s19+$0x70] =	vst v55;
	v61 =	vld.idx.msk [tilespmem:v11+s5+$0x0], $0xffff  }
0x2ad: {  	[tilespmem:s20+$0xFFFFFE70] =	vst v58;
	v63 =	vld.idx.msk [tilespmem:v2+s5+$0x0], $0xffff  }
0x2ae: {  	s31 =	smul.u32 $0x6400, s16;
	[tilespmem:s23+$0x170] =	vst v7;
	v62 =	vld.idx.msk [tilespmem:v57+s5+$0x0], $0xffff  }
0x2af: {  	[tilespmem:s20+$0xFFFFFF70] =	vst v59  }
0x2b0: {  	s18 =	sadd.s32 s7, s31;
	[tilespmem:s20+$0x70] =	vst v60  }
0x2b1: {  	s18 =	sshrl.u32 s18, $0x3;
	[tilespmem:s23+$0xFFFFFE70] =	vst v61  }
0x2b2: {  	s18 =	sadd.s32 s4, s18;
	s19 =	simm.s32 $0x10800;
	[tilespmem:s23+$0x70] =	vst v63  }
0x2b3: {  	s21 =	simm.s32 $0x10900;
	s22 =	sadd.s32 $0x0, s18;
	s20 =	simm.s32 $0x10;
	[tilespmem:s23+$0xFFFFFF70] =	vst v62  }
.LBB2_9:
0x2b4: {  	[hbm4b:s22+s5] =	stream.linear.scatter [tilespmem:s19], [sflag:$0x3], $0x80, $0x38;
	[tilespmem:$0x16C00] =	vst v63  }
0x2b5: {  	s22 =	smov.u32 s20;
	s19 =	smov.u32 s21;
	p1 =	sne.s32 s20, $0x630  }
.Ltmp3:
0x2b6: {  	s20 =	sadd.s32 $0x10, s20;
	(pc) =	sbr.rel @p1 .LBB2_9-.Ltmp3, $2  }
0x2b7: {  	_ =	sdelay $0x2  }
0x2b8: {  	s21 =	sadd.s32 $0x100, s21;
	s22 =	sadd.s32 s22, s18  }
0x2b9: {  	p1 =	sne.s32 s16, $0x3  }
.Ltmp4:
0x2ba: {  	_ = 	snop;
	(pc) =	sbr.rel @p1 .LBB2_12-.Ltmp4, $2  }
0x2bb: {  	_ =	sdelay $0x2  }
0x2bc: {  	[hbm4b:s22+s5] =	stream.linear.scatter [tilespmem:s19], [sflag:$0x3], $0x80, $0x38;
	[tilespmem:$0x16C00] =	vst v63  }
.Ltmp5:
0x2bd: {  	(pc) =	sbr.rel .LBB2_15-.Ltmp5, $4  }
0x2be: {  	_ = 	snop  }
0x2bf: {  	_ =	swait.ge [sflag:s13], $0x6400  }
0x2c0: {  	[sflag:s13] =	ssyncset.done $0x0  }
0x2c1: {  	[sflag:s13] =	ssyncadd.s32 $0xFFFF9C00  }
.LBB2_12:
0x2c2: {  	s18 =	smul.u32 $0xC800, s16;
	_ =	sdelay $0x1  }
0x2c3: {  	s18 =	sadd.s32 s18, s9  }
0x2c4: {  	s18 =	sshrl.u32 s18, $0x3  }
0x2c5: {  	s19 =	simm.s32 $0x4000;
	s18 =	sadd.s32 s1, s18  }
0x2c6: {  	s20 =	simm.s32 $0x10;
	s21 =	simm.s32 $0x4100;
	s22 =	sadd.s32 $0x0, s18  }
.LBB2_13:
0x2c7: {  	[tilespmem:s19], [sflag:$0x1] =	stream.linear.gather [hbm4b:s22+s5], $0x80, $0x38;
	[tilespmem:$0x16C00] =	vst v63  }
0x2c8: {  	s22 =	smov.u32 s20;
	s19 =	smov.u32 s21;
	p1 =	sne.s32 s20, $0xC70  }
.Ltmp6:
0x2c9: {  	s20 =	sadd.s32 $0x10, s20;
	(pc) =	sbr.rel @p1 .LBB2_13-.Ltmp6, $2  }
0x2ca: {  	_ =	sdelay $0x2  }
0x2cb: {  	s21 =	sadd.s32 $0x100, s21;
	s22 =	sadd.s32 s22, s18  }
.Ltmp7:
0x2cc: {  	(pc) =	sbr.rel @p0 .LBB2_16-.Ltmp7, $4  }
0x2cd: {  	[tilespmem:s19], [sflag:$0x1] =	stream.linear.gather [hbm4b:s22+s5], $0x80, $0x38;
	[tilespmem:$0x16C00] =	vst v63  }
0x2ce: {  	_ =	swait.ge [sflag:s13], $0x6400  }
0x2cf: {  	[sflag:s13] =	ssyncset.done $0x0  }
0x2d0: {  	[sflag:s13] =	ssyncadd.s32 $0xFFFF9C00  }
.LBB2_15:
0x2d1: {  	_ =	swait.ge [sflag:s14], $0x3200  }
0x2d2: {  	[sflag:s14] =	ssyncset.done $0x0  }
0x2d3: {  	[sflag:s14] =	ssyncadd.s32 $0xFFFFCE00  }
.LBB2_16:
0x2d4: {  	s22 =	simm.s32 $0x4480  }
0x2d5: {  	v0 =	vld [tilespmem:s22+$0x200]  }
0x2d6: {  	v1 =	vld [tilespmem:s22+$0x300];
	_ =	sdelay $0x3  }
0x2d7: {  	v0 =	vadd.f32 $-1.000000050e-03, v0  }
0x2d8: {  	v1 =	vadd.f32 $1.000000050e-03, v1  }
0x2d9: {  	v0 =	vmul.f32 $1.280000000e+02, v0  }
0x2da: {  	v1 =	vmul.f32 $1.277445140e+02, v1  }
0x2db: {  	v0 =	vtrunc.f32 v0  }
0x2dc: {  	v1 =	vtrunc.f32 v1;
	v0 =	vcvt.f32.s32 v0  }
0x2dd: {  	v1 =	vcvt.f32.s32 v1  }
0x2de: {  	v0 =	vshll.u32 v0, $0x7  }
0x2df: {  	v0 =	vadd.s32 v1, v0;
	_ =	sdelay $0x4  }
0x2e0: {  	v0 =	vld.idx.msk [tilespmem:v0+s5+$0x0], $0xffff;
	_ =	sdelay $0x3  }
0x2e1: {  	s18 =	simm.s32 $0x10A80  }
0x2e2: {  	[tilespmem:s18+$0x100] =	vst v0  }
0x2e3: {  	v0 =	vld [tilespmem:s22+$0x210]  }
0x2e4: {  	v1 =	vld [tilespmem:s22+$0x310];
	_ =	sdelay $0x3  }
0x2e5: {  	v0 =	vadd.f32 $-1.000000050e-03, v0  }
0x2e6: {  	v1 =	vadd.f32 $1.000000050e-03, v1  }
0x2e7: {  	v0 =	vmul.f32 $1.280000000e+02, v0  }
0x2e8: {  	v2 =	vld [tilespmem:s22+$0xFFFFFE00];
	v1 =	vmul.f32 $1.277445140e+02, v1  }
0x2e9: {  	v3 =	vld [tilespmem:s22+$0x0];
	v0 =	vtrunc.f32 v0  }
0x2ea: {  	v4 =	vld [tilespmem:s22+$0xFFFFFC00];
	v1 =	vtrunc.f32 v1;
	v0 =	vcvt.f32.s32 v0  }
0x2eb: {  	v5 =	vld [tilespmem:s22+$0xFFFFFD00];
	v1 =	vcvt.f32.s32 v1  }
0x2ec: {  	v6 =	vld [tilespmem:s22+$0xFFFFFF00];
	v0 =	vshll.u32 v0, $0x7  }
0x2ed: {  	v7 =	vld [tilespmem:s22+$0x100];
	v0 =	vadd.s32 v1, v0;
	_ =	sdelay $0x1  }
0x2ee: {  	v1 =	vadd.f32 $-1.000000050e-03, v2  }
0x2ef: {  	v2 =	vadd.f32 $-1.000000050e-03, v3;
	v3 =	vadd.f32 $-1.000000050e-03, v4  }
0x2f0: {  	v4 =	vadd.f32 $1.000000050e-03, v5;
	v5 =	vadd.f32 $1.000000050e-03, v6;
	v1 =	vmul.f32 $1.280000000e+02, v1  }
0x2f1: {  	v6 =	vadd.f32 $1.000000050e-03, v7;
	v3 =	vmul.f32 $1.280000000e+02, v3;
	v2 =	vmul.f32 $1.280000000e+02, v2;
	v0 =	vld.idx.msk [tilespmem:v0+s5+$0x0], $0xffff  }
0x2f2: {  	v4 =	vmul.f32 $1.277445140e+02, v4;
	v5 =	vmul.f32 $1.277445140e+02, v5  }
0x2f3: {  	v6 =	vmul.f32 $1.277445140e+02, v6;
	v3 =	vtrunc.f32 v3  }
0x2f4: {  	v1 =	vtrunc.f32 v1;
	v2 =	vtrunc.f32 v2  }
0x2f5: {  	v4 =	vtrunc.f32 v4;
	v6 =	vtrunc.f32 v6  }
0x2f6: {  	v3 =	vcvt.f32.s32 v3;
	v1 =	vcvt.f32.s32 v1;
	[tilespmem:s18+$0x110] =	vst v0  }
0x2f7: {  	v4 =	vcvt.f32.s32 v4;
	v0 =	vtrunc.f32 v5;
	v5 =	vld [tilespmem:s22+$0x220]  }
0x2f8: {  	v2 =	vcvt.f32.s32 v2;
	v3 =	vshll.u32 v3, $0x7;
	v0 =	vcvt.f32.s32 v0;
	v7 =	vld [tilespmem:s22+$0x320]  }
0x2f9: {  	v6 =	vcvt.f32.s32 v6;
	v1 =	vshll.u32 v1, $0x7;
	v3 =	vadd.s32 v4, v3  }
0x2fa: {  	v2 =	vshll.u32 v2, $0x7;
	v0 =	vadd.s32 v0, v1  }
0x2fb: {  	v1 =	vadd.s32 v6, v2  }
0x2fc: {  	v2 =	vadd.f32 $-1.000000050e-03, v5  }
0x2fd: {  	v4 =	vadd.f32 $1.000000050e-03, v7  }
0x2fe: {  	v3 =	vld.idx.msk [tilespmem:v3+s5+$0x0], $0xffff;
	v2 =	vmul.f32 $1.280000000e+02, v2  }
0x2ff: {  	v0 =	vld.idx.msk [tilespmem:v0+s5+$0x0], $0xffff;
	v4 =	vmul.f32 $1.277445140e+02, v4  }
0x300: {  	v1 =	vld.idx.msk [tilespmem:v1+s5+$0x0], $0xffff;
	v2 =	vtrunc.f32 v2  }
0x301: {  	v4 =	vtrunc.f32 v4;
	v2 =	vcvt.f32.s32 v2  }
0x302: {  	v4 =	vcvt.f32.s32 v4  }
0x303: {  	[tilespmem:s18+$0xFFFFFE00] =	vst v3;
	v2 =	vshll.u32 v2, $0x7  }
0x304: {  	v3 =	vld [tilespmem:s22+$0xFFFFFC10];
	[tilespmem:s18+$0xFFFFFF00] =	vst v0;
	v0 =	vadd.s32 v4, v2  }
0x305: {  	[tilespmem:s18+$0x0] =	vst v1;
	v2 =	vld [tilespmem:s22+$0xFFFFFE10]  }
0x306: {  	v1 =	vld [tilespmem:s22+$0x10]  }
0x307: {  	v4 =	vld [tilespmem:s22+$0xFFFFFD10]  }
0x308: {  	v5 =	vld [tilespmem:s22+$0xFFFFFF10]  }
0x309: {  	v3 =	vadd.f32 $-1.000000050e-03, v3;
	v0 =	vld.idx.msk [tilespmem:v0+s5+$0x0], $0xffff  }
0x30a: {  	v6 =	vld [tilespmem:s22+$0x110]  }
0x30b: {  	v3 =	vmul.f32 $1.280000000e+02, v3;
	_ =	sdelay $0x1  }
0x30c: {  	v3 =	vtrunc.f32 v3;
	v1 =	vadd.f32 $-1.000000050e-03, v1;
	v4 =	vadd.f32 $1.000000050e-03, v4  }
0x30d: {  	v2 =	vadd.f32 $-1.000000050e-03, v2;
	v5 =	vadd.f32 $1.000000050e-03, v5;
	v3 =	vcvt.f32.s32 v3;
	[tilespmem:s18+$0x120] =	vst v0  }
0x30e: {  	v6 =	vadd.f32 $1.000000050e-03, v6;
	v0 =	vmul.f32 $1.280000000e+02, v1;
	v1 =	vmul.f32 $1.277445140e+02, v4;
	v4 =	vld [tilespmem:s22+$0x230]  }
0x30f: {  	v2 =	vmul.f32 $1.280000000e+02, v2;
	v5 =	vmul.f32 $1.277445140e+02, v5;
	v7 =	vld [tilespmem:s22+$0x330]  }
0x310: {  	v6 =	vmul.f32 $1.277445140e+02, v6;
	v1 =	vtrunc.f32 v1  }
0x311: {  	v2 =	vtrunc.f32 v2;
	v1 =	vcvt.f32.s32 v1  }
0x312: {  	v3 =	vshll.u32 v3, $0x7;
	v2 =	vcvt.f32.s32 v2;
	v0 =	vtrunc.f32 v0  }
0x313: {  	v0 =	vcvt.f32.s32 v0;
	v1 =	vadd.s32 v1, v3;
	v3 =	vadd.f32 $-1.000000050e-03, v4  }
0x314: {  	v4 =	vtrunc.f32 v5;
	v5 =	vtrunc.f32 v6;
	v6 =	vadd.f32 $1.000000050e-03, v7  }
0x315: {  	v4 =	vcvt.f32.s32 v4;
	v3 =	vmul.f32 $1.280000000e+02, v3  }
0x316: {  	v2 =	vshll.u32 v2, $0x7;
	v5 =	vcvt.f32.s32 v5;
	v6 =	vmul.f32 $1.277445140e+02, v6  }
0x317: {  	v0 =	vshll.u32 v0, $0x7;
	v2 =	vadd.s32 v4, v2;
	v3 =	vtrunc.f32 v3  }
0x318: {  	v0 =	vadd.s32 v5, v0;
	v1 =	vld.idx.msk [tilespmem:v1+s5+$0x0], $0xffff;
	v4 =	vtrunc.f32 v6;
	v3 =	vcvt.f32.s32 v3  }
0x319: {  	v4 =	vcvt.f32.s32 v4  }
0x31a: {  	v3 =	vshll.u32 v3, $0x7  }
0x31b: {  	v3 =	vadd.s32 v4, v3  }
0x31c: {  	v2 =	vld.idx.msk [tilespmem:v2+s5+$0x0], $0xffff  }
0x31d: {  	v0 =	vld.idx.msk [tilespmem:v0+s5+$0x0], $0xffff;
	[tilespmem:s18+$0xFFFFFE10] =	vst v1  }
0x31e: {  	v1 =	vld [tilespmem:s22+$0xFFFFFC20]  }
0x31f: {  	v4 =	vld [tilespmem:s22+$0xFFFFFD20]  }
0x320: {  	v3 =	vld.idx.msk [tilespmem:v3+s5+$0x0], $0xffff  }
0x321: {  	[tilespmem:s18+$0xFFFFFF10] =	vst v2  }
0x322: {  	[tilespmem:s18+$0x10] =	vst v0;
	v0 =	vld [tilespmem:s22+$0xFFFFFE20]  }
0x323: {  	v2 =	vld [tilespmem:s22+$0x20]  }
0x324: {  	v5 =	vld [tilespmem:s22+$0xFFFFFF20];
	v1 =	vadd.f32 $-1.000000050e-03, v1;
	v4 =	vadd.f32 $1.000000050e-03, v4  }
0x325: {  	v6 =	vld [tilespmem:s22+$0x120];
	[tilespmem:s18+$0x130] =	vst v3  }
0x326: {  	v1 =	vmul.f32 $1.280000000e+02, v1;
	v4 =	vmul.f32 $1.277445140e+02, v4;
	v3 =	vld [tilespmem:s22+$0x240]  }
0x327: {  	v7 =	vld [tilespmem:s22+$0x340];
	v0 =	vadd.f32 $-1.000000050e-03, v0  }
0x328: {  	v1 =	vtrunc.f32 v1;
	v2 =	vadd.f32 $-1.000000050e-03, v2;
	v4 =	vtrunc.f32 v4  }
0x329: {  	v5 =	vadd.f32 $1.000000050e-03, v5;
	v1 =	vcvt.f32.s32 v1;
	v4 =	vcvt.f32.s32 v4  }
0x32a: {  	v6 =	vadd.f32 $1.000000050e-03, v6;
	v0 =	vmul.f32 $1.280000000e+02, v0;
	v2 =	vmul.f32 $1.280000000e+02, v2  }
0x32b: {  	v5 =	vmul.f32 $1.277445140e+02, v5;
	v1 =	vshll.u32 v1, $0x7;
	v3 =	vadd.f32 $-1.000000050e-03, v3  }
0x32c: {  	v6 =	vmul.f32 $1.277445140e+02, v6;
	v1 =	vadd.s32 v4, v1;
	v4 =	vadd.f32 $1.000000050e-03, v7  }
0x32d: {  	s23 =	simm.s32 $0x4C80;
	v0 =	vtrunc.f32 v0;
	v3 =	vmul.f32 $1.280000000e+02, v3  }
0x32e: {  	v2 =	vtrunc.f32 v2;
	v7 =	vld [tilespmem:s23+$0x200];
	v4 =	vmul.f32 $1.277445140e+02, v4  }
0x32f: {  	v8 =	vld [tilespmem:s23+$0x300];
	v5 =	vtrunc.f32 v5;
	v3 =	vtrunc.f32 v3  }
0x330: {  	v4 =	vtrunc.f32 v4;
	v3 =	vcvt.f32.s32 v3  }
0x331: {  	v6 =	vtrunc.f32 v6;
	v4 =	vcvt.f32.s32 v4  }
0x332: {  	v9 =	vld [tilespmem:s23+$0xFFFFFE00];
	v0 =	vcvt.f32.s32 v0;
	v2 =	vcvt.f32.s32 v2;
	v3 =	vshll.u32 v3, $0x7  }
0x333: {  	v10 =	vld [tilespmem:s23+$0x0];
	v5 =	vcvt.f32.s32 v5;
	v3 =	vadd.s32 v4, v3;
	v4 =	vadd.f32 $-1.000000050e-03, v7  }
0x334: {  	v11 =	vld [tilespmem:s23+$0xFFFFFD00];
	v8 =	vadd.f32 $1.000000050e-03, v8;
	v6 =	vcvt.f32.s32 v6;
	v0 =	vshll.u32 v0, $0x7  }
0x335: {  	v2 =	vshll.u32 v2, $0x7;
	v0 =	vadd.s32 v5, v0;
	v5 =	vld [tilespmem:s23+$0xFFFFFF00];
	v4 =	vmul.f32 $1.280000000e+02, v4  }
0x336: {  	v8 =	vmul.f32 $1.277445140e+02, v8;
	v2 =	vadd.s32 v6, v2;
	v6 =	vld [tilespmem:s23+$0x100]  }
0x337: {  	v1 =	vld.idx.msk [tilespmem:v1+s5+$0x0], $0xffff;
	v4 =	vtrunc.f32 v4  }
0x338: {  	v8 =	vtrunc.f32 v8;
	v3 =	vld.idx.msk [tilespmem:v3+s5+$0x0], $0xffff;
	v4 =	vcvt.f32.s32 v4  }
0x339: {  	v10 =	vadd.f32 $-1.000000050e-03, v10;
	v8 =	vcvt.f32.s32 v8;
	v7 =	vld [tilespmem:s23+$0xFFFFFC00]  }
0x33a: {  	v9 =	vadd.f32 $-1.000000050e-03, v9;
	v4 =	vshll.u32 v4, $0x7  }
0x33b: {  	v10 =	vmul.f32 $1.280000000e+02, v10;
	v0 =	vld.idx.msk [tilespmem:v0+s5+$0x0], $0xffff;
	v5 =	vadd.f32 $1.000000050e-03, v5;
	v4 =	vadd.s32 v8, v4  }
0x33c: {  	v2 =	vld.idx.msk [tilespmem:v2+s5+$0x0], $0xffff;
	[tilespmem:s18+$0xFFFFFE20] =	vst v1;
	v1 =	vmul.f32 $1.280000000e+02, v9;
	v8 =	vadd.f32 $1.000000050e-03, v11  }
0x33d: {  	v10 =	vtrunc.f32 v10;
	v6 =	vadd.f32 $1.000000050e-03, v6;
	v9 =	vld [tilespmem:s22+$0xFFFFFC30];
	v5 =	vmul.f32 $1.277445140e+02, v5;
	[tilespmem:s18+$0x140] =	vst v3  }
0x33e: {  	v1 =	vtrunc.f32 v1;
	v7 =	vadd.f32 $-1.000000050e-03, v7;
	v3 =	vmul.f32 $1.277445140e+02, v8;
	v8 =	vld [tilespmem:s22+$0x250]  }
0x33f: {  	v6 =	vmul.f32 $1.277445140e+02, v6;
	v1 =	vcvt.f32.s32 v1;
	v11 =	vld [tilespmem:s22+$0x350]  }
0x340: {  	v5 =	vtrunc.f32 v5;
	v7 =	vmul.f32 $1.280000000e+02, v7;
	v4 =	vld.idx.msk [tilespmem:v4+s5+$0x0], $0xffff  }
0x341: {  	v6 =	vtrunc.f32 v6;
	v5 =	vcvt.f32.s32 v5  }
0x342: {  	[tilespmem:s18+$0xFFFFFF20] =	vst v0;
	v1 =	vshll.u32 v1, $0x7;
	v0 =	vadd.f32 $-1.000000050e-03, v9;
	v7 =	vtrunc.f32 v7  }
0x343: {  	v7 =	vcvt.f32.s32 v7;
	v3 =	vtrunc.f32 v3;
	v8 =	vadd.f32 $-1.000000050e-03, v8  }
0x344: {  	s19 =	simm.s32 $0x10E80;
	[tilespmem:s18+$0x20] =	vst v2;
	v2 =	vld [tilespmem:s22+$0xFFFFFE30];
	v1 =	vadd.s32 v5, v1;
	v3 =	vcvt.f32.s32 v3;
	v11 =	vadd.f32 $1.000000050e-03, v11  }
0x345: {  	v9 =	vcvt.f32.s32 v10;
	v10 =	vld [tilespmem:s22+$0x30];
	v7 =	vshll.u32 v7, $0x7;
	v8 =	vmul.f32 $1.280000000e+02, v8;
	[tilespmem:s19+$0x100] =	vst v4  }
0x346: {  	v3 =	vadd.s32 v3, v7;
	v4 =	vcvt.f32.s32 v6;
	v6 =	vmul.f32 $1.277445140e+02, v11;
	v7 =	vld [tilespmem:s23+$0x210]  }
0x347: {  	v9 =	vshll.u32 v9, $0x7;
	v0 =	vmul.f32 $1.280000000e+02, v0;
	v5 =	vtrunc.f32 v8;
	v8 =	vld [tilespmem:s23+$0x310]  }
0x348: {  	v12 =	vld [tilespmem:s22+$0xFFFFFD30];
	v4 =	vadd.s32 v4, v9;
	v6 =	vtrunc.f32 v6;
	v5 =	vcvt.f32.s32 v5  }
0x349: {  	v2 =	vadd.f32 $-1.000000050e-03, v2;
	v1 =	vld.idx.msk [tilespmem:v1+s5+$0x0], $0xffff;
	v6 =	vcvt.f32.s32 v6  }
0x34a: {  	v0 =	vtrunc.f32 v0;
	v10 =	vadd.f32 $-1.000000050e-03, v10;
	v11 =	vld [tilespmem:s22+$0xFFFFFF30];
	v5 =	vshll.u32 v5, $0x7  }
0x34b: {  	v2 =	vmul.f32 $1.280000000e+02, v2;
	v3 =	vld.idx.msk [tilespmem:v3+s5+$0x0], $0xffff;
	v5 =	vadd.s32 v6, v5;
	v6 =	vadd.f32 $-1.000000050e-03, v7  }
0x34c: {  	v0 =	vcvt.f32.s32 v0;
	v10 =	vmul.f32 $1.280000000e+02, v10;
	v9 =	vld [tilespmem:s22+$0x130];
	v8 =	vadd.f32 $1.000000050e-03, v8  }
0x34d: {  	v2 =	vtrunc.f32 v2;
	v7 =	vadd.f32 $1.000000050e-03, v12;
	v4 =	vld.idx.msk [tilespmem:v4+s5+$0x0], $0xffff;
	v6 =	vmul.f32 $1.280000000e+02, v6  }
0x34e: {  	v2 =	vcvt.f32.s32 v2;
	v8 =	vmul.f32 $1.277445140e+02, v8  }
0x34f: {  	v11 =	vadd.f32 $1.000000050e-03, v11;
	v7 =	vmul.f32 $1.277445140e+02, v7;
	v6 =	vtrunc.f32 v6  }
0x350: {  	[tilespmem:s19+$0xFFFFFE00] =	vst v3;
	v3 =	vld.idx.msk [tilespmem:v5+s5+$0x0], $0xffff;
	v5 =	vcvt.f32.s32 v6;
	v6 =	vtrunc.f32 v8  }
0x351: {  	[tilespmem:s19+$0xFFFFFF00] =	vst v1;
	v11 =	vmul.f32 $1.277445140e+02, v11;
	v8 =	vadd.f32 $1.000000050e-03, v9;
	v9 =	vld [tilespmem:s23+$0xFFFFFC10];
	v1 =	vcvt.f32.s32 v6  }
0x352: {  	v7 =	vtrunc.f32 v7;
	v6 =	vtrunc.f32 v10;
	v10 =	vld [tilespmem:s23+$0xFFFFFE10];
	[tilespmem:s19+$0x0] =	vst v4;
	v4 =	vshll.u32 v5, $0x7  }
0x353: {  	v7 =	vcvt.f32.s32 v7;
	v5 =	vld [tilespmem:s23+$0x10];
	v1 =	vadd.s32 v1, v4;
	v4 =	vmul.f32 $1.277445140e+02, v8  }
0x354: {  	v0 =	vshll.u32 v0, $0x7;
	v11 =	vtrunc.f32 v11;
	v6 =	vcvt.f32.s32 v6;
	v8 =	vld [tilespmem:s23+$0xFFFFFD10]  }
0x355: {  	v12 =	vld [tilespmem:s23+$0xFFFFFF10];
	v0 =	vadd.s32 v7, v0;
	[tilespmem:s18+$0x150] =	vst v3;
	v3 =	vtrunc.f32 v4;
	v4 =	vcvt.f32.s32 v11  }
0x356: {  	v2 =	vshll.u32 v2, $0x7;
	v13 =	vld [tilespmem:s23+$0x110];
	v9 =	vadd.f32 $-1.000000050e-03, v9;
	v3 =	vcvt.f32.s32 v3  }
0x357: {  	v6 =	vshll.u32 v6, $0x7;
	v11 =	vld [tilespmem:s22+$0x260];
	v7 =	vadd.f32 $-1.000000050e-03, v10;
	v2 =	vadd.s32 v4, v2  }
0x358: {  	v4 =	vmul.f32 $1.280000000e+02, v9;
	v5 =	vadd.f32 $-1.000000050e-03, v5;
	v1 =	vld.idx.msk [tilespmem:v1+s5+$0x0], $0xffff;
	v3 =	vadd.s32 v3, v6  }
0x359: {  	v9 =	vld [tilespmem:s22+$0x360];
	v6 =	vadd.f32 $1.000000050e-03, v8;
	v7 =	vmul.f32 $1.280000000e+02, v7  }
0x35a: {  	v0 =	vld.idx.msk [tilespmem:v0+s5+$0x0], $0xffff;
	v8 =	vadd.f32 $1.000000050e-03, v12;
	v4 =	vtrunc.f32 v4;
	v5 =	vmul.f32 $1.280000000e+02, v5  }
0x35b: {  	v6 =	vmul.f32 $1.277445140e+02, v6;
	v7 =	vtrunc.f32 v7  }
0x35c: {  	v10 =	vadd.f32 $1.000000050e-03, v13;
	v8 =	vmul.f32 $1.277445140e+02, v8;
	v5 =	vtrunc.f32 v5;
	v2 =	vld.idx.msk [tilespmem:v2+s5+$0x0], $0xffff  }
0x35d: {  	v7 =	vcvt.f32.s32 v7;
	v5 =	vcvt.f32.s32 v5;
	[tilespmem:s19+$0x110] =	vst v1;
	v3 =	vld.idx.msk [tilespmem:v3+s5+$0x0], $0xffff  }
0x35e: {  	v11 =	vadd.f32 $-1.000000050e-03, v11;
	v1 =	vcvt.f32.s32 v4;
	v4 =	vmul.f32 $1.277445140e+02, v10;
	v10 =	vld [tilespmem:s23+$0x220]  }
0x35f: {  	v9 =	vadd.f32 $1.000000050e-03, v9;
	v6 =	vtrunc.f32 v6;
	[tilespmem:s18+$0xFFFFFE30] =	vst v0;
	v0 =	vtrunc.f32 v8;
	v12 =	vld [tilespmem:s23+$0x320]  }
0x360: {  	v11 =	vmul.f32 $1.280000000e+02, v11;
	v0 =	vcvt.f32.s32 v0  }
0x361: {  	v7 =	vshll.u32 v7, $0x7;
	v6 =	vcvt.f32.s32 v6;
	v9 =	vmul.f32 $1.277445140e+02, v9  }
0x362: {  	s21 =	simm.s32 $0x5480;
	v1 =	vshll.u32 v1, $0x7;
	v4 =	vtrunc.f32 v4;
	v0 =	vadd.s32 v0, v7  }
0x363: {  	v17 =	vld [tilespmem:s21+$0x300];
	v1 =	vadd.s32 v6, v1;
	v4 =	vcvt.f32.s32 v4;
	[tilespmem:s18+$0xFFFFFF30] =	vst v2;
	v8 =	vadd.f32 $-1.000000050e-03, v10  }
0x364: {  	v2 =	vshll.u32 v5, $0x7;
	[tilespmem:s18+$0x30] =	vst v3;
	v3 =	vtrunc.f32 v9;
	v9 =	vld [tilespmem:s22+$0xFFFFFF40];
	v6 =	vadd.f32 $1.000000050e-03, v12  }
0x365: {  	v11 =	vtrunc.f32 v11;
	v2 =	vadd.s32 v4, v2;
	v10 =	vld [tilespmem:s22+$0xFFFFFC40];
	v5 =	vmul.f32 $1.280000000e+02, v8  }
0x366: {  	v11 =	vcvt.f32.s32 v11;
	v12 =	vld [tilespmem:s22+$0xFFFFFD40];
	v6 =	vmul.f32 $1.277445140e+02, v6  }
0x367: {  	v3 =	vcvt.f32.s32 v3;
	v7 =	vld [tilespmem:s22+$0x40];
	v4 =	vtrunc.f32 v5  }
0x368: {  	v0 =	vld.idx.msk [tilespmem:v0+s5+$0x0], $0xffff;
	v5 =	vshll.u32 v11, $0x7;
	v6 =	vtrunc.f32 v6;
	v4 =	vcvt.f32.s32 v4  }
0x369: {  	v8 =	vld [tilespmem:s22+$0xFFFFFE40];
	v3 =	vadd.s32 v3, v5;
	v5 =	vcvt.f32.s32 v6  }
0x36a: {  	v2 =	vld.idx.msk [tilespmem:v2+s5+$0x0], $0xffff;
	v4 =	vshll.u32 v4, $0x7  }
0x36b: {  	v17 =	vadd.f32 $1.000000050e-03, v17;
	v9 =	vadd.f32 $1.000000050e-03, v9;
	v4 =	vadd.s32 v5, v4  }
0x36c: {  	v1 =	vld.idx.msk [tilespmem:v1+s5+$0x0], $0xffff;
	v10 =	vadd.f32 $-1.000000050e-03, v10;
	v7 =	vadd.f32 $-1.000000050e-03, v7  }
0x36d: {  	v17 =	vmul.f32 $1.277445140e+02, v17;
	v6 =	vld [tilespmem:s22+$0x140];
	v9 =	vmul.f32 $1.277445140e+02, v9  }
0x36e: {  	[tilespmem:s19+$0xFFFFFF10] =	vst v0;
	v10 =	vmul.f32 $1.280000000e+02, v10;
	v7 =	vmul.f32 $1.280000000e+02, v7  }
0x36f: {  	v5 =	vadd.f32 $-1.000000050e-03, v8;
	v8 =	vadd.f32 $1.000000050e-03, v12;
	[tilespmem:s19+$0x10] =	vst v2;
	v2 =	vld [tilespmem:s23+$0xFFFFFE20]  }
0x370: {  	v9 =	vtrunc.f32 v9;
	v7 =	vtrunc.f32 v7;
	v0 =	vld.idx.msk [tilespmem:v4+s5+$0x0], $0xffff  }
0x371: {  	[tilespmem:s19+$0xFFFFFE10] =	vst v1;
	v12 =	vld [tilespmem:s23+$0xFFFFFF20];
	v5 =	vmul.f32 $1.280000000e+02, v5;
	v1 =	vmul.f32 $1.277445140e+02, v8  }
0x372: {  	v8 =	vtrunc.f32 v10;
	v6 =	vadd.f32 $1.000000050e-03, v6;
	v10 =	vld [tilespmem:s23+$0xFFFFFC20];
	v7 =	vcvt.f32.s32 v7  }
0x373: {  	v3 =	vld.idx.msk [tilespmem:v3+s5+$0x0], $0xffff;
	v1 =	vtrunc.f32 v1;
	v4 =	vtrunc.f32 v5  }
0x374: {  	v13 =	vld [tilespmem:s23+$0x120];
	v5 =	vmul.f32 $1.277445140e+02, v6;
	v6 =	vcvt.f32.s32 v8  }
0x375: {  	v8 =	vld [tilespmem:s23+$0x20];
	v1 =	vcvt.f32.s32 v1;
	v4 =	vcvt.f32.s32 v4;
	v2 =	vadd.f32 $-1.000000050e-03, v2;
	[tilespmem:s19+$0x120] =	vst v0  }
0x376: {  	v6 =	vshll.u32 v6, $0x7;
	v5 =	vtrunc.f32 v5;
	v0 =	vcvt.f32.s32 v9;
	v9 =	vld [tilespmem:s23+$0x230]  }
0x377: {  	v5 =	vcvt.f32.s32 v5;
	v1 =	vadd.s32 v1, v6;
	v6 =	vadd.f32 $-1.000000050e-03, v10;
	v10 =	vld [tilespmem:s23+$0x330]  }
0x378: {  	v11 =	vld [tilespmem:s23+$0xFFFFFD20];
	v7 =	vshll.u32 v7, $0x7;
	v4 =	vshll.u32 v4, $0x7;
	v2 =	vmul.f32 $1.280000000e+02, v2  }
0x379: {  	[tilespmem:s18+$0x160] =	vst v3;
	v3 =	vadd.s32 v5, v7;
	v5 =	vmul.f32 $1.280000000e+02, v6;
	v0 =	vadd.s32 v0, v4  }
0x37a: {  	v7 =	vadd.f32 $1.000000050e-03, v12;
	v12 =	vadd.f32 $1.000000050e-03, v13;
	v2 =	vtrunc.f32 v2  }
0x37b: {  	v16 =	vld [tilespmem:s21+$0x200];
	v4 =	vadd.f32 $-1.000000050e-03, v8;
	v5 =	vtrunc.f32 v5;
	v9 =	vadd.f32 $-1.000000050e-03, v9  }
0x37c: {  	v7 =	vmul.f32 $1.277445140e+02, v7;
	v12 =	vmul.f32 $1.277445140e+02, v12;
	v1 =	vld.idx.msk [tilespmem:v1+s5+$0x0], $0xffff;
	v10 =	vadd.f32 $1.000000050e-03, v10  }
0x37d: {  	v8 =	vadd.f32 $1.000000050e-03, v11;
	v5 =	vcvt.f32.s32 v5;
	v9 =	vmul.f32 $1.280000000e+02, v9  }
0x37e: {  	v4 =	vmul.f32 $1.280000000e+02, v4;
	v0 =	vld.idx.msk [tilespmem:v0+s5+$0x0], $0xffff;
	v10 =	vmul.f32 $1.277445140e+02, v10  }
0x37f: {  	v8 =	vmul.f32 $1.277445140e+02, v8;
	v3 =	vld.idx.msk [tilespmem:v3+s5+$0x0], $0xffff;
	v9 =	vtrunc.f32 v9  }
0x380: {  	v6 =	vld [tilespmem:s22+$0x270];
	v10 =	vtrunc.f32 v10;
	v9 =	vcvt.f32.s32 v9  }
0x381: {  	v16 =	vadd.f32 $-1.000000050e-03, v16;
	v11 =	vld [tilespmem:s22+$0x370];
	[tilespmem:s18+$0xFFFFFE40] =	vst v1;
	v1 =	vcvt.f32.s32 v2;
	v2 =	vcvt.f32.s32 v10  }
0x382: {  	v4 =	vtrunc.f32 v4;
	v8 =	vtrunc.f32 v8;
	v9 =	vshll.u32 v9, $0x7  }
0x383: {  	v13 =	vld [tilespmem:s22+$0xFFFFFD50];
	[tilespmem:s18+$0xFFFFFF40] =	vst v0;
	v0 =	vtrunc.f32 v7;
	v7 =	vcvt.f32.s32 v8;
	v2 =	vadd.s32 v2, v9  }
0x384: {  	v5 =	vshll.u32 v5, $0x7;
	v4 =	vcvt.f32.s32 v4;
	[tilespmem:s18+$0x40] =	vst v3;
	v3 =	vtrunc.f32 v12;
	v10 =	vld [tilespmem:s22+$0xFFFFFC50]  }
0x385: {  	v6 =	vadd.f32 $-1.000000050e-03, v6;
	v3 =	vcvt.f32.s32 v3;
	v14 =	vld [tilespmem:s22+$0x150];
	v5 =	vadd.s32 v7, v5  }
0x386: {  	v11 =	vadd.f32 $1.000000050e-03, v11;
	v4 =	vshll.u32 v4, $0x7;
	v8 =	vld [tilespmem:s22+$0xFFFFFE50];
	v0 =	vcvt.f32.s32 v0  }
0x387: {  	v6 =	vmul.f32 $1.280000000e+02, v6;
	v1 =	vshll.u32 v1, $0x7;
	v3 =	vadd.s32 v3, v4;
	v7 =	vld [tilespmem:s22+$0xFFFFFF50]  }
0x388: {  	v16 =	vmul.f32 $1.280000000e+02, v16;
	v17 =	vtrunc.f32 v17;
	v12 =	vadd.s32 v0, v1;
	v2 =	vld.idx.msk [tilespmem:v2+s5+$0x0], $0xffff  }
0x389: {  	v9 =	vld [tilespmem:s22+$0x50];
	v0 =	vmul.f32 $1.277445140e+02, v11;
	v1 =	vtrunc.f32 v6  }
0x38a: {  	v17 =	vcvt.f32.s32 v17;
	v1 =	vcvt.f32.s32 v1;
	v4 =	vadd.f32 $-1.000000050e-03, v10;
	v5 =	vld.idx.msk [tilespmem:v5+s5+$0x0], $0xffff  }
0x38b: {  	v11 =	vadd.f32 $1.000000050e-03, v14;
	v0 =	vtrunc.f32 v0;
	v6 =	vadd.f32 $-1.000000050e-03, v8  }
0x38c: {  	v0 =	vcvt.f32.s32 v0;
	v4 =	vmul.f32 $1.280000000e+02, v4;
	v3 =	vld.idx.msk [tilespmem:v3+s5+$0x0], $0xffff;
	v7 =	vadd.f32 $1.000000050e-03, v7  }
0x38d: {  	v8 =	vadd.f32 $1.000000050e-03, v13;
	v11 =	vmul.f32 $1.277445140e+02, v11;
	v10 =	vld.idx.msk [tilespmem:v12+s5+$0x0], $0xffff;
	v6 =	vmul.f32 $1.280000000e+02, v6;
	[tilespmem:s19+$0x130] =	vst v2  }
0x38e: {  	v9 =	vadd.f32 $-1.000000050e-03, v9;
	v2 =	vtrunc.f32 v4;
	v4 =	vmul.f32 $1.277445140e+02, v7;
	v7 =	vld [tilespmem:s23+$0x240]  }
0x38f: {  	v8 =	vmul.f32 $1.277445140e+02, v8;
	v11 =	vtrunc.f32 v11;
	[tilespmem:s19+$0xFFFFFE20] =	vst v5;
	v5 =	vld [tilespmem:s23+$0x340]  }
0x390: {  	v9 =	vmul.f32 $1.280000000e+02, v9;
	v11 =	vcvt.f32.s32 v11  }
0x391: {  	v6 =	vtrunc.f32 v6;
	v8 =	vtrunc.f32 v8;
	[tilespmem:s19+$0x20] =	vst v3  }
0x392: {  	v9 =	vtrunc.f32 v9;
	v6 =	vcvt.f32.s32 v6;
	v12 =	vld [tilespmem:s23+$0x30]  }
0x393: {  	v8 =	vcvt.f32.s32 v8;
	v9 =	vcvt.f32.s32 v9;
	v15 =	vld [tilespmem:s23+$0x130];
	v7 =	vadd.f32 $-1.000000050e-03, v7  }
0x394: {  	v2 =	vcvt.f32.s32 v2;
	[tilespmem:s19+$0xFFFFFF20] =	vst v10;
	v10 =	vld [tilespmem:s23+$0xFFFFFC30];
	v6 =	vshll.u32 v6, $0x7;
	v5 =	vadd.f32 $1.000000050e-03, v5  }
0x395: {  	v13 =	vld [tilespmem:s23+$0xFFFFFD30];
	v4 =	vtrunc.f32 v4;
	v9 =	vshll.u32 v9, $0x7;
	v7 =	vmul.f32 $1.280000000e+02, v7  }
0x396: {  	v2 =	vshll.u32 v2, $0x7;
	v4 =	vcvt.f32.s32 v4;
	v5 =	vmul.f32 $1.277445140e+02, v5  }
0x397: {  	v3 =	vld [tilespmem:s23+$0xFFFFFE30];
	v9 =	vadd.s32 v11, v9;
	v12 =	vadd.f32 $-1.000000050e-03, v12;
	v7 =	vtrunc.f32 v7  }
0x398: {  	v14 =	vld [tilespmem:s23+$0xFFFFFF30];
	v2 =	vadd.s32 v8, v2;
	v5 =	vtrunc.f32 v5;
	v7 =	vcvt.f32.s32 v7  }
0x399: {  	v15 =	vadd.f32 $1.000000050e-03, v15;
	v12 =	vmul.f32 $1.280000000e+02, v12;
	v5 =	vcvt.f32.s32 v5  }
0x39a: {  	v18 =	vld [tilespmem:s21+$0xFFFFFE00];
	v10 =	vadd.f32 $-1.000000050e-03, v10;
	v13 =	vadd.f32 $1.000000050e-03, v13;
	v7 =	vshll.u32 v7, $0x7  }
0x39b: {  	v8 =	vld [tilespmem:s21+$0xFFFFFF00];
	v15 =	vmul.f32 $1.277445140e+02, v15;
	v12 =	vtrunc.f32 v12;
	v5 =	vadd.s32 v5, v7  }
0x39c: {  	v19 =	vld [tilespmem:s21+$0x0];
	v3 =	vadd.f32 $-1.000000050e-03, v3;
	v11 =	vcvt.f32.s32 v12;
	v12 =	vtrunc.f32 v16  }
0x39d: {  	v20 =	vld [tilespmem:s21+$0xFFFFFD00];
	v14 =	vadd.f32 $1.000000050e-03, v14;
	v10 =	vmul.f32 $1.280000000e+02, v10;
	v12 =	vcvt.f32.s32 v12  }
0x39e: {  	v4 =	vadd.s32 v4, v6;
	v6 =	vld [tilespmem:s21+$0x100];
	v13 =	vmul.f32 $1.277445140e+02, v13;
	v3 =	vmul.f32 $1.280000000e+02, v3  }
0x39f: {  	v14 =	vmul.f32 $1.277445140e+02, v14;
	v2 =	vld.idx.msk [tilespmem:v2+s5+$0x0], $0xffff;
	v16 =	vadd.f32 $-1.000000050e-03, v18;
	v12 =	vshll.u32 v12, $0x7  }
0x3a0: {  	v8 =	vadd.f32 $1.000000050e-03, v8;
	v15 =	vtrunc.f32 v15;
	v12 =	vadd.s32 v17, v12;
	v5 =	vld.idx.msk [tilespmem:v5+s5+$0x0], $0xffff  }
0x3a1: {  	v10 =	vtrunc.f32 v10;
	v16 =	vmul.f32 $1.280000000e+02, v16;
	v7 =	vld [tilespmem:s21+$0xFFFFFC00]  }
0x3a2: {  	v13 =	vtrunc.f32 v13;
	v8 =	vmul.f32 $1.277445140e+02, v8  }
0x3a3: {  	v18 =	vadd.f32 $-1.000000050e-03, v19;
	v4 =	vld.idx.msk [tilespmem:v4+s5+$0x0], $0xffff;
	v10 =	vcvt.f32.s32 v10;
	v16 =	vtrunc.f32 v16  }
0x3a4: {  	v6 =	vadd.f32 $1.000000050e-03, v6;
	v8 =	vtrunc.f32 v8;
	[tilespmem:s18+$0xFFFFFE50] =	vst v2;
	v2 =	vld.idx.msk [tilespmem:v9+s5+$0x0], $0xffff;
	v16 =	vcvt.f32.s32 v16  }
0x3a5: {  	v19 =	vadd.f32 $1.000000050e-03, v20;
	v17 =	vmul.f32 $1.280000000e+02, v18;
	v8 =	vcvt.f32.s32 v8;
	v12 =	vld.idx.msk [tilespmem:v12+s5+$0x0], $0xffff;
	[tilespmem:s19+$0x140] =	vst v5  }
0x3a6: {  	v6 =	vmul.f32 $1.277445140e+02, v6;
	v16 =	vshll.u32 v16, $0x7;
	v7 =	vadd.f32 $-1.000000050e-03, v7;
	v18 =	vld [tilespmem:s23+$0x250]  }
0x3a7: {  	v17 =	vtrunc.f32 v17;
	v8 =	vadd.s32 v8, v16;
	v5 =	vmul.f32 $1.277445140e+02, v19;
	v19 =	vld [tilespmem:s23+$0x350]  }
0x3a8: {  	v9 =	vshll.u32 v10, $0x7;
	v10 =	vcvt.f32.s32 v17;
	v7 =	vmul.f32 $1.280000000e+02, v7  }
0x3a9: {  	v15 =	vcvt.f32.s32 v15;
	v6 =	vtrunc.f32 v6  }
0x3aa: {  	[tilespmem:s18+$0xFFFFFF50] =	vst v4;
	v6 =	vcvt.f32.s32 v6;
	v10 =	vshll.u32 v10, $0x7;
	v7 =	vtrunc.f32 v7  }
0x3ab: {  	s20 =	simm.s32 $0x11280;
	v4 =	vld [tilespmem:s22+$0xFFFFFC60];
	[tilespmem:s18+$0x50] =	vst v2;
	v7 =	vcvt.f32.s32 v7;
	v5 =	vtrunc.f32 v5;
	v17 =	vadd.f32 $-1.000000050e-03, v18  }
0x3ac: {  	v2 =	vadd.s32 v6, v10;
	v8 =	vld.idx.msk [tilespmem:v8+s5+$0x0], $0xffff;
	[tilespmem:s20+$0x100] =	vst v12;
	v5 =	vcvt.f32.s32 v5;
	v19 =	vadd.f32 $1.000000050e-03, v19  }
0x3ad: {  	v3 =	vtrunc.f32 v3;
	v10 =	vld [tilespmem:s21+$0x310];
	v7 =	vshll.u32 v7, $0x7;
	v17 =	vmul.f32 $1.280000000e+02, v17  }
0x3ae: {  	v14 =	vtrunc.f32 v14;
	v16 =	vld [tilespmem:s21+$0x210];
	v5 =	vadd.s32 v5, v7;
	v7 =	vmul.f32 $1.277445140e+02, v19  }
0x3af: {  	v13 =	vcvt.f32.s32 v13;
	v21 =	vld [tilespmem:s22+$0xFFFFFF60];
	v12 =	vtrunc.f32 v17  }
0x3b0: {  	v4 =	vadd.f32 $-1.000000050e-03, v4;
	v18 =	vld [tilespmem:s22+$0xFFFFFE60];
	v7 =	vtrunc.f32 v7;
	v6 =	vcvt.f32.s32 v12  }
0x3b1: {  	v3 =	vcvt.f32.s32 v3;
	v9 =	vadd.s32 v13, v9;
	v2 =	vld.idx.msk [tilespmem:v2+s5+$0x0], $0xffff;
	[tilespmem:s20+$0xFFFFFF00] =	vst v8;
	v7 =	vcvt.f32.s32 v7  }
0x3b2: {  	v4 =	vmul.f32 $1.280000000e+02, v4;
	v13 =	vld [tilespmem:s21+$0xFFFFFE10];
	v10 =	vadd.f32 $1.000000050e-03, v10;
	v6 =	vshll.u32 v6, $0x7  }
0x3b3: {  	v14 =	vcvt.f32.s32 v14;
	v16 =	vadd.f32 $-1.000000050e-03, v16;
	v5 =	vld.idx.msk [tilespmem:v5+s5+$0x0], $0xffff;
	v6 =	vadd.s32 v7, v6  }
0x3b4: {  	v4 =	vtrunc.f32 v4;
	v10 =	vmul.f32 $1.277445140e+02, v10;
	v19 =	vadd.f32 $1.000000050e-03, v21;
	v12 =	vld [tilespmem:s22+$0x60]  }
0x3b5: {  	v20 =	vld [tilespmem:s22+$0xFFFFFD60];
	v4 =	vcvt.f32.s32 v4;
	v16 =	vmul.f32 $1.280000000e+02, v16;
	v18 =	vadd.f32 $-1.000000050e-03, v18  }
0x3b6: {  	v3 =	vshll.u32 v3, $0x7;
	v17 =	vld [tilespmem:s22+$0x160];
	v8 =	vtrunc.f32 v10;
	v10 =	vmul.f32 $1.277445140e+02, v19  }
0x3b7: {  	v3 =	vadd.s32 v14, v3;
	v9 =	vld.idx.msk [tilespmem:v9+s5+$0x0], $0xffff;
	[tilespmem:s20+$0x0] =	vst v2;
	v2 =	vcvt.f32.s32 v8;
	v18 =	vmul.f32 $1.280000000e+02, v18  }
0x3b8: {  	v13 =	vadd.f32 $-1.000000050e-03, v13;
	v10 =	vtrunc.f32 v10;
	[tilespmem:s20+$0xFFFFFE00] =	vst v5;
	v5 =	vld.idx.msk [tilespmem:v6+s5+$0x0], $0xffff;
	v6 =	vtrunc.f32 v16  }
0x3b9: {  	v18 =	vtrunc.f32 v18;
	v12 =	vadd.f32 $-1.000000050e-03, v12;
	v19 =	vld [tilespmem:s21+$0xFFFFFD10];
	v6 =	vcvt.f32.s32 v6  }
0x3ba: {  	v13 =	vmul.f32 $1.280000000e+02, v13;
	v14 =	vcvt.f32.s32 v18;
	v18 =	vld [tilespmem:s21+$0xFFFFFF10]  }
0x3bb: {  	v12 =	vmul.f32 $1.280000000e+02, v12;
	v16 =	vadd.f32 $1.000000050e-03, v17;
	v17 =	vld [tilespmem:s21+$0xFFFFFC10];
	v6 =	vshll.u32 v6, $0x7  }
0x3bc: {  	v3 =	vld.idx.msk [tilespmem:v3+s5+$0x0], $0xffff;
	v7 =	vadd.f32 $1.000000050e-03, v20;
	v13 =	vtrunc.f32 v13;
	v6 =	vadd.s32 v2, v6  }
0x3bd: {  	v11 =	vshll.u32 v11, $0x7;
	v12 =	vtrunc.f32 v12;
	v8 =	vmul.f32 $1.277445140e+02, v16;
	v16 =	vld [tilespmem:s21+$0x10];
	[tilespmem:s19+$0x150] =	vst v5  }
0x3be: {  	v11 =	vadd.s32 v15, v11;
	v7 =	vmul.f32 $1.277445140e+02, v7;
	v2 =	vcvt.f32.s32 v12;
	v12 =	vld [tilespmem:s23+$0x260]  }
0x3bf: {  	v10 =	vcvt.f32.s32 v10;
	v13 =	vcvt.f32.s32 v13;
	v19 =	vadd.f32 $1.000000050e-03, v19;
	v15 =	vld [tilespmem:s23+$0x360]  }
0x3c0: {  	v18 =	vadd.f32 $1.000000050e-03, v18;
	v5 =	vtrunc.f32 v7;
	v7 =	vadd.f32 $-1.000000050e-03, v17;
	v17 =	vld [tilespmem:s21+$0x110]  }
0x3c1: {  	v8 =	vtrunc.f32 v8;
	v19 =	vmul.f32 $1.277445140e+02, v19;
	v6 =	vld.idx.msk [tilespmem:v6+s5+$0x0], $0xffff  }
0x3c2: {  	v18 =	vmul.f32 $1.277445140e+02, v18;
	v7 =	vmul.f32 $1.280000000e+02, v7  }
0x3c3: {  	[tilespmem:s19+$0xFFFFFE30] =	vst v9;
	v9 =	vtrunc.f32 v19;
	v16 =	vadd.f32 $-1.000000050e-03, v16;
	v12 =	vadd.f32 $-1.000000050e-03, v12  }
0x3c4: {  	[tilespmem:s19+$0xFFFFFF30] =	vst v3;
	v3 =	vcvt.f32.s32 v9;
	v7 =	vtrunc.f32 v7;
	v15 =	vadd.f32 $1.000000050e-03, v15  }
0x3c5: {  	v16 =	vmul.f32 $1.280000000e+02, v16;
	v17 =	vadd.f32 $1.000000050e-03, v17;
	v12 =	vmul.f32 $1.280000000e+02, v12  }
0x3c6: {  	v11 =	vld.idx.msk [tilespmem:v11+s5+$0x0], $0xffff;
	v7 =	vcvt.f32.s32 v7;
	v15 =	vmul.f32 $1.277445140e+02, v15;
	[tilespmem:s20+$0x110] =	vst v6  }
0x3c7: {  	v6 =	vmul.f32 $1.277445140e+02, v17;
	v12 =	vtrunc.f32 v12;
	v17 =	vld [tilespmem:s21+$0x220]  }
0x3c8: {  	v15 =	vtrunc.f32 v15;
	v20 =	vld [tilespmem:s21+$0x320];
	v12 =	vcvt.f32.s32 v12  }
0x3c9: {  	v4 =	vshll.u32 v4, $0x7;
	v16 =	vtrunc.f32 v16;
	v15 =	vcvt.f32.s32 v15  }
0x3ca: {  	v19 =	vld [tilespmem:s23+$0xFFFFFC40];
	v7 =	vshll.u32 v7, $0x7;
	v16 =	vcvt.f32.s32 v16;
	v12 =	vshll.u32 v12, $0x7  }
0x3cb: {  	v3 =	vadd.s32 v3, v7;
	v6 =	vtrunc.f32 v6;
	v9 =	vadd.s32 v15, v12;
	v12 =	vld [tilespmem:s23+$0xFFFFFE40]  }
0x3cc: {  	[tilespmem:s19+$0x30] =	vst v11;
	v16 =	vshll.u32 v16, $0x7;
	v6 =	vcvt.f32.s32 v6;
	v15 =	vtrunc.f32 v18;
	v18 =	vld [tilespmem:s23+$0xFFFFFD40]  }
0x3cd: {  	v17 =	vadd.f32 $-1.000000050e-03, v17;
	v11 =	vcvt.f32.s32 v15;
	v7 =	vadd.f32 $1.000000050e-03, v20;
	v15 =	vld [tilespmem:s23+$0x40]  }
0x3ce: {  	v8 =	vcvt.f32.s32 v8;
	v5 =	vcvt.f32.s32 v5;
	v6 =	vadd.s32 v6, v16;
	v20 =	vld [tilespmem:s23+$0xFFFFFF40]  }
0x3cf: {  	v13 =	vshll.u32 v13, $0x7;
	v17 =	vmul.f32 $1.280000000e+02, v17;
	v7 =	vmul.f32 $1.277445140e+02, v7  }
0x3d0: {  	v4 =	vadd.s32 v5, v4;
	v3 =	vld.idx.msk [tilespmem:v3+s5+$0x0], $0xffff;
	v11 =	vadd.s32 v11, v13;
	v13 =	vadd.f32 $-1.000000050e-03, v19  }
0x3d1: {  	v9 =	vld.idx.msk [tilespmem:v9+s5+$0x0], $0xffff;
	v16 =	vtrunc.f32 v17;
	v12 =	vadd.f32 $-1.000000050e-03, v12;
	v7 =	vtrunc.f32 v7  }
0x3d2: {  	v17 =	vld [tilespmem:s23+$0x140];
	v18 =	vadd.f32 $1.000000050e-03, v18;
	v13 =	vmul.f32 $1.280000000e+02, v13;
	v16 =	vcvt.f32.s32 v16  }
0x3d3: {  	v6 =	vld.idx.msk [tilespmem:v6+s5+$0x0], $0xffff;
	v7 =	vcvt.f32.s32 v7;
	v15 =	vadd.f32 $-1.000000050e-03, v15;
	v19 =	vadd.f32 $1.000000050e-03, v20  }
0x3d4: {  	v12 =	vmul.f32 $1.280000000e+02, v12;
	v13 =	vtrunc.f32 v13;
	v16 =	vshll.u32 v16, $0x7  }
0x3d5: {  	[tilespmem:s20+$0xFFFFFE10] =	vst v3;
	v11 =	vld.idx.msk [tilespmem:v11+s5+$0x0], $0xffff;
	v13 =	vcvt.f32.s32 v13;
	v7 =	vadd.s32 v7, v16;
	v16 =	vmul.f32 $1.277445140e+02, v18  }
0x3d6: {  	v5 =	vtrunc.f32 v12;
	v12 =	vld [tilespmem:s21+$0xFFFFFC20];
	[tilespmem:s19+$0x160] =	vst v9;
	v9 =	vshll.u32 v14, $0x7;
	v14 =	vmul.f32 $1.280000000e+02, v15  }
0x3d7: {  	v15 =	vmul.f32 $1.277445140e+02, v19;
	v18 =	vld [tilespmem:s23+$0x270];
	v3 =	vtrunc.f32 v16  }
0x3d8: {  	v17 =	vadd.f32 $1.000000050e-03, v17;
	v5 =	vcvt.f32.s32 v5;
	[tilespmem:s20+$0x10] =	vst v6;
	v16 =	vld [tilespmem:s23+$0x370];
	v3 =	vcvt.f32.s32 v3  }
0x3d9: {  	v9 =	vadd.s32 v10, v9;
	v10 =	vshll.u32 v13, $0x7;
	v13 =	vtrunc.f32 v14;
	v14 =	vld [tilespmem:s21+$0x20]  }
0x3da: {  	v5 =	vshll.u32 v5, $0x7;
	[tilespmem:s20+$0xFFFFFF10] =	vst v11;
	v11 =	vmul.f32 $1.277445140e+02, v17;
	v17 =	vld [tilespmem:s21+$0xFFFFFD20];
	v3 =	vadd.s32 v3, v10  }
0x3db: {  	v7 =	vld.idx.msk [tilespmem:v7+s5+$0x0], $0xffff;
	v10 =	vcvt.f32.s32 v13;
	v13 =	vtrunc.f32 v15;
	v12 =	vadd.f32 $-1.000000050e-03, v12  }
0x3dc: {  	v6 =	vld [tilespmem:s21+$0xFFFFFE20];
	v11 =	vtrunc.f32 v11;
	v13 =	vcvt.f32.s32 v13;
	v15 =	vadd.f32 $-1.000000050e-03, v18  }
0x3dd: {  	v11 =	vcvt.f32.s32 v11;
	v16 =	vadd.f32 $1.000000050e-03, v16;
	v18 =	vld [tilespmem:s21+$0xFFFFFF20];
	v10 =	vshll.u32 v10, $0x7  }
0x3de: {  	v12 =	vmul.f32 $1.280000000e+02, v12;
	v13 =	vadd.s32 v13, v5;
	v14 =	vadd.f32 $-1.000000050e-03, v14  }
0x3df: {  	v5 =	vmul.f32 $1.280000000e+02, v15;
	v15 =	vld [tilespmem:s21+$0x120];
	v10 =	vadd.s32 v11, v10;
	v11 =	vmul.f32 $1.277445140e+02, v16  }
0x3e0: {  	v12 =	vtrunc.f32 v12;
	v3 =	vld.idx.msk [tilespmem:v3+s5+$0x0], $0xffff;
	v14 =	vmul.f32 $1.280000000e+02, v14  }
0x3e1: {  	v4 =	vld.idx.msk [tilespmem:v4+s5+$0x0], $0xffff;
	[tilespmem:s20+$0x120] =	vst v7;
	v6 =	vadd.f32 $-1.000000050e-03, v6;
	v5 =	vtrunc.f32 v5;
	v7 =	vtrunc.f32 v11  }
0x3e2: {  	v16 =	vld [tilespmem:s21+$0x230];
	v11 =	vadd.f32 $1.000000050e-03, v17;
	v5 =	vcvt.f32.s32 v5;
	v18 =	vadd.f32 $1.000000050e-03, v18  }
0x3e3: {  	v17 =	vld [tilespmem:s21+$0x330];
	v6 =	vmul.f32 $1.280000000e+02, v6;
	v7 =	vcvt.f32.s32 v7  }
0x3e4: {  	v13 =	vld.idx.msk [tilespmem:v13+s5+$0x0], $0xffff;
	v11 =	vmul.f32 $1.277445140e+02, v11;
	v18 =	vmul.f32 $1.277445140e+02, v18  }
0x3e5: {  	v15 =	vadd.f32 $1.000000050e-03, v15;
	v6 =	vtrunc.f32 v6;
	[tilespmem:s19+$0xFFFFFE40] =	vst v3;
	v3 =	vld.idx.msk [tilespmem:v9+s5+$0x0], $0xffff;
	v9 =	vcvt.f32.s32 v12  }
0x3e6: {  	v10 =	vld.idx.msk [tilespmem:v10+s5+$0x0], $0xffff;
	v12 =	vtrunc.f32 v14;
	v6 =	vcvt.f32.s32 v6  }
0x3e7: {  	v2 =	vshll.u32 v2, $0x7;
	v11 =	vtrunc.f32 v11;
	v15 =	vmul.f32 $1.277445140e+02, v15  }
0x3e8: {  	v16 =	vadd.f32 $-1.000000050e-03, v16;
	v14 =	vadd.f32 $1.000000050e-03, v17;
	v12 =	vcvt.f32.s32 v12  }
0x3e9: {  	v2 =	vadd.s32 v8, v2;
	[tilespmem:s18+$0xFFFFFE60] =	vst v4;
	v8 =	vld [tilespmem:s23+$0xFFFFFD50];
	v18 =	vtrunc.f32 v18;
	v11 =	vcvt.f32.s32 v11  }
0x3ea: {  	v17 =	vld [tilespmem:s23+$0xFFFFFC50];
	v16 =	vmul.f32 $1.280000000e+02, v16;
	v14 =	vmul.f32 $1.277445140e+02, v14;
	[tilespmem:s19+$0xFFFFFF40] =	vst v13  }
0x3eb: {  	v4 =	vtrunc.f32 v15;
	v15 =	vcvt.f32.s32 v18;
	[tilespmem:s19+$0x40] =	vst v10;
	v19 =	vld [tilespmem:s23+$0xFFFFFF50]  }
0x3ec: {  	v9 =	vshll.u32 v9, $0x7;
	v13 =	vtrunc.f32 v16;
	v16 =	vld [tilespmem:s23+$0xFFFFFE50];
	[tilespmem:s18+$0xFFFFFF60] =	vst v3;
	v3 =	vcvt.f32.s32 v4  }
0x3ed: {  	v6 =	vshll.u32 v6, $0x7;
	v20 =	vld [tilespmem:s23+$0x150];
	v10 =	vcvt.f32.s32 v13;
	v13 =	vtrunc.f32 v14  }
0x3ee: {  	v4 =	vadd.s32 v11, v9;
	v14 =	vld [tilespmem:s23+$0x50];
	v8 =	vadd.f32 $1.000000050e-03, v8;
	v13 =	vcvt.f32.s32 v13  }
0x3ef: {  	v12 =	vshll.u32 v12, $0x7;
	v6 =	vadd.s32 v15, v6;
	v10 =	vshll.u32 v10, $0x7  }
0x3f0: {  	v2 =	vld.idx.msk [tilespmem:v2+s5+$0x0], $0xffff;
	v8 =	vmul.f32 $1.277445140e+02, v8;
	v10 =	vadd.s32 v13, v10;
	v13 =	vadd.f32 $-1.000000050e-03, v17  }
0x3f1: {  	v9 =	vld [tilespmem:s22+$0xFFFFFC70];
	v3 =	vadd.s32 v3, v12;
	v11 =	vadd.f32 $-1.000000050e-03, v16;
	v16 =	vadd.f32 $1.000000050e-03, v19  }
0x3f2: {  	v15 =	vld [tilespmem:s22+$0xFFFFFE70];
	v18 =	vadd.f32 $1.000000050e-03, v20;
	v8 =	vtrunc.f32 v8;
	v13 =	vmul.f32 $1.280000000e+02, v13  }
0x3f3: {  	v4 =	vld.idx.msk [tilespmem:v4+s5+$0x0], $0xffff;
	v12 =	vadd.f32 $-1.000000050e-03, v14;
	v8 =	vcvt.f32.s32 v8;
	v11 =	vmul.f32 $1.280000000e+02, v11  }
0x3f4: {  	v17 =	vld [tilespmem:s22+$0xFFFFFF70];
	v19 =	vshll.u32 v1, $0x7;
	v1 =	vmul.f32 $1.277445140e+02, v16;
	v16 =	vmul.f32 $1.277445140e+02, v18  }
0x3f5: {  	[tilespmem:s18+$0x60] =	vst v2;
	v14 =	vld [tilespmem:s22+$0xFFFFFD70];
	v12 =	vmul.f32 $1.280000000e+02, v12;
	v13 =	vtrunc.f32 v13  }
0x3f6: {  	v18 =	vld [tilespmem:s22+$0x170];
	v11 =	vtrunc.f32 v11;
	v13 =	vcvt.f32.s32 v13  }
0x3f7: {  	v9 =	vadd.f32 $-1.000000050e-03, v9;
	v10 =	vld.idx.msk [tilespmem:v10+s5+$0x0], $0xffff;
	v1 =	vtrunc.f32 v1;
	v16 =	vtrunc.f32 v16  }
0x3f8: {  	v2 =	vtrunc.f32 v12;
	v12 =	vadd.f32 $-1.000000050e-03, v15;
	v11 =	vcvt.f32.s32 v11;
	v15 =	vld [tilespmem:s22+$0x70];
	[tilespmem:s20+$0xFFFFFE20] =	vst v4  }
0x3f9: {  	v1 =	vcvt.f32.s32 v1;
	v16 =	vcvt.f32.s32 v16;
	s22 =	simm.s32 $0x5C80;
	v48 =	vld [tilespmem:s21+$0xFFFFFD30]  }
0x3fa: {  	v4 =	vmul.f32 $1.280000000e+02, v9;
	v2 =	vcvt.f32.s32 v2;
	v13 =	vshll.u32 v13, $0x7;
	v23 =	vld [tilespmem:s22+$0x300]  }
0x3fb: {  	v14 =	vadd.f32 $1.000000050e-03, v14;
	v24 =	vld [tilespmem:s22+$0xFFFFFE00];
	v11 =	vshll.u32 v11, $0x7;
	v8 =	vadd.s32 v8, v13  }
0x3fc: {  	v25 =	vld [tilespmem:s22+$0x0];
	v12 =	vmul.f32 $1.280000000e+02, v12;
	v4 =	vtrunc.f32 v4;
	v20 =	vshll.u32 v2, $0x7  }
0x3fd: {  	v26 =	vld [tilespmem:s22+$0xFFFFFF00];
	v13 =	vmul.f32 $1.277445140e+02, v14;
	v11 =	vadd.s32 v1, v11;
	[tilespmem:s20+$0x130] =	vst v10;
	v10 =	vadd.f32 $1.000000050e-03, v17  }
0x3fe: {  	v6 =	vld.idx.msk [tilespmem:v6+s5+$0x0], $0xffff;
	v12 =	vtrunc.f32 v12;
	v17 =	vadd.f32 $1.000000050e-03, v18;
	v16 =	vadd.s32 v16, v20  }
0x3ff: {  	v3 =	vld.idx.msk [tilespmem:v3+s5+$0x0], $0xffff;
	v15 =	vadd.f32 $-1.000000050e-03, v15;
	v14 =	vmul.f32 $1.277445140e+02, v10;
	v10 =	vcvt.f32.s32 v4  }
0x400: {  	v2 =	vld [tilespmem:s21+$0x240];
	v4 =	vcvt.f32.s32 v12;
	v21 =	vadd.f32 $1.000000050e-03, v48;
	v23 =	vadd.f32 $1.000000050e-03, v23  }
0x401: {  	v20 =	vld [tilespmem:s22+$0xFFFFFD00];
	v1 =	vmul.f32 $1.277445140e+02, v17;
	v24 =	vadd.f32 $-1.000000050e-03, v24;
	v25 =	vadd.f32 $-1.000000050e-03, v25  }
0x402: {  	v9 =	vld [tilespmem:s21+$0x340];
	v26 =	vadd.f32 $1.000000050e-03, v26;
	v15 =	vmul.f32 $1.280000000e+02, v15;
	v21 =	vmul.f32 $1.277445140e+02, v21  }
0x403: {  	[tilespmem:s20+$0xFFFFFF20] =	vst v6;
	v6 =	vld [tilespmem:s21+$0xFFFFFC30];
	v23 =	vmul.f32 $1.277445140e+02, v23;
	v24 =	vmul.f32 $1.280000000e+02, v24  }
0x404: {  	[tilespmem:s20+$0x20] =	vst v3;
	v3 =	vld [tilespmem:s21+$0xFFFFFE30];
	v25 =	vmul.f32 $1.280000000e+02, v25;
	v26 =	vmul.f32 $1.277445140e+02, v26  }
0x405: {  	v12 =	vld [tilespmem:s21+$0xFFFFFF30];
	v1 =	vtrunc.f32 v1;
	v22 =	vadd.f32 $-1.000000050e-03, v2;
	v2 =	vtrunc.f32 v13  }
0x406: {  	v18 =	vld [tilespmem:s21+$0x30];
	v20 =	vadd.f32 $1.000000050e-03, v20;
	v13 =	vtrunc.f32 v15;
	v21 =	vtrunc.f32 v21  }
0x407: {  	v49 =	vld [tilespmem:s22+$0x200];
	v9 =	vadd.f32 $1.000000050e-03, v9;
	v23 =	vtrunc.f32 v23;
	v24 =	vtrunc.f32 v24  }
0x408: {  	v17 =	vld [tilespmem:s21+$0x130];
	v15 =	vadd.f32 $-1.000000050e-03, v6;
	v25 =	vtrunc.f32 v25;
	v52 =	vtrunc.f32 v26  }
0x409: {  	v6 =	vcvt.f32.s32 v13;
	v13 =	vadd.f32 $-1.000000050e-03, v3;
	v22 =	vmul.f32 $1.280000000e+02, v22  }
0x40a: {  	v3 =	vtrunc.f32 v14;
	v12 =	vadd.f32 $1.000000050e-03, v12;
	v9 =	vmul.f32 $1.277445140e+02, v9  }
0x40b: {  	v14 =	vmul.f32 $1.280000000e+02, v15;
	v15 =	vadd.f32 $-1.000000050e-03, v18;
	v18 =	vtrunc.f32 v22  }
0x40c: {  	v9 =	vtrunc.f32 v9;
	v22 =	vadd.f32 $-1.000000050e-03, v49;
	v18 =	vcvt.f32.s32 v18  }
0x40d: {  	v8 =	vld.idx.msk [tilespmem:v8+s5+$0x0], $0xffff;
	v17 =	vadd.f32 $1.000000050e-03, v17;
	v23 =	vcvt.f32.s32 v23;
	v9 =	vcvt.f32.s32 v9  }
0x40e: {  	v16 =	vld.idx.msk [tilespmem:v16+s5+$0x0], $0xffff;
	v20 =	vmul.f32 $1.277445140e+02, v20;
	v22 =	vmul.f32 $1.280000000e+02, v22;
	v18 =	vshll.u32 v18, $0x7  }
0x40f: {  	v2 =	vcvt.f32.s32 v2;
	v13 =	vmul.f32 $1.280000000e+02, v13;
	v9 =	vadd.s32 v9, v18;
	v18 =	vld [tilespmem:s22+$0xFFFFFC00]  }
0x410: {  	v12 =	vmul.f32 $1.277445140e+02, v12;
	v22 =	vtrunc.f32 v22  }
0x411: {  	v17 =	vmul.f32 $1.277445140e+02, v17;
	v22 =	vcvt.f32.s32 v22  }
0x412: {  	v27 =	vld [tilespmem:s22+$0x100];
	[tilespmem:s19+$0xFFFFFE50] =	vst v8;
	v15 =	vmul.f32 $1.280000000e+02, v15;
	v14 =	vtrunc.f32 v14  }
0x413: {  	v11 =	vld.idx.msk [tilespmem:v11+s5+$0x0], $0xffff;
	[tilespmem:s19+$0x50] =	vst v16;
	v16 =	vcvt.f32.s32 v52;
	v13 =	vtrunc.f32 v13;
	v8 =	vshll.u32 v22, $0x7  }
0x414: {  	v14 =	vcvt.f32.s32 v14;
	v23 =	vadd.s32 v23, v8;
	v9 =	vld.idx.msk [tilespmem:v9+s5+$0x0], $0xffff;
	v18 =	vadd.f32 $-1.000000050e-03, v18  }
0x415: {  	v50 =	vld [tilespmem:s23+$0xFFFFFC60];
	v12 =	vtrunc.f32 v12;
	v17 =	vtrunc.f32 v17  }
0x416: {  	v5 =	vshll.u32 v5, $0x7;
	v15 =	vtrunc.f32 v15;
	v18 =	vmul.f32 $1.280000000e+02, v18  }
0x417: {  	v27 =	vadd.f32 $1.000000050e-03, v27;
	v13 =	vcvt.f32.s32 v13;
	v12 =	vcvt.f32.s32 v12  }
0x418: {  	v56 =	vld [tilespmem:s23+$0x60];
	v15 =	vcvt.f32.s32 v15;
	v8 =	vadd.s32 v0, v19;
	v0 =	vtrunc.f32 v18  }
0x419: {  	v18 =	vmul.f32 $1.277445140e+02, v27;
	v23 =	vld.idx.msk [tilespmem:v23+s5+$0x0], $0xffff;
	[tilespmem:s20+$0x140] =	vst v9;
	v9 =	vadd.s32 v7, v5;
	v5 =	vcvt.f32.s32 v24  }
0x41a: {  	[tilespmem:s19+$0xFFFFFF50] =	vst v11;
	v11 =	vadd.f32 $-1.000000050e-03, v50;
	v7 =	vshll.u32 v14, $0x7;
	v14 =	vtrunc.f32 v20;
	v19 =	vld [tilespmem:s21+$0x250]  }
0x41b: {  	v20 =	vcvt.f32.s32 v25;
	v51 =	vld [tilespmem:s21+$0x350];
	v18 =	vtrunc.f32 v18;
	v5 =	vshll.u32 v5, $0x7  }
0x41c: {  	v53 =	vld [tilespmem:s23+$0xFFFFFE60];
	v11 =	vmul.f32 $1.280000000e+02, v11;
	v18 =	vcvt.f32.s32 v18;
	v5 =	vadd.s32 v16, v5  }
0x41d: {  	s24 =	simm.s32 $0x11680;
	v54 =	vld [tilespmem:s23+$0xFFFFFD60];
	v60 =	vadd.f32 $-1.000000050e-03, v56;
	v0 =	vcvt.f32.s32 v0;
	v20 =	vshll.u32 v20, $0x7  }
0x41e: {  	v57 =	vld [tilespmem:s23+$0xFFFFFF60];
	v11 =	vtrunc.f32 v11;
	v14 =	vcvt.f32.s32 v14;
	[tilespmem:s24+$0x100] =	vst v23;
	v18 =	vadd.s32 v18, v20  }
0x41f: {  	v24 =	vmul.f32 $1.280000000e+02, v60;
	v0 =	vshll.u32 v0, $0x7;
	v20 =	vld [tilespmem:s22+$0x210];
	v19 =	vadd.f32 $-1.000000050e-03, v19  }
0x420: {  	v11 =	vcvt.f32.s32 v11;
	v0 =	vadd.s32 v14, v0;
	v23 =	vld [tilespmem:s22+$0x310];
	v55 =	vadd.f32 $1.000000050e-03, v51  }
0x421: {  	v59 =	vadd.f32 $-1.000000050e-03, v53;
	v27 =	vtrunc.f32 v24;
	v19 =	vmul.f32 $1.280000000e+02, v19;
	v5 =	vld.idx.msk [tilespmem:v5+s5+$0x0], $0xffff  }
0x422: {  	v58 =	vld [tilespmem:s23+$0x160];
	v13 =	vshll.u32 v13, $0x7;
	v16 =	vcvt.f32.s32 v21;
	v14 =	vmul.f32 $1.277445140e+02, v55  }
0x423: {  	v15 =	vshll.u32 v15, $0x7;
	v21 =	vmul.f32 $1.280000000e+02, v59;
	v18 =	vld.idx.msk [tilespmem:v18+s5+$0x0], $0xffff;
	v19 =	vtrunc.f32 v19  }
0x424: {  	v12 =	vadd.s32 v12, v13;
	v14 =	vtrunc.f32 v14;
	v19 =	vcvt.f32.s32 v19  }
0x425: {  	v7 =	vadd.s32 v16, v7;
	v61 =	vld.idx.msk [tilespmem:v0+s5+$0x0], $0xffff;
	v20 =	vadd.f32 $-1.000000050e-03, v20;
	v14 =	vcvt.f32.s32 v14  }
0x426: {  	v23 =	vadd.f32 $1.000000050e-03, v23;
	v16 =	vshll.u32 v19, $0x7;
	v19 =	vadd.f32 $1.000000050e-03, v54;
	[tilespmem:s24+$0xFFFFFF00] =	vst v5  }
0x427: {  	v14 =	vadd.s32 v14, v16;
	v16 =	vcvt.f32.s32 v17;
	v17 =	vadd.f32 $1.000000050e-03, v57;
	v13 =	vld [tilespmem:s22+$0xFFFFFE10]  }
0x428: {  	v22 =	vadd.f32 $1.000000050e-03, v58;
	v62 =	vmul.f32 $1.277445140e+02, v23;
	[tilespmem:s24+$0x0] =	vst v18;
	v29 =	vld [tilespmem:s22+$0xFFFFFF10];
	v19 =	vmul.f32 $1.277445140e+02, v19  }
0x429: {  	v0 =	vshll.u32 v10, $0x7;
	v18 =	vld [tilespmem:s22+$0x10];
	v10 =	vmul.f32 $1.277445140e+02, v17;
	v17 =	vmul.f32 $1.280000000e+02, v20  }
0x42a: {  	[tilespmem:s24+$0xFFFFFE00] =	vst v61;
	v20 =	vmul.f32 $1.277445140e+02, v22;
	v15 =	vadd.s32 v16, v15;
	v16 =	vtrunc.f32 v21  }
0x42b: {  	v63 =	vld [tilespmem:s22+$0xFFFFFC10];
	v5 =	vtrunc.f32 v17;
	v17 =	vtrunc.f32 v62  }
0x42c: {  	v10 =	vtrunc.f32 v10;
	v14 =	vld.idx.msk [tilespmem:v14+s5+$0x0], $0xffff;
	v5 =	vcvt.f32.s32 v5;
	v13 =	vadd.f32 $-1.000000050e-03, v13  }
0x42d: {  	v12 =	vld.idx.msk [tilespmem:v12+s5+$0x0], $0xffff;
	v17 =	vcvt.f32.s32 v17;
	v31 =	vcvt.f32.s32 v10;
	v33 =	vadd.f32 $1.000000050e-03, v29  }
0x42e: {  	v28 =	vld [tilespmem:s22+$0xFFFFFD10];
	v18 =	vadd.f32 $-1.000000050e-03, v18;
	v5 =	vshll.u32 v5, $0x7;
	v13 =	vmul.f32 $1.280000000e+02, v13  }
0x42f: {  	v30 =	vld [tilespmem:s22+$0x110];
	v22 =	vmul.f32 $1.277445140e+02, v33;
	v5 =	vadd.s32 v17, v5;
	v17 =	vtrunc.f32 v19  }
0x430: {  	v15 =	vld.idx.msk [tilespmem:v15+s5+$0x0], $0xffff;
	v19 =	vadd.f32 $-1.000000050e-03, v63;
	v18 =	vmul.f32 $1.280000000e+02, v18;
	v13 =	vtrunc.f32 v13  }
0x431: {  	v7 =	vld.idx.msk [tilespmem:v7+s5+$0x0], $0xffff;
	v22 =	vtrunc.f32 v22;
	[tilespmem:s20+$0x150] =	vst v14;
	v14 =	vcvt.f32.s32 v17  }
0x432: {  	v17 =	vtrunc.f32 v20;
	v19 =	vmul.f32 $1.280000000e+02, v19;
	v20 =	vld [tilespmem:s21+$0x260]  }
0x433: {  	v18 =	vtrunc.f32 v18;
	v32 =	vld [tilespmem:s21+$0x360];
	v10 =	vcvt.f32.s32 v17;
	v17 =	vadd.f32 $1.000000050e-03, v28  }
0x434: {  	v13 =	vcvt.f32.s32 v13;
	v22 =	vcvt.f32.s32 v22;
	v34 =	vld.idx.msk [tilespmem:v5+s5+$0x0], $0xffff;
	v5 =	vadd.f32 $1.000000050e-03, v30  }
0x435: {  	v19 =	vtrunc.f32 v19;
	[tilespmem:s20+$0x30] =	vst v15;
	v17 =	vmul.f32 $1.277445140e+02, v17  }
0x436: {  	[tilespmem:s20+$0xFFFFFE30] =	vst v7;
	v13 =	vshll.u32 v13, $0x7;
	v19 =	vcvt.f32.s32 v19;
	v39 =	vld [tilespmem:s21+$0x40];
	v23 =	vmul.f32 $1.277445140e+02, v5  }
0x437: {  	v5 =	vshll.u32 v4, $0x7;
	v4 =	vld [tilespmem:s21+$0xFFFFFD40];
	v17 =	vtrunc.f32 v17;
	v7 =	vadd.f32 $-1.000000050e-03, v20  }
0x438: {  	[tilespmem:s20+$0xFFFFFF30] =	vst v12;
	v19 =	vshll.u32 v19, $0x7;
	v20 =	vld [tilespmem:s21+$0xFFFFFC40];
	v26 =	vadd.f32 $1.000000050e-03, v32;
	v17 =	vcvt.f32.s32 v17  }
0x439: {  	v35 =	vmul.f32 $1.280000000e+02, v7;
	v7 =	vshll.u32 v6, $0x7;
	v6 =	vcvt.f32.s32 v18;
	v18 =	vld [tilespmem:s21+$0xFFFFFE40]  }
0x43a: {  	v15 =	vtrunc.f32 v23;
	v12 =	vmul.f32 $1.277445140e+02, v26;
	[tilespmem:s24+$0x110] =	vst v34;
	v17 =	vadd.s32 v17, v19;
	v19 =	vld [tilespmem:s21+$0xFFFFFF40]  }
0x43b: {  	v16 =	vcvt.f32.s32 v16;
	v13 =	vadd.s32 v22, v13;
	v15 =	vcvt.f32.s32 v15;
	v37 =	vld [tilespmem:s22+$0x220]  }
0x43c: {  	v23 =	vadd.f32 $-1.000000050e-03, v39;
	v38 =	vld [tilespmem:s22+$0x320];
	v36 =	vtrunc.f32 v35;
	v12 =	vtrunc.f32 v12  }
0x43d: {  	v4 =	vadd.f32 $1.000000050e-03, v4;
	v6 =	vshll.u32 v6, $0x7;
	v24 =	vcvt.f32.s32 v36  }
0x43e: {  	v45 =	vmul.f32 $1.280000000e+02, v23;
	v12 =	vcvt.f32.s32 v12;
	v15 =	vadd.s32 v15, v6  }
0x43f: {  	v20 =	vadd.f32 $-1.000000050e-03, v20;
	v43 =	vmul.f32 $1.277445140e+02, v4;
	v24 =	vshll.u32 v24, $0x7  }
0x440: {  	v18 =	vadd.f32 $-1.000000050e-03, v18;
	v19 =	vadd.f32 $1.000000050e-03, v19;
	v12 =	vadd.s32 v12, v24  }
0x441: {  	v13 =	vld.idx.msk [tilespmem:v13+s5+$0x0], $0xffff;
	v20 =	vmul.f32 $1.280000000e+02, v20;
	v40 =	vadd.f32 $-1.000000050e-03, v37;
	v41 =	vadd.f32 $1.000000050e-03, v38  }
0x442: {  	v17 =	vld.idx.msk [tilespmem:v17+s5+$0x0], $0xffff;
	v18 =	vmul.f32 $1.280000000e+02, v18;
	v19 =	vmul.f32 $1.277445140e+02, v19  }
0x443: {  	v24 =	vmul.f32 $1.280000000e+02, v40;
	v26 =	vmul.f32 $1.277445140e+02, v41;
	v15 =	vld.idx.msk [tilespmem:v15+s5+$0x0], $0xffff  }
0x444: {  	v42 =	vld [tilespmem:s21+$0x140];
	v18 =	vtrunc.f32 v18;
	v19 =	vtrunc.f32 v19  }
0x445: {  	v6 =	vtrunc.f32 v24;
	v18 =	vcvt.f32.s32 v18;
	v12 =	vld.idx.msk [tilespmem:v12+s5+$0x0], $0xffff  }
0x446: {  	v4 =	vld.idx.msk [tilespmem:v8+s5+$0x0], $0xffff;
	v8 =	vshll.u32 v16, $0x7;
	[tilespmem:s24+$0xFFFFFF10] =	vst v13;
	v16 =	vcvt.f32.s32 v6;
	v6 =	vtrunc.f32 v26  }
0x447: {  	[tilespmem:s24+$0xFFFFFE10] =	vst v17;
	v17 =	vtrunc.f32 v43;
	v44 =	vcvt.f32.s32 v6  }
0x448: {  	v11 =	vshll.u32 v11, $0x7;
	v6 =	vld.idx.msk [tilespmem:v9+s5+$0x0], $0xffff;
	v9 =	vtrunc.f32 v20;
	[tilespmem:s24+$0x10] =	vst v15;
	v15 =	vcvt.f32.s32 v19  }
0x449: {  	v49 =	vld [tilespmem:s22+$0xFFFFFF20];
	v20 =	vadd.f32 $1.000000050e-03, v42;
	v13 =	vshll.u32 v18, $0x7;
	v16 =	vshll.u32 v16, $0x7  }
0x44a: {  	v9 =	vcvt.f32.s32 v9;
	v16 =	vadd.s32 v44, v16;
	v13 =	vadd.s32 v15, v13;
	v15 =	vld [tilespmem:s22+$0xFFFFFD20];
	[tilespmem:s20+$0x160] =	vst v12  }
0x44b: {  	v11 =	vadd.s32 v14, v11;
	v17 =	vcvt.f32.s32 v17;
	v20 =	vmul.f32 $1.277445140e+02, v20;
	v14 =	vld [tilespmem:s21+$0x270]  }
0x44c: {  	v21 =	vcvt.f32.s32 v27;
	v9 =	vshll.u32 v9, $0x7;
	v12 =	vtrunc.f32 v45;
	v46 =	vld [tilespmem:s21+$0x370]  }
0x44d: {  	v18 =	vtrunc.f32 v20;
	v9 =	vadd.s32 v17, v9;
	v17 =	vld [tilespmem:s22+$0xFFFFFE20];
	v12 =	vcvt.f32.s32 v12  }
0x44e: {  	v3 =	vcvt.f32.s32 v3;
	v47 =	vld [tilespmem:s22+$0xFFFFFC20];
	v18 =	vcvt.f32.s32 v18  }
0x44f: {  	v2 =	vadd.s32 v2, v0;
	v21 =	vshll.u32 v21, $0x7;
	v16 =	vld.idx.msk [tilespmem:v16+s5+$0x0], $0xffff;
	v12 =	vshll.u32 v12, $0x7  }
0x450: {  	v23 =	vadd.f32 $1.000000050e-03, v49;
	v19 =	vld [tilespmem:s22+$0x20];
	v12 =	vadd.s32 v18, v12;
	v14 =	vadd.f32 $-1.000000050e-03, v14  }
0x451: {  	v18 =	vcvt.f32.s32 v1;
	v1 =	vld [tilespmem:s22+$0x120];
	v15 =	vadd.f32 $1.000000050e-03, v15;
	v20 =	vadd.f32 $1.000000050e-03, v46  }
0x452: {  	v51 =	vmul.f32 $1.277445140e+02, v23;
	v13 =	vld.idx.msk [tilespmem:v13+s5+$0x0], $0xffff;
	v17 =	vadd.f32 $-1.000000050e-03, v17;
	v14 =	vmul.f32 $1.280000000e+02, v14  }
0x453: {  	v8 =	vadd.s32 v31, v8;
	v9 =	vld.idx.msk [tilespmem:v9+s5+$0x0], $0xffff;
	v15 =	vmul.f32 $1.277445140e+02, v15;
	v20 =	vmul.f32 $1.277445140e+02, v20  }
0x454: {  	v48 =	vadd.f32 $-1.000000050e-03, v47;
	v17 =	vmul.f32 $1.280000000e+02, v17;
	[tilespmem:s24+$0x120] =	vst v16;
	v14 =	vtrunc.f32 v14  }
0x455: {  	v16 =	vadd.f32 $-1.000000050e-03, v19;
	v19 =	vld [tilespmem:s22+$0x230];
	v20 =	vtrunc.f32 v20;
	v14 =	vcvt.f32.s32 v14  }
0x456: {  	v22 =	vmul.f32 $1.280000000e+02, v48;
	v50 =	vld [tilespmem:s22+$0x330];
	v1 =	vadd.f32 $1.000000050e-03, v1;
	v20 =	vcvt.f32.s32 v20  }
0x457: {  	v11 =	vld.idx.msk [tilespmem:v11+s5+$0x0], $0xffff;
	v17 =	vtrunc.f32 v17;
	[tilespmem:s20+$0xFFFFFF40] =	vst v13;
	v13 =	vtrunc.f32 v15;
	v14 =	vshll.u32 v14, $0x7  }
0x458: {  	v12 =	vld.idx.msk [tilespmem:v12+s5+$0x0], $0xffff;
	v16 =	vmul.f32 $1.280000000e+02, v16;
	[tilespmem:s20+$0xFFFFFE40] =	vst v9;
	v0 =	vcvt.f32.s32 v17;
	v14 =	vadd.s32 v20, v14  }
0x459: {  	v10 =	vadd.s32 v10, v21;
	v13 =	vcvt.f32.s32 v13;
	v1 =	vmul.f32 $1.277445140e+02, v1;
	v52 =	vld [tilespmem:s21+$0xFFFFFC50]  }
0x45a: {  	v8 =	vld.idx.msk [tilespmem:v8+s5+$0x0], $0xffff;
	v16 =	vtrunc.f32 v16;
	v20 =	vtrunc.f32 v22;
	v19 =	vadd.f32 $-1.000000050e-03, v19  }
0x45b: {  	v15 =	vld [tilespmem:s21+$0xFFFFFE50];
	v16 =	vcvt.f32.s32 v16;
	v9 =	vcvt.f32.s32 v20;
	v20 =	vadd.f32 $1.000000050e-03, v50  }
0x45c: {  	v1 =	vtrunc.f32 v1;
	v17 =	vmul.f32 $1.280000000e+02, v19;
	v19 =	vld [tilespmem:s21+$0xFFFFFD50]  }
0x45d: {  	v0 =	vshll.u32 v0, $0x7;
	[tilespmem:s20+$0x40] =	vst v12;
	v1 =	vcvt.f32.s32 v1;
	v20 =	vmul.f32 $1.277445140e+02, v20;
	v53 =	vld.idx.msk [tilespmem:v14+s5+$0x0], $0xffff  }
0x45e: {  	v12 =	vshll.u32 v16, $0x7;
	v54 =	vadd.f32 $-1.000000050e-03, v52;
	v14 =	vtrunc.f32 v17;
	v17 =	vld [tilespmem:s21+$0x50]  }
0x45f: {  	v10 =	vld.idx.msk [tilespmem:v10+s5+$0x0], $0xffff;
	v9 =	vshll.u32 v9, $0x7;
	v16 =	vtrunc.f32 v20;
	v14 =	vcvt.f32.s32 v14  }
0x460: {  	[tilespmem:s19+$0xFFFFFF60] =	vst v8;
	v56 =	vld [tilespmem:s21+$0x150];
	v8 =	vadd.s32 v13, v9;
	v20 =	vtrunc.f32 v51;
	v16 =	vcvt.f32.s32 v16  }
0x461: {  	[tilespmem:s19+$0xFFFFFE60] =	vst v11;
	v59 =	vld [tilespmem:s23+$0xFFFFFF70];
	v11 =	vcvt.f32.s32 v20;
	v9 =	vadd.f32 $1.000000050e-03, v19;
	v14 =	vshll.u32 v14, $0x7  }
0x462: {  	v55 =	vld [tilespmem:s21+$0xFFFFFF50];
	v12 =	vadd.s32 v1, v12;
	v13 =	vadd.f32 $-1.000000050e-03, v15;
	v14 =	vadd.s32 v16, v14  }
0x463: {  	v15 =	vld [tilespmem:s23+$0xFFFFFC70];
	v11 =	vadd.s32 v11, v0;
	v9 =	vmul.f32 $1.277445140e+02, v9;
	v0 =	vadd.f32 $-1.000000050e-03, v17  }
0x464: {  	v1 =	vadd.s32 v3, v5;
	v13 =	vmul.f32 $1.280000000e+02, v13;
	v20 =	vld [tilespmem:s23+$0xFFFFFD70];
	v17 =	vmul.f32 $1.280000000e+02, v54  }
0x465: {  	v58 =	vadd.f32 $1.000000050e-03, v56;
	v16 =	vld [tilespmem:s23+$0xFFFFFE70];
	v9 =	vtrunc.f32 v9;
	v57 =	vmul.f32 $1.280000000e+02, v0  }
0x466: {  	v5 =	vtrunc.f32 v17;
	v0 =	vadd.s32 v18, v7;
	v7 =	vld.idx.msk [tilespmem:v8+s5+$0x0], $0xffff;
	v8 =	vtrunc.f32 v13  }
0x467: {  	v19 =	vadd.f32 $1.000000050e-03, v55;
	v13 =	vmul.f32 $1.277445140e+02, v58;
	v9 =	vcvt.f32.s32 v9;
	v3 =	vld.idx.msk [tilespmem:v14+s5+$0x0], $0xffff  }
0x468: {  	[tilespmem:s19+$0x60] =	vst v10;
	v12 =	vld.idx.msk [tilespmem:v12+s5+$0x0], $0xffff;
	v5 =	vcvt.f32.s32 v5;
	v8 =	vcvt.f32.s32 v8  }
0x469: {  	v15 =	vadd.f32 $-1.000000050e-03, v15;
	v18 =	vld [tilespmem:s23+$0x70];
	v14 =	vmul.f32 $1.277445140e+02, v19;
	v17 =	vtrunc.f32 v57  }
0x46a: {  	v11 =	vld.idx.msk [tilespmem:v11+s5+$0x0], $0xffff;
	v10 =	vadd.f32 $-1.000000050e-03, v16;
	v13 =	vtrunc.f32 v13;
	v16 =	vcvt.f32.s32 v17  }
0x46b: {  	v19 =	vld [tilespmem:s23+$0x170];
	v17 =	vadd.f32 $1.000000050e-03, v20;
	v5 =	vshll.u32 v5, $0x7;
	v13 =	vcvt.f32.s32 v13  }
0x46c: {  	v20 =	vld.idx.msk [tilespmem:v2+s5+$0x0], $0xffff;
	v14 =	vtrunc.f32 v14;
	v9 =	vadd.s32 v9, v5;
	v5 =	vadd.f32 $1.000000050e-03, v59;
	[tilespmem:s24+$0x130] =	vst v3  }
0x46d: {  	v8 =	vshll.u32 v8, $0x7;
	[tilespmem:s24+$0xFFFFFE20] =	vst v7;
	v7 =	vmul.f32 $1.280000000e+02, v15;
	v3 =	vcvt.f32.s32 v14;
	v14 =	vld [tilespmem:s22+$0x240]  }
0x46e: {  	v2 =	vshll.u32 v16, $0x7;
	v16 =	vmul.f32 $1.277445140e+02, v5;
	v5 =	vadd.f32 $-1.000000050e-03, v18;
	v15 =	vld [tilespmem:s22+$0x340]  }
0x46f: {  	[tilespmem:s24+$0xFFFFFF20] =	vst v11;
	v7 =	vtrunc.f32 v7;
	v60 =	vadd.s32 v3, v8;
	v3 =	vmul.f32 $1.280000000e+02, v10;
	v10 =	vld [tilespmem:s22+$0xFFFFFC30]  }
0x470: {  	[tilespmem:s24+$0x20] =	vst v12;
	v11 =	vmul.f32 $1.277445140e+02, v17;
	v17 =	vld [tilespmem:s22+$0xFFFFFE30];
	v18 =	vadd.f32 $1.000000050e-03, v19;
	v7 =	vcvt.f32.s32 v7  }
0x471: {  	v19 =	vld [tilespmem:s22+$0x30];
	v61 =	vmul.f32 $1.280000000e+02, v5;
	v8 =	vadd.s32 v13, v2;
	v3 =	vtrunc.f32 v3  }
0x472: {  	v12 =	vld [tilespmem:s22+$0xFFFFFD30];
	v2 =	vmul.f32 $1.277445140e+02, v18;
	v5 =	vcvt.f32.s32 v3;
	v62 =	vadd.f32 $-1.000000050e-03, v14  }
0x473: {  	[tilespmem:s18+$0x170] =	vst v4;
	v13 =	vld [tilespmem:s22+$0xFFFFFF30];
	v3 =	vtrunc.f32 v11;
	v11 =	vtrunc.f32 v61;
	v4 =	vadd.f32 $1.000000050e-03, v15  }
0x474: {  	[tilespmem:s19+$0x170] =	vst v6;
	v14 =	vld [tilespmem:s22+$0x130];
	v6 =	vcvt.f32.s32 v11;
	v15 =	vadd.f32 $-1.000000050e-03, v10;
	v63 =	vmul.f32 $1.280000000e+02, v62  }
0x475: {  	s25 =	simm.s32 $0xC;
	[tilespmem:s20+$0x170] =	vst v53;
	v17 =	vadd.f32 $-1.000000050e-03, v17;
	v10 =	vld.idx.msk [tilespmem:v9+s5+$0x0], $0xffff;
	v11 =	vmul.f32 $1.277445140e+02, v4;
	v4 =	vtrunc.f32 v16  }
0x476: {  	s26 =	simm.s32 $0x6480;
	s23 =	simm.s32 $0x11680;
	[tilespmem:s18+$0xFFFFFE70] =	vst v20;
	v18 =	vadd.f32 $-1.000000050e-03, v19;
	v9 =	vld.idx.msk [tilespmem:v60+s5+$0x0], $0xffff;
	v16 =	vmul.f32 $1.280000000e+02, v15;
	v15 =	vtrunc.f32 v63  }
.LBB2_17:
0x477: {  	v19 =	vld [tilespmem:s26+$0x200];
	s25 =	sadd.s32 $0x4, s25;
	v12 =	vadd.f32 $1.000000050e-03, v12;
	v15 =	vcvt.f32.s32 v15;
	v11 =	vtrunc.f32 v11  }
0x478: {  	v17 =	vmul.f32 $1.280000000e+02, v17;
	v20 =	vld [tilespmem:s26+$0x300];
	p0 =	slt.u32 s25, $0x60;
	v13 =	vadd.f32 $1.000000050e-03, v13;
	v11 =	vcvt.f32.s32 v11  }
0x479: {  	v18 =	vmul.f32 $1.280000000e+02, v18;
	v21 =	vld [tilespmem:s26+$0xFFFFFE00];
	v14 =	vadd.f32 $1.000000050e-03, v14;
	v15 =	vshll.u32 v15, $0x7  }
0x47a: {  	v12 =	vmul.f32 $1.277445140e+02, v12;
	v22 =	vld [tilespmem:s26+$0x0];
	v13 =	vmul.f32 $1.277445140e+02, v13;
	v11 =	vadd.s32 v11, v15  }
0x47b: {  	v7 =	vshll.u32 v7, $0x7;
	v16 =	vtrunc.f32 v16;
	v15 =	vld [tilespmem:s26+$0xFFFFFC00];
	v14 =	vmul.f32 $1.277445140e+02, v14;
	[tilespmem:s20+$0xFFFFFE50] =	vst v10  }
0x47c: {  	v17 =	vtrunc.f32 v17;
	v18 =	vtrunc.f32 v18;
	v10 =	vld [tilespmem:s26+$0xFFFFFD00];
	v19 =	vadd.f32 $-1.000000050e-03, v19;
	[tilespmem:s20+$0xFFFFFF50] =	vst v9  }
0x47d: {  	v16 =	vcvt.f32.s32 v16;
	v17 =	vcvt.f32.s32 v17;
	v9 =	vld [tilespmem:s26+$0xFFFFFF00];
	v20 =	vadd.f32 $1.000000050e-03, v20  }
0x47e: {  	v18 =	vcvt.f32.s32 v18;
	v21 =	vadd.f32 $-1.000000050e-03, v21;
	v23 =	vld [tilespmem:s26+$0x100];
	v19 =	vmul.f32 $1.280000000e+02, v19  }
0x47f: {  	v12 =	vtrunc.f32 v12;
	v22 =	vadd.f32 $-1.000000050e-03, v22;
	v20 =	vmul.f32 $1.277445140e+02, v20;
	v11 =	vld.idx.msk [tilespmem:v11+s5+$0x0], $0xffff  }
0x480: {  	v15 =	vadd.f32 $-1.000000050e-03, v15;
	v21 =	vmul.f32 $1.280000000e+02, v21;
	v19 =	vtrunc.f32 v19;
	v8 =	vld.idx.msk [tilespmem:v8+s5+$0x0], $0xffff  }
0x481: {  	v10 =	vadd.f32 $1.000000050e-03, v10;
	v19 =	vcvt.f32.s32 v19;
	v20 =	vtrunc.f32 v20;
	v24 =	vld [tilespmem:s21+$0xFFFFFC60]  }
0x482: {  	v15 =	vmul.f32 $1.280000000e+02, v15;
	v9 =	vadd.f32 $1.000000050e-03, v9;
	v20 =	vcvt.f32.s32 v20;
	v25 =	vld [tilespmem:s21+$0xFFFFFE60]  }
0x483: {  	v22 =	vmul.f32 $1.280000000e+02, v22;
	v23 =	vadd.f32 $1.000000050e-03, v23;
	v19 =	vshll.u32 v19, $0x7;
	v26 =	vld [tilespmem:s21+$0xFFFFFD60]  }
0x484: {  	v10 =	vmul.f32 $1.277445140e+02, v10;
	v9 =	vmul.f32 $1.277445140e+02, v9;
	v19 =	vadd.s32 v20, v19;
	v20 =	vld [tilespmem:s21+$0xFFFFFF60]  }
0x485: {  	v16 =	vshll.u32 v16, $0x7;
	v15 =	vtrunc.f32 v15;
	v23 =	vmul.f32 $1.277445140e+02, v23;
	[tilespmem:s24+$0x140] =	vst v11;
	v1 =	vld.idx.msk [tilespmem:v1+s5+$0x0], $0xffff  }
0x486: {  	v17 =	vshll.u32 v17, $0x7;
	v11 =	vtrunc.f32 v21;
	v21 =	vtrunc.f32 v22;
	v22 =	vld [tilespmem:s22+$0x250];
	[tilespmem:s20+$0x50] =	vst v8  }
0x487: {  	v8 =	vcvt.f32.s32 v15;
	v11 =	vcvt.f32.s32 v11;
	v15 =	vshll.u32 v18, $0x7;
	v18 =	vld [tilespmem:s22+$0x350]  }
0x488: {  	v10 =	vtrunc.f32 v10;
	v21 =	vcvt.f32.s32 v21;
	v24 =	vadd.f32 $-1.000000050e-03, v24;
	v27 =	vld [tilespmem:s21+$0x60]  }
0x489: {  	v9 =	vtrunc.f32 v9;
	v23 =	vtrunc.f32 v23;
	v8 =	vshll.u32 v8, $0x7;
	v19 =	vld.idx.msk [tilespmem:v19+s5+$0x0], $0xffff  }
0x48a: {  	v10 =	vcvt.f32.s32 v10;
	v9 =	vcvt.f32.s32 v9;
	v11 =	vshll.u32 v11, $0x7;
	v28 =	vld [tilespmem:s21+$0x160]  }
0x48b: {  	v23 =	vcvt.f32.s32 v23;
	v21 =	vshll.u32 v21, $0x7;
	v22 =	vadd.f32 $-1.000000050e-03, v22;
	[tilespmem:s18+$0xFFFFFF70] =	vst v1;
	v0 =	vld.idx.msk [tilespmem:v0+s5+$0x0], $0xffff  }
0x48c: {  	v1 =	vadd.s32 v10, v8;
	v8 =	vadd.s32 v9, v11;
	v9 =	vadd.f32 $1.000000050e-03, v18  }
0x48d: {  	v10 =	vadd.s32 v23, v21;
	v11 =	vtrunc.f32 v13;
	v13 =	vmul.f32 $1.280000000e+02, v22  }
0x48e: {  	v14 =	vtrunc.f32 v14;
	s24 =	sadd.s32 $0x400, s24;
	v18 =	vadd.f32 $-1.000000050e-03, v25;
	v9 =	vmul.f32 $1.277445140e+02, v9  }
0x48f: {  	v12 =	vcvt.f32.s32 v12;
	[tilespmem:s24+$0x100] =	vst v19;
	v13 =	vtrunc.f32 v13;
	v19 =	vadd.f32 $-1.000000050e-03, v27  }
0x490: {  	v22 =	vadd.f32 $1.000000050e-03, v26;
	v21 =	vld [tilespmem:s26+$0x210];
	v13 =	vcvt.f32.s32 v13;
	v9 =	vtrunc.f32 v9  }
0x491: {  	v12 =	vadd.s32 v12, v16;
	v11 =	vcvt.f32.s32 v11;
	v23 =	vld [tilespmem:s26+$0x310];
	v9 =	vcvt.f32.s32 v9;
	[tilespmem:s18+$0x70] =	vst v0;
	s18 =	smov.u32 s19;
	s19 =	smov.u32 s20;
	s20 =	smov.u32 s23  }
0x492: {  	v0 =	vcvt.f32.s32 v14;
	v14 =	vadd.f32 $1.000000050e-03, v20;
	s23 =	smov.u32 s24;
	v1 =	vld.idx.msk [tilespmem:v1+s5+$0x0], $0xffff;
	v13 =	vshll.u32 v13, $0x7  }
0x493: {  	v11 =	vadd.s32 v11, v17;
	v8 =	vld.idx.msk [tilespmem:v8+s5+$0x0], $0xffff;
	v9 =	vadd.s32 v9, v13;
	v13 =	vadd.f32 $1.000000050e-03, v28  }
0x494: {  	v16 =	vmul.f32 $1.280000000e+02, v18;
	v15 =	vadd.s32 v0, v15;
	v0 =	vmul.f32 $1.280000000e+02, v24;
	v10 =	vld.idx.msk [tilespmem:v10+s5+$0x0], $0xffff  }
0x495: {  	v18 =	vmul.f32 $1.277445140e+02, v22;
	v19 =	vmul.f32 $1.280000000e+02, v19;
	v17 =	vadd.f32 $-1.000000050e-03, v21  }
0x496: {  	v14 =	vmul.f32 $1.277445140e+02, v14;
	v13 =	vmul.f32 $1.277445140e+02, v13;
	v20 =	vadd.f32 $1.000000050e-03, v23;
	v12 =	vld.idx.msk [tilespmem:v12+s5+$0x0], $0xffff  }
0x497: {  	v21 =	vtrunc.f32 v0;
	v0 =	vshll.u32 v5, $0x7;
	v17 =	vmul.f32 $1.280000000e+02, v17  }
0x498: {  	v16 =	vtrunc.f32 v16;
	v5 =	vshll.u32 v6, $0x7;
	[tilespmem:s24+$0xFFFFFE00] =	vst v1;
	v1 =	vmul.f32 $1.277445140e+02, v20;
	v9 =	vld.idx.msk [tilespmem:v9+s5+$0x0], $0xffff  }
0x499: {  	v6 =	vld [tilespmem:s26+$0xFFFFFC10];
	[tilespmem:s24+$0xFFFFFF00] =	vst v8;
	v8 =	vtrunc.f32 v17;
	v17 =	vtrunc.f32 v19  }
0x49a: {  	v19 =	vld [tilespmem:s26+$0xFFFFFE10];
	[tilespmem:s24+$0x0] =	vst v10;
	v8 =	vcvt.f32.s32 v8;
	v1 =	vtrunc.f32 v1  }
0x49b: {  	v20 =	vcvt.f32.s32 v21;
	v10 =	vld [tilespmem:s26+$0x10];
	v1 =	vcvt.f32.s32 v1  }
0x49c: {  	v21 =	vld [tilespmem:s26+$0xFFFFFD10];
	v8 =	vshll.u32 v8, $0x7;
	[tilespmem:s20+$0xFFFFFE30] =	vst v12;
	v12 =	vcvt.f32.s32 v16;
	v16 =	vcvt.f32.s32 v17  }
0x49d: {  	v14 =	vtrunc.f32 v14;
	v17 =	vld [tilespmem:s26+$0xFFFFFF10];
	v1 =	vadd.s32 v1, v8;
	v8 =	vtrunc.f32 v18  }
0x49e: {  	v6 =	vadd.f32 $-1.000000050e-03, v6;
	v18 =	vld [tilespmem:s26+$0x110];
	[tilespmem:s20+$0x150] =	vst v9;
	v8 =	vcvt.f32.s32 v8;
	v9 =	vtrunc.f32 v13  }
0x49f: {  	v14 =	vcvt.f32.s32 v14;
	v13 =	vadd.f32 $-1.000000050e-03, v19;
	v19 =	vld [tilespmem:s22+$0x260];
	v9 =	vcvt.f32.s32 v9  }
0x4a0: {  	v20 =	vshll.u32 v20, $0x7;
	v6 =	vmul.f32 $1.280000000e+02, v6;
	v10 =	vadd.f32 $-1.000000050e-03, v10;
	v22 =	vld [tilespmem:s22+$0x360]  }
0x4a1: {  	v12 =	vshll.u32 v12, $0x7;
	v21 =	vadd.f32 $1.000000050e-03, v21;
	v13 =	vmul.f32 $1.280000000e+02, v13;
	v11 =	vld.idx.msk [tilespmem:v11+s5+$0x0], $0xffff  }
0x4a2: {  	v6 =	vtrunc.f32 v6;
	v17 =	vadd.f32 $1.000000050e-03, v17;
	v10 =	vmul.f32 $1.280000000e+02, v10;
	v1 =	vld.idx.msk [tilespmem:v1+s5+$0x0], $0xffff  }
0x4a3: {  	v21 =	vmul.f32 $1.277445140e+02, v21;
	v13 =	vtrunc.f32 v13;
	v18 =	vadd.f32 $1.000000050e-03, v18;
	v15 =	vld.idx.msk [tilespmem:v15+s5+$0x0], $0xffff  }
0x4a4: {  	v17 =	vmul.f32 $1.277445140e+02, v17;
	v10 =	vtrunc.f32 v10;
	v23 =	vld [tilespmem:s22+$0xFFFFFC40];
	v19 =	vadd.f32 $-1.000000050e-03, v19  }
0x4a5: {  	v6 =	vcvt.f32.s32 v6;
	v18 =	vmul.f32 $1.277445140e+02, v18;
	v24 =	vld [tilespmem:s22+$0xFFFFFD40];
	v22 =	vadd.f32 $1.000000050e-03, v22  }
0x4a6: {  	v16 =	vshll.u32 v16, $0x7;
	v13 =	vcvt.f32.s32 v13;
	v19 =	vmul.f32 $1.280000000e+02, v19  }
0x4a7: {  	v6 =	vshll.u32 v6, $0x7;
	v10 =	vcvt.f32.s32 v10;
	[tilespmem:s20+$0xFFFFFF30] =	vst v11;
	v11 =	vmul.f32 $1.277445140e+02, v22  }
0x4a8: {  	v21 =	vtrunc.f32 v21;
	v13 =	vshll.u32 v13, $0x7;
	[tilespmem:s24+$0x110] =	vst v1;
	v1 =	vld [tilespmem:s22+$0xFFFFFE40];
	v19 =	vtrunc.f32 v19  }
0x4a9: {  	v10 =	vshll.u32 v10, $0x7;
	v22 =	vld [tilespmem:s26+$0x220];
	[tilespmem:s20+$0x30] =	vst v15;
	v15 =	vcvt.f32.s32 v19;
	v11 =	vtrunc.f32 v11  }
0x4aa: {  	v17 =	vtrunc.f32 v17;
	v23 =	vadd.f32 $-1.000000050e-03, v23;
	v19 =	vld [tilespmem:s26+$0x320];
	v11 =	vcvt.f32.s32 v11  }
0x4ab: {  	v21 =	vcvt.f32.s32 v21;
	v18 =	vtrunc.f32 v18;
	v25 =	vld [tilespmem:s22+$0x40];
	v15 =	vshll.u32 v15, $0x7  }
0x4ac: {  	v17 =	vcvt.f32.s32 v17;
	v18 =	vcvt.f32.s32 v18;
	v26 =	vld [tilespmem:s22+$0xFFFFFF40];
	v11 =	vadd.s32 v11, v15  }
0x4ad: {  	v6 =	vadd.s32 v21, v6;
	v15 =	vadd.f32 $1.000000050e-03, v24;
	v1 =	vadd.f32 $-1.000000050e-03, v1;
	v21 =	vld [tilespmem:s22+$0x140]  }
0x4ae: {  	v13 =	vadd.s32 v17, v13;
	v10 =	vadd.s32 v18, v10;
	v17 =	vadd.f32 $-1.000000050e-03, v22  }
0x4af: {  	v18 =	vadd.f32 $1.000000050e-03, v19;
	v19 =	vmul.f32 $1.280000000e+02, v23;
	v1 =	vmul.f32 $1.280000000e+02, v1  }
0x4b0: {  	v15 =	vmul.f32 $1.277445140e+02, v15;
	v17 =	vmul.f32 $1.280000000e+02, v17;
	v22 =	vadd.f32 $-1.000000050e-03, v25  }
0x4b1: {  	v18 =	vmul.f32 $1.277445140e+02, v18;
	v19 =	vtrunc.f32 v19;
	v23 =	vadd.f32 $1.000000050e-03, v26;
	v11 =	vld.idx.msk [tilespmem:v11+s5+$0x0], $0xffff  }
0x4b2: {  	v6 =	vld.idx.msk [tilespmem:v6+s5+$0x0], $0xffff;
	v17 =	vtrunc.f32 v17;
	v22 =	vmul.f32 $1.280000000e+02, v22;
	v21 =	vadd.f32 $1.000000050e-03, v21  }
0x4b3: {  	v8 =	vadd.s32 v8, v20;
	v13 =	vld.idx.msk [tilespmem:v13+s5+$0x0], $0xffff;
	v17 =	vcvt.f32.s32 v17;
	v18 =	vtrunc.f32 v18  }
0x4b4: {  	v12 =	vadd.s32 v14, v12;
	v20 =	vmul.f32 $1.277445140e+02, v23;
	v10 =	vld.idx.msk [tilespmem:v10+s5+$0x0], $0xffff;
	v18 =	vcvt.f32.s32 v18  }
0x4b5: {  	v1 =	vtrunc.f32 v1;
	v14 =	vshll.u32 v17, $0x7;
	v17 =	vmul.f32 $1.277445140e+02, v21  }
0x4b6: {  	v14 =	vadd.s32 v18, v14;
	v18 =	vcvt.f32.s32 v19;
	v19 =	vtrunc.f32 v22  }
0x4b7: {  	v9 =	vadd.s32 v9, v16;
	v1 =	vcvt.f32.s32 v1;
	v19 =	vcvt.f32.s32 v19;
	[tilespmem:s20+$0x160] =	vst v11  }
0x4b8: {  	[tilespmem:s24+$0xFFFFFE10] =	vst v6;
	v6 =	vtrunc.f32 v15;
	v11 =	vshll.u32 v18, $0x7;
	v15 =	vtrunc.f32 v20;
	v16 =	vld [tilespmem:s22+$0x270]  }
0x4b9: {  	v1 =	vshll.u32 v1, $0x7;
	[tilespmem:s24+$0xFFFFFF10] =	vst v13;
	v6 =	vcvt.f32.s32 v6;
	v13 =	vtrunc.f32 v17;
	v17 =	vld [tilespmem:s22+$0x370]  }
0x4ba: {  	v18 =	vld [tilespmem:s26+$0xFFFFFC20];
	[tilespmem:s24+$0x10] =	vst v10;
	v10 =	vcvt.f32.s32 v15;
	v13 =	vcvt.f32.s32 v13;
	v15 =	vshll.u32 v19, $0x7  }
0x4bb: {  	v3 =	vcvt.f32.s32 v3;
	v14 =	vld.idx.msk [tilespmem:v14+s5+$0x0], $0xffff;
	v6 =	vadd.s32 v6, v11;
	v11 =	vtrunc.f32 v2  }
0x4bc: {  	v19 =	vld [tilespmem:s26+$0xFFFFFE20];
	v10 =	vadd.s32 v10, v1;
	v13 =	vadd.s32 v13, v15;
	v1 =	vcvt.f32.s32 v4  }
0x4bd: {  	v2 =	vadd.s32 v3, v7;
	v3 =	vcvt.f32.s32 v11;
	v4 =	vld [tilespmem:s26+$0x20];
	v15 =	vadd.f32 $-1.000000050e-03, v16  }
0x4be: {  	v7 =	vld [tilespmem:s26+$0xFFFFFD20];
	v11 =	vadd.f32 $1.000000050e-03, v17;
	v1 =	vadd.s32 v1, v0  }
0x4bf: {  	v0 =	vadd.s32 v3, v5;
	v16 =	vadd.f32 $-1.000000050e-03, v18;
	v17 =	vld [tilespmem:s26+$0xFFFFFF20];
	v15 =	vmul.f32 $1.280000000e+02, v15  }
0x4c0: {  	v3 =	vld [tilespmem:s26+$0x120];
	v5 =	vmul.f32 $1.277445140e+02, v11  }
0x4c1: {  	v11 =	vmul.f32 $1.280000000e+02, v16;
	v16 =	vadd.f32 $-1.000000050e-03, v19;
	[tilespmem:s24+$0x120] =	vst v14;
	v6 =	vld.idx.msk [tilespmem:v6+s5+$0x0], $0xffff;
	v14 =	vtrunc.f32 v15  }
0x4c2: {  	v4 =	vadd.f32 $-1.000000050e-03, v4;
	v15 =	vld [tilespmem:s26+$0x230];
	v14 =	vcvt.f32.s32 v14;
	v5 =	vtrunc.f32 v5  }
0x4c3: {  	v7 =	vadd.f32 $1.000000050e-03, v7;
	v16 =	vmul.f32 $1.280000000e+02, v16;
	v18 =	vld [tilespmem:s26+$0x330];
	v5 =	vcvt.f32.s32 v5  }
0x4c4: {  	v17 =	vadd.f32 $1.000000050e-03, v17;
	v4 =	vmul.f32 $1.280000000e+02, v4;
	v10 =	vld.idx.msk [tilespmem:v10+s5+$0x0], $0xffff;
	v14 =	vshll.u32 v14, $0x7  }
0x4c5: {  	v7 =	vmul.f32 $1.277445140e+02, v7;
	v3 =	vadd.f32 $1.000000050e-03, v3;
	v13 =	vld.idx.msk [tilespmem:v13+s5+$0x0], $0xffff;
	v5 =	vadd.s32 v5, v14  }
0x4c6: {  	v11 =	vtrunc.f32 v11;
	v14 =	vmul.f32 $1.277445140e+02, v17;
	v8 =	vld.idx.msk [tilespmem:v8+s5+$0x0], $0xffff  }
0x4c7: {  	v16 =	vtrunc.f32 v16;
	v3 =	vmul.f32 $1.277445140e+02, v3;
	v15 =	vadd.f32 $-1.000000050e-03, v15;
	[tilespmem:s20+$0xFFFFFE40] =	vst v6;
	v6 =	vld.idx.msk [tilespmem:v12+s5+$0x0], $0xffff  }
0x4c8: {  	v11 =	vcvt.f32.s32 v11;
	v4 =	vtrunc.f32 v4;
	v12 =	vadd.f32 $1.000000050e-03, v18;
	v17 =	vld [tilespmem:s22+$0xFFFFFC50]  }
0x4c9: {  	v16 =	vcvt.f32.s32 v16;
	v15 =	vmul.f32 $1.280000000e+02, v15;
	v18 =	vld [tilespmem:s22+$0xFFFFFD50]  }
0x4ca: {  	v11 =	vshll.u32 v11, $0x7;
	v4 =	vcvt.f32.s32 v4;
	v12 =	vmul.f32 $1.277445140e+02, v12;
	[tilespmem:s20+$0xFFFFFF40] =	vst v10;
	v5 =	vld.idx.msk [tilespmem:v5+s5+$0x0], $0xffff  }
0x4cb: {  	v7 =	vtrunc.f32 v7;
	v10 =	vshll.u32 v16, $0x7;
	v15 =	vtrunc.f32 v15;
	v16 =	vld [tilespmem:s22+$0xFFFFFE50];
	[tilespmem:s20+$0x40] =	vst v13  }
0x4cc: {  	v4 =	vshll.u32 v4, $0x7;
	v13 =	vcvt.f32.s32 v15;
	v12 =	vtrunc.f32 v12;
	v15 =	vld [tilespmem:s22+$0x50];
	[tilespmem:s19+$0xFFFFFE60] =	vst v8  }
0x4cd: {  	v8 =	vtrunc.f32 v14;
	v12 =	vcvt.f32.s32 v12;
	v14 =	vadd.f32 $-1.000000050e-03, v17;
	v17 =	vld [tilespmem:s22+$0xFFFFFF50];
	[tilespmem:s19+$0xFFFFFF60] =	vst v6  }
0x4ce: {  	v3 =	vtrunc.f32 v3;
	v6 =	vcvt.f32.s32 v7;
	v7 =	vshll.u32 v13, $0x7;
	v13 =	vld [tilespmem:s22+$0x150]  }
0x4cf: {  	v3 =	vcvt.f32.s32 v3;
	v8 =	vcvt.f32.s32 v8;
	v7 =	vadd.s32 v12, v7;
	v9 =	vld.idx.msk [tilespmem:v9+s5+$0x0], $0xffff  }
0x4d0: {  	v6 =	vadd.s32 v6, v11;
	v11 =	vadd.f32 $1.000000050e-03, v18;
	v12 =	vadd.f32 $-1.000000050e-03, v16;
	[tilespmem:s20+$0x170] =	vst v5;
	v5 =	vld [tilespmem:s21+$0xFFFFFC70]  }
0x4d1: {  	v3 =	vadd.s32 v3, v4;
	v8 =	vadd.s32 v8, v10;
	v4 =	vadd.f32 $-1.000000050e-03, v15;
	v10 =	vld [tilespmem:s21+$0xFFFFFE70]  }
0x4d2: {  	v14 =	vmul.f32 $1.280000000e+02, v14;
	v12 =	vmul.f32 $1.280000000e+02, v12;
	v15 =	vadd.f32 $1.000000050e-03, v17;
	v16 =	vld [tilespmem:s21+$0xFFFFFD70]  }
0x4d3: {  	v11 =	vmul.f32 $1.277445140e+02, v11;
	v4 =	vmul.f32 $1.280000000e+02, v4;
	v13 =	vadd.f32 $1.000000050e-03, v13;
	v17 =	vld [tilespmem:s21+$0xFFFFFF70]  }
0x4d4: {  	v14 =	vtrunc.f32 v14;
	v7 =	vld.idx.msk [tilespmem:v7+s5+$0x0], $0xffff;
	v15 =	vmul.f32 $1.277445140e+02, v15  }
0x4d5: {  	v12 =	vtrunc.f32 v12;
	v6 =	vld.idx.msk [tilespmem:v6+s5+$0x0], $0xffff;
	v13 =	vmul.f32 $1.277445140e+02, v13;
	v5 =	vadd.f32 $-1.000000050e-03, v5;
	[tilespmem:s19+$0x60] =	vst v9  }
0x4d6: {  	v9 =	vcvt.f32.s32 v14;
	v4 =	vtrunc.f32 v4;
	v8 =	vld.idx.msk [tilespmem:v8+s5+$0x0], $0xffff;
	v10 =	vadd.f32 $-1.000000050e-03, v10  }
0x4d7: {  	v12 =	vcvt.f32.s32 v12;
	v4 =	vcvt.f32.s32 v4;
	v3 =	vld.idx.msk [tilespmem:v3+s5+$0x0], $0xffff;
	v14 =	vadd.f32 $1.000000050e-03, v16  }
0x4d8: {  	v11 =	vtrunc.f32 v11;
	v15 =	vtrunc.f32 v15;
	v9 =	vshll.u32 v9, $0x7;
	v16 =	vld [tilespmem:s21+$0x70]  }
0x4d9: {  	v11 =	vcvt.f32.s32 v11;
	v12 =	vshll.u32 v12, $0x7;
	v13 =	vtrunc.f32 v13;
	v18 =	vld [tilespmem:s21+$0x170];
	s21 =	smov.u32 s22;
	s22 =	smov.u32 s26  }
0x4da: {  	v13 =	vcvt.f32.s32 v13;
	v4 =	vshll.u32 v4, $0x7;
	[tilespmem:s24+$0x130] =	vst v7;
	v7 =	vcvt.f32.s32 v15;
	v15 =	vld.idx.msk [tilespmem:v2+s5+$0x0], $0xffff  }
0x4db: {  	v2 =	vld [tilespmem:s26+$0x240]  }
0x4dc: {  	v5 =	vmul.f32 $1.280000000e+02, v5;
	v9 =	vadd.s32 v11, v9;
	[tilespmem:s24+$0xFFFFFE20] =	vst v6;
	v6 =	vadd.f32 $1.000000050e-03, v17  }
0x4dd: {  	[tilespmem:s24+$0xFFFFFF20] =	vst v8;
	v11 =	vld [tilespmem:s26+$0x340];
	v19 =	vadd.s32 v7, v12;
	v8 =	vadd.s32 v13, v4;
	v4 =	vmul.f32 $1.280000000e+02, v10  }
0x4de: {  	v10 =	vld [tilespmem:s26+$0xFFFFFC30];
	[tilespmem:s24+$0x20] =	vst v3;
	v3 =	vmul.f32 $1.277445140e+02, v14;
	v20 =	vmul.f32 $1.277445140e+02, v6;
	v6 =	vadd.f32 $-1.000000050e-03, v16  }
0x4df: {  	v5 =	vtrunc.f32 v5;
	v16 =	vld [tilespmem:s26+$0xFFFFFE30];
	v4 =	vtrunc.f32 v4;
	v13 =	vadd.f32 $1.000000050e-03, v18  }
0x4e0: {  	v7 =	vcvt.f32.s32 v5;
	v18 =	vld [tilespmem:s26+$0x30];
	v6 =	vmul.f32 $1.280000000e+02, v6;
	v17 =	vadd.f32 $-1.000000050e-03, v2  }
.Ltmp8:
0x4e1: {  	v5 =	vcvt.f32.s32 v4;
	v12 =	vld [tilespmem:s26+$0xFFFFFD30];
	v2 =	vmul.f32 $1.277445140e+02, v13;
	[tilespmem:s18+$0xFFFFFE70] =	vst v15;
	(pc) =	sbr.rel @p0 .LBB2_17-.Ltmp8, $4  }
0x4e2: {  	v3 =	vtrunc.f32 v3;
	v13 =	vld [tilespmem:s26+$0xFFFFFF30];
	v4 =	vadd.f32 $1.000000050e-03, v11;
	v6 =	vtrunc.f32 v6  }
0x4e3: {  	v15 =	vadd.f32 $-1.000000050e-03, v10;
	v14 =	vld [tilespmem:s26+$0x130];
	v21 =	vmul.f32 $1.280000000e+02, v17;
	v6 =	vcvt.f32.s32 v6  }
0x4e4: {  	v17 =	vadd.f32 $-1.000000050e-03, v16;
	v11 =	vmul.f32 $1.277445140e+02, v4;
	v10 =	vld.idx.msk [tilespmem:v9+s5+$0x0], $0xffff;
	v4 =	vtrunc.f32 v20  }
0x4e5: {  	s26 =	sadd.s32 $0x800, s26;
	v16 =	vmul.f32 $1.280000000e+02, v15;
	v18 =	vadd.f32 $-1.000000050e-03, v18;
	v15 =	vtrunc.f32 v21;
	v9 =	vld.idx.msk [tilespmem:v19+s5+$0x0], $0xffff  }
0x4e6: {  	v12 =	vadd.f32 $1.000000050e-03, v12  }
0x4e7: {  	v17 =	vmul.f32 $1.280000000e+02, v17;
	v18 =	vmul.f32 $1.280000000e+02, v18  }
0x4e8: {  	v13 =	vadd.f32 $1.000000050e-03, v13;
	v16 =	vtrunc.f32 v16;
	v12 =	vmul.f32 $1.277445140e+02, v12  }
0x4e9: {  	v17 =	vtrunc.f32 v17;
	v16 =	vcvt.f32.s32 v16  }
0x4ea: {  	v14 =	vadd.f32 $1.000000050e-03, v14;
	v13 =	vmul.f32 $1.277445140e+02, v13;
	v12 =	vtrunc.f32 v12  }
0x4eb: {  	v17 =	vcvt.f32.s32 v17;
	v12 =	vcvt.f32.s32 v12  }
0x4ec: {  	v14 =	vmul.f32 $1.277445140e+02, v14;
	v16 =	vshll.u32 v16, $0x7;
	v13 =	vtrunc.f32 v13  }
0x4ed: {  	v18 =	vtrunc.f32 v18;
	v13 =	vcvt.f32.s32 v13;
	v12 =	vadd.s32 v12, v16  }
0x4ee: {  	v18 =	vcvt.f32.s32 v18;
	v56 =	vshll.u32 v17, $0x7;
	v14 =	vtrunc.f32 v14  }
0x4ef: {  	v14 =	vcvt.f32.s32 v14;
	v13 =	vadd.s32 v13, v56  }
0x4f0: {  	v57 =	vshll.u32 v18, $0x7  }
0x4f1: {  	v14 =	vadd.s32 v14, v57  }
0x4f2: {  	v12 =	vld.idx.msk [tilespmem:v12+s5+$0x0], $0xffff;
	_ =	sdelay $0x1  }
0x4f3: {  	v13 =	vld.idx.msk [tilespmem:v13+s5+$0x0], $0xffff;
	_ =	sdelay $0x1  }
0x4f4: {  	v14 =	vld.idx.msk [tilespmem:v14+s5+$0x0], $0xffff  }
0x4f5: {  	[tilespmem:s23+$0xFFFFFE30] =	vst v12  }
0x4f6: {  	v12 =	vld [tilespmem:s22+$0xFFFFFC40]  }
0x4f7: {  	v58 =	vld [tilespmem:s22+$0xFFFFFD40];
	[tilespmem:s23+$0xFFFFFF30] =	vst v13  }
0x4f8: {  	v13 =	vld [tilespmem:s22+$0xFFFFFE40]  }
0x4f9: {  	[tilespmem:s23+$0x30] =	vst v14;
	v59 =	vld [tilespmem:s22+$0xFFFFFF40]  }
0x4fa: {  	v14 =	vld [tilespmem:s22+$0x40]  }
0x4fb: {  	v15 =	vcvt.f32.s32 v15;
	v11 =	vtrunc.f32 v11;
	v60 =	vld [tilespmem:s22+$0x140]  }
0x4fc: {  	v11 =	vcvt.f32.s32 v11  }
0x4fd: {  	v15 =	vshll.u32 v15, $0x7;
	v12 =	vadd.f32 $-1.000000050e-03, v12  }
0x4fe: {  	v11 =	vadd.s32 v11, v15;
	v16 =	vadd.f32 $1.000000050e-03, v58;
	v13 =	vadd.f32 $-1.000000050e-03, v13  }
0x4ff: {  	v62 =	vadd.f32 $1.000000050e-03, v59;
	v12 =	vmul.f32 $1.280000000e+02, v12;
	v14 =	vadd.f32 $-1.000000050e-03, v14  }
0x500: {  	v61 =	vmul.f32 $1.277445140e+02, v16;
	v63 =	vadd.f32 $1.000000050e-03, v60;
	v13 =	vmul.f32 $1.280000000e+02, v13  }
0x501: {  	v16 =	vmul.f32 $1.277445140e+02, v62;
	v12 =	vtrunc.f32 v12  }
0x502: {  	v14 =	vmul.f32 $1.280000000e+02, v14;
	v17 =	vmul.f32 $1.277445140e+02, v63  }
0x503: {  	v15 =	vtrunc.f32 v61;
	v12 =	vcvt.f32.s32 v12  }
0x504: {  	v11 =	vld.idx.msk [tilespmem:v11+s5+$0x0], $0xffff;
	v13 =	vtrunc.f32 v13;
	v15 =	vcvt.f32.s32 v15  }
0x505: {  	v16 =	vtrunc.f32 v16;
	v13 =	vcvt.f32.s32 v13;
	v12 =	vshll.u32 v12, $0x7  }
0x506: {  	v14 =	vtrunc.f32 v14;
	v16 =	vcvt.f32.s32 v16;
	v12 =	vadd.s32 v15, v12  }
0x507: {  	v17 =	vtrunc.f32 v17;
	v14 =	vcvt.f32.s32 v14;
	v13 =	vshll.u32 v13, $0x7  }
0x508: {  	v19 =	vcvt.f32.s32 v17;
	v13 =	vadd.s32 v16, v13  }
0x509: {  	[tilespmem:s24+$0x140] =	vst v11;
	v20 =	vshll.u32 v14, $0x7  }
0x50a: {  	v21 =	vld [tilespmem:s22+$0x250];
	v11 =	vadd.s32 v19, v20  }
0x50b: {  	v12 =	vld.idx.msk [tilespmem:v12+s5+$0x0], $0xffff  }
0x50c: {  	v22 =	vld [tilespmem:s22+$0x350]  }
0x50d: {  	v13 =	vld.idx.msk [tilespmem:v13+s5+$0x0], $0xffff;
	_ =	sdelay $0x1  }
0x50e: {  	v11 =	vld.idx.msk [tilespmem:v11+s5+$0x0], $0xffff  }
0x50f: {  	v14 =	vadd.f32 $-1.000000050e-03, v21;
	[tilespmem:s23+$0xFFFFFE40] =	vst v12  }
0x510: {  	v15 =	vadd.f32 $1.000000050e-03, v22;
	v24 =	vld [tilespmem:s22+$0xFFFFFC50]  }
0x511: {  	v23 =	vmul.f32 $1.280000000e+02, v14;
	v25 =	vld [tilespmem:s22+$0xFFFFFD50];
	[tilespmem:s23+$0xFFFFFF40] =	vst v13  }
0x512: {  	v15 =	vmul.f32 $1.277445140e+02, v15;
	v13 =	vld [tilespmem:s22+$0xFFFFFE50]  }
0x513: {  	v12 =	vtrunc.f32 v23;
	[tilespmem:s23+$0x40] =	vst v11;
	v29 =	vld [tilespmem:s22+$0xFFFFFF50]  }
0x514: {  	v27 =	vtrunc.f32 v15;
	v26 =	vcvt.f32.s32 v12;
	v28 =	vld [tilespmem:s22+$0x50]  }
0x515: {  	v12 =	vcvt.f32.s32 v27  }
0x516: {  	v11 =	vshll.u32 v26, $0x7  }
0x517: {  	v8 =	vld.idx.msk [tilespmem:v8+s5+$0x0], $0xffff;
	v11 =	vadd.s32 v12, v11;
	v31 =	vadd.f32 $-1.000000050e-03, v24  }
0x518: {  	[tilespmem:s20+$0xFFFFFE50] =	vst v10;
	v30 =	vld [tilespmem:s22+$0x150];
	v32 =	vadd.f32 $1.000000050e-03, v25;
	v13 =	vadd.f32 $-1.000000050e-03, v13  }
0x519: {  	v41 =	vld [tilespmem:s21+$0xFFFFFD60];
	v35 =	vadd.f32 $1.000000050e-03, v29;
	v15 =	vadd.f32 $-1.000000050e-03, v28;
	v33 =	vmul.f32 $1.280000000e+02, v31  }
0x51a: {  	v14 =	vmul.f32 $1.277445140e+02, v32;
	v34 =	vmul.f32 $1.280000000e+02, v13  }
0x51b: {  	v39 =	vmul.f32 $1.277445140e+02, v35;
	v15 =	vmul.f32 $1.280000000e+02, v15  }
0x51c: {  	v38 =	vld.idx.msk [tilespmem:v11+s5+$0x0], $0xffff;
	v10 =	vtrunc.f32 v33;
	v43 =	vtrunc.f32 v14  }
0x51d: {  	v37 =	vadd.f32 $1.000000050e-03, v30;
	v12 =	vtrunc.f32 v34;
	v10 =	vcvt.f32.s32 v10  }
0x51e: {  	v36 =	vld [tilespmem:s21+$0xFFFFFC60];
	[tilespmem:s20+$0x50] =	vst v8;
	v49 =	vadd.f32 $1.000000050e-03, v41;
	v42 =	vcvt.f32.s32 v12;
	v12 =	vcvt.f32.s32 v43  }
0x51f: {  	[tilespmem:s20+$0xFFFFFF50] =	vst v9;
	v20 =	vld [tilespmem:s21+$0x160];
	v17 =	vmul.f32 $1.277445140e+02, v37;
	v11 =	vtrunc.f32 v39;
	v10 =	vshll.u32 v10, $0x7  }
0x520: {  	v40 =	vld [tilespmem:s21+$0xFFFFFE60];
	v15 =	vtrunc.f32 v15;
	v11 =	vcvt.f32.s32 v11;
	v10 =	vadd.s32 v12, v10  }
0x521: {  	v44 =	vld [tilespmem:s21+$0x60];
	v17 =	vtrunc.f32 v17;
	v45 =	vcvt.f32.s32 v15;
	[tilespmem:s23+$0x150] =	vst v38;
	v8 =	vshll.u32 v42, $0x7  }
0x522: {  	v17 =	vcvt.f32.s32 v17;
	v46 =	vld [tilespmem:s22+$0x260];
	v8 =	vadd.s32 v11, v8  }
0x523: {  	v48 =	vadd.f32 $-1.000000050e-03, v36;
	v16 =	vmul.f32 $1.277445140e+02, v49;
	v47 =	vld [tilespmem:s22+$0x360];
	v9 =	vshll.u32 v45, $0x7  }
0x524: {  	v19 =	vld [tilespmem:s21+$0xFFFFFF60];
	v51 =	vadd.f32 $1.000000050e-03, v20;
	v9 =	vadd.s32 v17, v9  }
0x525: {  	v16 =	vtrunc.f32 v16;
	v11 =	vmul.f32 $1.280000000e+02, v48;
	v10 =	vld.idx.msk [tilespmem:v10+s5+$0x0], $0xffff  }
0x526: {  	v16 =	vcvt.f32.s32 v16;
	v18 =	vmul.f32 $1.277445140e+02, v51  }
0x527: {  	v13 =	vadd.f32 $-1.000000050e-03, v40;
	v11 =	vtrunc.f32 v11;
	v15 =	vadd.f32 $-1.000000050e-03, v46;
	v8 =	vld.idx.msk [tilespmem:v8+s5+$0x0], $0xffff  }
0x528: {  	v14 =	vadd.f32 $-1.000000050e-03, v44;
	v11 =	vcvt.f32.s32 v11;
	v12 =	vadd.f32 $1.000000050e-03, v47  }
0x529: {  	v50 =	vadd.f32 $1.000000050e-03, v19;
	v13 =	vmul.f32 $1.280000000e+02, v13;
	v9 =	vld.idx.msk [tilespmem:v9+s5+$0x0], $0xffff;
	v15 =	vmul.f32 $1.280000000e+02, v15  }
0x52a: {  	v14 =	vmul.f32 $1.280000000e+02, v14;
	v11 =	vshll.u32 v11, $0x7;
	v12 =	vmul.f32 $1.277445140e+02, v12;
	[tilespmem:s23+$0xFFFFFE50] =	vst v10  }
0x52b: {  	v17 =	vmul.f32 $1.277445140e+02, v50;
	v11 =	vadd.s32 v16, v11;
	v15 =	vtrunc.f32 v15;
	v53 =	vld [tilespmem:s22+$0xFFFFFC60]  }
0x52c: {  	v12 =	vtrunc.f32 v12;
	v15 =	vcvt.f32.s32 v15;
	[tilespmem:s23+$0xFFFFFF50] =	vst v8;
	v57 =	vld [tilespmem:s22+$0xFFFFFD60]  }
0x52d: {  	v52 =	vtrunc.f32 v13;
	v12 =	vcvt.f32.s32 v12;
	v56 =	vld [tilespmem:s22+$0xFFFFFE60]  }
0x52e: {  	v58 =	vtrunc.f32 v17;
	v10 =	vcvt.f32.s32 v52;
	[tilespmem:s23+$0x50] =	vst v9;
	v60 =	vld [tilespmem:s22+$0xFFFFFF60];
	v55 =	vshll.u32 v15, $0x7  }
0x52f: {  	v54 =	vtrunc.f32 v14;
	v9 =	vcvt.f32.s32 v58;
	v59 =	vld [tilespmem:s22+$0x60];
	v12 =	vadd.s32 v12, v55  }
0x530: {  	v18 =	vtrunc.f32 v18;
	v13 =	vcvt.f32.s32 v54;
	v10 =	vshll.u32 v10, $0x7;
	v11 =	vld.idx.msk [tilespmem:v11+s5+$0x0], $0xffff  }
0x531: {  	v61 =	vcvt.f32.s32 v18;
	v20 =	vld [tilespmem:s22+$0x160];
	v9 =	vadd.s32 v9, v10  }
0x532: {  	v62 =	vshll.u32 v13, $0x7;
	v8 =	vadd.f32 $-1.000000050e-03, v53  }
0x533: {  	v10 =	vadd.s32 v61, v62;
	v14 =	vadd.f32 $1.000000050e-03, v57;
	v63 =	vadd.f32 $-1.000000050e-03, v56  }
0x534: {  	v22 =	vadd.f32 $1.000000050e-03, v60;
	v21 =	vadd.f32 $-1.000000050e-03, v59;
	v8 =	vmul.f32 $1.280000000e+02, v8;
	v12 =	vld.idx.msk [tilespmem:v12+s5+$0x0], $0xffff  }
0x535: {  	v14 =	vmul.f32 $1.277445140e+02, v14;
	v13 =	vmul.f32 $1.280000000e+02, v63  }
0x536: {  	[tilespmem:s20+$0xFFFFFE60] =	vst v11;
	v15 =	vadd.f32 $1.000000050e-03, v20;
	v9 =	vld.idx.msk [tilespmem:v9+s5+$0x0], $0xffff;
	v17 =	vmul.f32 $1.277445140e+02, v22;
	v16 =	vmul.f32 $1.280000000e+02, v21  }
0x537: {  	v28 =	vld [tilespmem:s21+$0xFFFFFC70];
	v8 =	vtrunc.f32 v8;
	v14 =	vtrunc.f32 v14  }
0x538: {  	v10 =	vld.idx.msk [tilespmem:v10+s5+$0x0], $0xffff;
	v26 =	vmul.f32 $1.277445140e+02, v15;
	v8 =	vcvt.f32.s32 v8  }
0x539: {  	v5 =	vshll.u32 v5, $0x7;
	v30 =	vld [tilespmem:s21+$0xFFFFFD70];
	v14 =	vcvt.f32.s32 v14;
	v16 =	vtrunc.f32 v16;
	[tilespmem:s23+$0x160] =	vst v12  }
0x53a: {  	v11 =	vtrunc.f32 v26;
	v8 =	vshll.u32 v8, $0x7;
	v16 =	vcvt.f32.s32 v16;
	v24 =	vld [tilespmem:s22+$0x270]  }
0x53b: {  	v23 =	vtrunc.f32 v13;
	v11 =	vcvt.f32.s32 v11;
	[tilespmem:s20+$0xFFFFFF60] =	vst v9;
	v8 =	vadd.s32 v14, v8;
	v25 =	vld [tilespmem:s22+$0x370]  }
0x53c: {  	v17 =	vtrunc.f32 v17;
	v12 =	vcvt.f32.s32 v23;
	v29 =	vld [tilespmem:s21+$0xFFFFFE70];
	v32 =	vshll.u32 v16, $0x7  }
0x53d: {  	v27 =	vcvt.f32.s32 v17;
	[tilespmem:s20+$0x60] =	vst v10;
	v9 =	vadd.f32 $-1.000000050e-03, v28;
	v31 =	vld [tilespmem:s21+$0xFFFFFF70];
	v10 =	vadd.s32 v11, v32  }
0x53e: {  	v2 =	vtrunc.f32 v2;
	v4 =	vcvt.f32.s32 v4;
	v34 =	vld [tilespmem:s21+$0x70];
	v12 =	vshll.u32 v12, $0x7  }
0x53f: {  	v15 =	vadd.f32 $1.000000050e-03, v30;
	v39 =	vmul.f32 $1.280000000e+02, v9;
	v12 =	vadd.s32 v27, v12  }
0x540: {  	v3 =	vcvt.f32.s32 v3;
	v2 =	vcvt.f32.s32 v2;
	v4 =	vadd.s32 v4, v5;
	v8 =	vld.idx.msk [tilespmem:v8+s5+$0x0], $0xffff  }
0x541: {  	v41 =	vmul.f32 $1.277445140e+02, v15;
	v5 =	vtrunc.f32 v39;
	v13 =	vadd.f32 $-1.000000050e-03, v24  }
0x542: {  	v5 =	vcvt.f32.s32 v5;
	v33 =	vadd.f32 $1.000000050e-03, v25;
	v14 =	vadd.f32 $-1.000000050e-03, v29;
	v10 =	vld.idx.msk [tilespmem:v10+s5+$0x0], $0xffff  }
0x543: {  	v37 =	vld [tilespmem:s21+$0x170];
	v38 =	vadd.f32 $1.000000050e-03, v31;
	v43 =	vadd.f32 $-1.000000050e-03, v34;
	v13 =	vmul.f32 $1.280000000e+02, v13  }
0x544: {  	v35 =	vmul.f32 $1.277445140e+02, v33;
	v12 =	vld.idx.msk [tilespmem:v12+s5+$0x0], $0xffff;
	v40 =	vmul.f32 $1.280000000e+02, v14  }
0x545: {  	v7 =	vshll.u32 v7, $0x7;
	v42 =	vmul.f32 $1.277445140e+02, v38;
	v46 =	vmul.f32 $1.280000000e+02, v43;
	[tilespmem:s23+$0xFFFFFE60] =	vst v8  }
0x546: {  	v6 =	vshll.u32 v6, $0x7;
	v13 =	vtrunc.f32 v13;
	v11 =	vtrunc.f32 v35;
	v44 =	vld [tilespmem:s22+$0xFFFFFC70]  }
0x547: {  	v3 =	vadd.s32 v3, v7;
	v9 =	vtrunc.f32 v40;
	v8 =	vtrunc.f32 v41;
	v47 =	vld [tilespmem:s22+$0xFFFFFD70];
	[tilespmem:s23+$0x60] =	vst v10  }
0x548: {  	v2 =	vadd.s32 v2, v6;
	v6 =	vtrunc.f32 v46;
	v49 =	vtrunc.f32 v42;
	v10 =	vld [tilespmem:s22+$0x70]  }
0x549: {  	v36 =	vcvt.f32.s32 v13;
	v11 =	vcvt.f32.s32 v11;
	v13 =	vadd.f32 $1.000000050e-03, v37;
	[tilespmem:s23+$0xFFFFFF60] =	vst v12;
	v50 =	vld [tilespmem:s22+$0x170]  }
0x54a: {  	v5 =	vshll.u32 v5, $0x7;
	v9 =	vcvt.f32.s32 v9;
	v6 =	vcvt.f32.s32 v6;
	v45 =	vld [tilespmem:s22+$0xFFFFFE70]  }
0x54b: {  	v7 =	vshll.u32 v36, $0x7;
	v13 =	vmul.f32 $1.277445140e+02, v13;
	v48 =	vld [tilespmem:s22+$0xFFFFFF70];
	v12 =	vadd.f32 $-1.000000050e-03, v44  }
0x54c: {  	v8 =	vcvt.f32.s32 v8;
	v7 =	vadd.s32 v11, v7;
	v11 =	vcvt.f32.s32 v49  }
0x54d: {  	v13 =	vtrunc.f32 v13;
	v15 =	vadd.f32 $1.000000050e-03, v47;
	v12 =	vmul.f32 $1.280000000e+02, v12  }
0x54e: {  	v13 =	vcvt.f32.s32 v13;
	v10 =	vadd.f32 $-1.000000050e-03, v10;
	v14 =	vadd.f32 $1.000000050e-03, v50  }
0x54f: {  	v15 =	vmul.f32 $1.277445140e+02, v15;
	v16 =	vadd.f32 $-1.000000050e-03, v45;
	v12 =	vtrunc.f32 v12  }
0x550: {  	v17 =	vadd.f32 $1.000000050e-03, v48;
	v10 =	vmul.f32 $1.280000000e+02, v10;
	v51 =	vmul.f32 $1.277445140e+02, v14  }
0x551: {  	v9 =	vshll.u32 v9, $0x7;
	v52 =	vtrunc.f32 v15;
	v16 =	vmul.f32 $1.280000000e+02, v16  }
0x552: {  	v5 =	vadd.s32 v8, v5;
	v17 =	vmul.f32 $1.277445140e+02, v17;
	v12 =	vcvt.f32.s32 v12  }
0x553: {  	v1 =	vld.idx.msk [tilespmem:v1+s5+$0x0], $0xffff;
	v9 =	vadd.s32 v11, v9;
	v11 =	vcvt.f32.s32 v52;
	v10 =	vtrunc.f32 v10  }
0x554: {  	v0 =	vld.idx.msk [tilespmem:v0+s5+$0x0], $0xffff;
	v6 =	vshll.u32 v6, $0x7;
	v8 =	vtrunc.f32 v51;
	v16 =	vtrunc.f32 v16  }
0x555: {  	v3 =	vld.idx.msk [tilespmem:v3+s5+$0x0], $0xffff;
	v6 =	vadd.s32 v13, v6;
	v10 =	vcvt.f32.s32 v10;
	v53 =	vtrunc.f32 v17  }
0x556: {  	v4 =	vld.idx.msk [tilespmem:v4+s5+$0x0], $0xffff;
	v12 =	vshll.u32 v12, $0x7;
	v8 =	vcvt.f32.s32 v8;
	v16 =	vcvt.f32.s32 v16  }
0x557: {  	v55 =	vld.idx.msk [tilespmem:v2+s5+$0x0], $0xffff;
	v13 =	vcvt.f32.s32 v53;
	v11 =	vadd.s32 v11, v12;
	v56 =	vshll.u32 v10, $0x7  }
0x558: {  	[tilespmem:s18+$0xFFFFFF70] =	vst v1;
	v58 =	vld.idx.msk [tilespmem:v5+s5+$0x0], $0xffff;
	v54 =	vshll.u32 v16, $0x7;
	v2 =	vadd.s32 v8, v56  }
0x559: {  	[tilespmem:s18+$0x70] =	vst v0;
	v7 =	vld.idx.msk [tilespmem:v7+s5+$0x0], $0xffff;
	v57 =	vadd.s32 v13, v54  }
0x55a: {  	[tilespmem:s19+$0xFFFFFE70] =	vst v3;
	v59 =	vld.idx.msk [tilespmem:v9+s5+$0x0], $0xffff  }
0x55b: {  	[tilespmem:s19+$0xFFFFFF70] =	vst v4;
	v60 =	vld.idx.msk [tilespmem:v6+s5+$0x0], $0xffff  }
0x55c: {  	[tilespmem:s19+$0x70] =	vst v55;
	v61 =	vld.idx.msk [tilespmem:v11+s5+$0x0], $0xffff  }
0x55d: {  	[tilespmem:s20+$0xFFFFFE70] =	vst v58;
	v63 =	vld.idx.msk [tilespmem:v2+s5+$0x0], $0xffff  }
0x55e: {  	s17 =	smul.u32 $0x3200, s17;
	[tilespmem:s23+$0x170] =	vst v7;
	v62 =	vld.idx.msk [tilespmem:v57+s5+$0x0], $0xffff  }
0x55f: {  	[tilespmem:s20+$0xFFFFFF70] =	vst v59  }
0x560: {  	s17 =	sadd.s32 s7, s17;
	[tilespmem:s20+$0x70] =	vst v60  }
0x561: {  	s17 =	sshrl.u32 s17, $0x3;
	[tilespmem:s23+$0xFFFFFE70] =	vst v61  }
0x562: {  	s17 =	sadd.s32 s4, s17;
	s18 =	simm.s32 $0x10880;
	[tilespmem:s23+$0x70] =	vst v63  }
0x563: {  	s19 =	simm.s32 $0x10;
	s21 =	sadd.s32 $0x0, s17;
	s20 =	simm.s32 $0x10980;
	[tilespmem:s23+$0xFFFFFF70] =	vst v62  }
.LBB2_19:
0x564: {  	[hbm4b:s21+s5] =	stream.linear.scatter [tilespmem:s18], [sflag:$0x4], $0x80, $0x38;
	[tilespmem:$0x16C00] =	vst v63  }
0x565: {  	s21 =	smov.u32 s19;
	s18 =	smov.u32 s20;
	p0 =	sne.s32 s19, $0x630  }
.Ltmp9:
0x566: {  	s19 =	sadd.s32 $0x10, s19;
	(pc) =	sbr.rel @p0 .LBB2_19-.Ltmp9, $2  }
0x567: {  	_ =	sdelay $0x2  }
0x568: {  	s20 =	sadd.s32 $0x100, s20;
	s21 =	sadd.s32 s21, s17  }
0x569: {  	s16 =	sadd.s32 $0x1, s16  }
0x56a: {  	p0 =	sne.s32 s16, $0x4  }
.Ltmp10:
0x56b: {  	_ = 	snop;
	(pc) =	sbr.rel @p0 .LBB2_4-.Ltmp10, $2  }
0x56c: {  	_ =	sdelay $0x2  }
0x56d: {  	[hbm4b:s21+s5] =	stream.linear.scatter [tilespmem:s18], [sflag:$0x4], $0x80, $0x38;
	[tilespmem:$0x16C00] =	vst v63  }
0x56e: {  	s15 =	sadd.s32 $0x1, s15  }
0x56f: {  	_ =	swait.ge [sflag:s11], $0x3200;
	p0 =	sne.s32 s15, s10  }
.Ltmp11:
0x570: {  	[sflag:s11] =	ssyncset.done $0x0;
	(pc) =	sbr.rel @p0 .LBB2_1-.Ltmp11, $4  }
0x571: {  	[sflag:s11] =	ssyncadd.s32 $0xFFFFCE00  }
0x572: {  	_ =	swait.ge [sflag:s14], $0x3200  }
0x573: {  	[sflag:s14] =	ssyncset.done $0x0  }
0x574: {  	[sflag:s14] =	ssyncadd.s32 $0xFFFFCE00  }
0x575: {  	_ =	sfence.sel $0x180000  }
0x576: {  	[bflag:$0x0] =	sbarrier.arrive $0xFFFF  }
0x577: {  	p0 =	sne.s32 s0, $0x0;
	_ =	strace $0x90000047  }
0x578: {  	s0 =	sadd.s32 @!p0 $0x100000, s2;
	[bflag:$0x2] =	sbarrier.arrive $0xFFFF  }
0x579: {  	[sflag:s0] =	ssyncadd.tile.s32 @!p0 $0x1;
	_ =	shalt  }
.Lfunc_end2:
_tile_overlayer_lowered:
.L_overlay_start_2:
0x57a: {  	(tag) =	ssettag $0x2  }
0x57b: {  	s0 =	rddreg [dreg:$0x0];
	s2 =	stileid.u32  }
0x57c: {  	s1 =	rddreg [dreg:$0x1];
	p0 =	sne.s32 s2, $0x0  }
0x57d: {  	s3 =	rddreg [dreg:$0x2];
	[bflag:$0x3] =	sbarrier.arrive $0xFFFF;
	s2 =	simm.s32 @!p0 $0x1C05  }
0x57e: {  	[timem:s3], [sflag:s2] =	dma.local @!p0 [hbm:s0], s1  }
0x57f: {  	s0 =	simm.s32 @!p0 $0x5  }
0x580: {  	_ =	swait.ge @!p0 [sflag:s0], s1  }
0x581: {  	s1 =	ssub.s32 @!p0 $0x0, s1;
	[sflag:s0] =	ssyncset.done @!p0 $0x0  }
0x582: {  	[sflag:s0] =	ssyncadd.s32 @!p0 s1  }
0x583: {  	[bflag:$0x3] =	sbarrier.arrive $0xFFFF  }
0x584: {  	_ =	shalt  }

</sc_bundles>
